<compile_context>
chip_gen: v7x
topology: tpu7x:2x2x1
jax: 0.10.2.dev20260603
libtpu: 0.0.44.dev20260713+nightly
codegen_flags: <defaults>
</compile_context>

<pallas_src>
import functools

import jax
import jax.numpy as jnp
from jax import lax
from jax.experimental import pallas as pl
from jax.experimental.pallas import tpu as pltpu
from jax.experimental.pallas import tpu_sc as plsc

_N = 10000
_E = 160000
_DIN = 256
_H = 128
_NG = 16
_NOUT = 14

_NC = 2
_NS = 16
_NW = _NC * _NS
_CH = 64
_CHUNKS = 80
_HC = 40
_NBUF = 4
_EPAD = _NW * _CHUNKS * _CH
_NP = 10240
_STRIPE = _NP // _NS

_BLK = 1024
_GRID = 10



def _pipe_loop(p_hbm, src_hbm, dst_hbm, w, sidx, didx, acc_sh, rows2,
               sems, extra=None):
    for half in range(2):
        hbase = half * _HC
        pltpu.sync_copy(src_hbm.at[w, pl.ds(hbase, _HC)], sidx)
        pltpu.sync_copy(dst_hbm.at[w, pl.ds(hbase, _HC)], didx)
        for b in range(_NBUF - 1):
            pltpu.async_copy(p_hbm.at[sidx.at[b]], rows2.at[b], sems[b])

        def outer(jj, carry, hbase=hbase):
            for b0 in range(_NBUF):
                j = _NBUF * jj + b0
                b = b0
                pltpu.make_async_copy(p_hbm.at[sidx.at[j]], rows2.at[b],
                                      sems[b]).wait()
                nb = (b + _NBUF - 1) % _NBUF

                @pl.when(j + _NBUF - 1 < _HC)
                def _():
                    pltpu.async_copy(p_hbm.at[sidx.at[j + _NBUF - 1]],
                                     rows2.at[nb], sems[nb])

                if extra is not None:
                    extra(hbase + j)
                pltpu.sync_copy(rows2.at[b], acc_sh.at[didx.at[j]], add=True)
            return carry

        lax.fori_loop(0, _HC // _NBUF, outer, 0)


def _sc_deg_body(dst_hbm, z1_hbm, deg_out, didx, deg_loc):
    c = lax.axis_index("c")
    s = lax.axis_index("s")
    w = c * _NS + s
    pltpu.sync_copy(z1_hbm, deg_loc)
    pltpu.sync_copy(dst_hbm.at[w], didx)
    ones = jnp.full((16,), 1.0, jnp.float32)

    def step(j, carry):
        for l in range(_CH // 16):
            iv = didx[j, pl.ds(l * 16, 16)]
            plsc.addupdate_scatter(deg_loc, [iv], ones)
        return carry

    lax.fori_loop(0, _CHUNKS, step, 0)
    pltpu.sync_copy(deg_loc, deg_out.at[w])


def _sc_body1(p_hbm, src_hbm, dst_hbm, z128_hbm,
              acc_out, acc_sh, sidx, didx, rows2, sem0, sem1, sem2, sem3):
    c = lax.axis_index("c")
    s = lax.axis_index("s")
    w = c * _NS + s
    r0 = s * _STRIPE
    pltpu.sync_copy(z128_hbm.at[pl.ds(r0, _STRIPE)],
                    acc_sh.at[pl.ds(r0, _STRIPE)])
    plsc.subcore_barrier()
    _pipe_loop(p_hbm, src_hbm, dst_hbm, w, sidx, didx, acc_sh, rows2,
               (sem0, sem1, sem2, sem3))
    plsc.subcore_barrier()
    pltpu.sync_copy(acc_sh.at[pl.ds(r0, _STRIPE)],
                    acc_out.at[c, pl.ds(r0, _STRIPE)])


@functools.cache
def _sc_kernels():
    mesh = plsc.VectorSubcoreMesh(core_axis_name="c", subcore_axis_name="s",
                                  num_cores=_NC, num_subcores=_NS)
    deg = functools.partial(
        pl.kernel,
        out_type=jax.ShapeDtypeStruct((_NW, _NP), jnp.float32),
        mesh=mesh,
        compiler_params=pltpu.CompilerParams(needs_layout_passes=False),
        scratch_types=[
            pltpu.VMEM((_CHUNKS, _CH), jnp.int32),
            pltpu.VMEM((_NP,), jnp.float32),
        ],
    )(_sc_deg_body)
    seg1 = functools.partial(
        pl.kernel,
        out_type=jax.ShapeDtypeStruct((_NC, _NP, _H), jnp.float32),
        mesh=mesh,
        scratch_types=[
            pltpu.VMEM_SHARED((_NP, _H), jnp.float32),
            pltpu.VMEM((_HC, _CH), jnp.int32),
            pltpu.VMEM((_HC, _CH), jnp.int32),
            pltpu.VMEM((_NBUF, _CH, _H), jnp.float32),
            pltpu.SemaphoreType.DMA,
            pltpu.SemaphoreType.DMA,
            pltpu.SemaphoreType.DMA,
            pltpu.SemaphoreType.DMA,
        ],
    )(_sc_body1)
    return deg, seg1


def _edge_deg(*args):
    return _sc_kernels()[0](*args)


def _edge_segsum1(*args):
    return _sc_kernels()[1](*args)



def _proj_body(x_ref, w_ref, p_ref, r_ref):
    o = jnp.dot(x_ref[...], w_ref[...], preferred_element_type=jnp.float32)
    p_ref[...] = o[:, :_H]
    r_ref[...] = o[:, _H:]


def _proj0(x, wcat):
    return pl.pallas_call(
        _proj_body,
        grid=(_GRID,),
        in_specs=[pl.BlockSpec((_BLK, _DIN), lambda i: (i, 0)),
                  pl.BlockSpec((_DIN, 2 * _H), lambda i: (0, 0))],
        out_specs=[pl.BlockSpec((_BLK, _H), lambda i: (i, 0)),
                   pl.BlockSpec((_BLK, _H), lambda i: (i, 0))],
        out_shape=[jax.ShapeDtypeStruct((_N, _H), jnp.float32),
                   jax.ShapeDtypeStruct((_N, _H), jnp.float32)],
    )(x, wcat)


def _combine(acc_ref, deg_ref, r_ref, b_ref, g_ref, be_ref):
    ssum = acc_ref[0] + acc_ref[1]
    deg = jnp.sum(deg_ref[...], axis=0)
    a = ssum / jnp.maximum(deg, 1.0)[:, None]
    t = a + b_ref[0] + r_ref[...]
    mu = jnp.mean(t, axis=-1, keepdims=True)
    var = jnp.mean((t - mu) * (t - mu), axis=-1, keepdims=True)
    h = (t - mu) * lax.rsqrt(var + 1e-5) * g_ref[0] + be_ref[0]
    return jnp.maximum(h, 0.0)


def _combine_proj_body(acc_ref, deg_ref, r_ref, b_ref, g_ref, be_ref, w_ref,
                       p_ref, r2_ref):
    h = _combine(acc_ref, deg_ref, r_ref, b_ref, g_ref, be_ref)
    o = jnp.dot(h, w_ref[...], preferred_element_type=jnp.float32)
    p_ref[...] = o[:, :_H]
    r2_ref[...] = o[:, _H:]


def _combine_proj(acc, deg8, r, b, g, be, wcat):
    return pl.pallas_call(
        _combine_proj_body,
        grid=(_GRID,),
        in_specs=[pl.BlockSpec((_NC, _BLK, _H), lambda i: (0, i, 0)),
                  pl.BlockSpec((_NW, _BLK), lambda i: (0, i)),
                  pl.BlockSpec((_BLK, _H), lambda i: (i, 0)),
                  pl.BlockSpec((1, _H), lambda i: (0, 0)),
                  pl.BlockSpec((1, _H), lambda i: (0, 0)),
                  pl.BlockSpec((1, _H), lambda i: (0, 0)),
                  pl.BlockSpec((_H, 2 * _H), lambda i: (0, 0))],
        out_specs=[pl.BlockSpec((_BLK, _H), lambda i: (i, 0)),
                   pl.BlockSpec((_BLK, _H), lambda i: (i, 0))],
        out_shape=[jax.ShapeDtypeStruct((_N, _H), jnp.float32),
                   jax.ShapeDtypeStruct((_N, _H), jnp.float32)],
    )(acc, deg8, r, b, g, be, wcat)


def _final_body(acc_ref, deg_ref, r_ref, b_ref, g_ref, be_ref, wjk_ref,
                bjk_ref, batch_ref, wfc_ref, bfc_ref, gmax_ref, out_ref):
    i = pl.program_id(0)
    h = _combine(acc_ref, deg_ref, r_ref, b_ref, g_ref, be_ref)
    ne = jnp.dot(h, wjk_ref[...], preferred_element_type=jnp.float32)
    ne = ne + bjk_ref[0]
    rid = lax.broadcasted_iota(jnp.int32, (_BLK, _H), 0) + i * _BLK
    ne = jnp.where(rid < _N, ne, -jnp.inf)
    bm = batch_ref[...]
    rows = [jnp.max(jnp.where(bm == g, ne, -jnp.inf), axis=0)
            for g in range(_NG)]
    blockmax = jnp.stack(rows)
    prev = jnp.where(i == 0,
                     jnp.full((_NG, _H), -jnp.inf, jnp.float32),
                     gmax_ref[...])
    gnew = jnp.maximum(prev, blockmax)
    gmax_ref[...] = gnew
    out_ref[...] = (jnp.dot(gnew, wfc_ref[...],
                            preferred_element_type=jnp.float32) + bfc_ref[0])


def _final(acc, deg8, r, b, g, be, wjk, bjk, batch3, wfcp, bfcp):
    return pl.pallas_call(
        _final_body,
        grid=(_GRID,),
        in_specs=[pl.BlockSpec((_NC, _BLK, _H), lambda i: (0, i, 0)),
                  pl.BlockSpec((_NW, _BLK), lambda i: (0, i)),
                  pl.BlockSpec((_BLK, _H), lambda i: (i, 0)),
                  pl.BlockSpec((1, _H), lambda i: (0, 0)),
                  pl.BlockSpec((1, _H), lambda i: (0, 0)),
                  pl.BlockSpec((1, _H), lambda i: (0, 0)),
                  pl.BlockSpec((_H, _H), lambda i: (0, 0)),
                  pl.BlockSpec((1, _H), lambda i: (0, 0)),
                  pl.BlockSpec((_BLK, _H), lambda i: (i, 0)),
                  pl.BlockSpec((_H, _H), lambda i: (0, 0)),
                  pl.BlockSpec((1, _H), lambda i: (0, 0))],
        out_specs=[pl.BlockSpec((_NG, _H), lambda i: (0, 0)),
                   pl.BlockSpec((_NG, _H), lambda i: (0, 0))],
        out_shape=[jax.ShapeDtypeStruct((_NG, _H), jnp.float32),
                   jax.ShapeDtypeStruct((_NG, _H), jnp.float32)],
    )(acc, deg8, r, b, g, be, wjk, bjk, batch3, wfcp, bfcp)



def kernel(x, edge_index, batch, Wl0, bl0, Wr0, Wl1, bl1, Wr1, g0, be0,
           g1, be1, Wjk, bjk, Wfc, bfc):
    src = edge_index[0]
    dst = edge_index[1]
    pad = _EPAD - _E
    src3 = jnp.concatenate([src, jnp.zeros((pad,), jnp.int32)]
                           ).reshape(_NW, _CHUNKS, _CH)
    dst3 = jnp.concatenate([dst, jnp.full((pad,), _N, jnp.int32)]
                           ).reshape(_NW, _CHUNKS, _CH)
    z128 = jnp.zeros((_NP, _H), jnp.float32)
    z1 = jnp.zeros((_NP,), jnp.float32)

    wcat0 = jnp.concatenate([Wl0, Wr0], axis=1)
    p0, r0 = _proj0(x, wcat0)
    deg8 = _edge_deg(dst3, z1)
    acc0 = _edge_segsum1(p0, src3, dst3, z128)

    wcat1 = jnp.concatenate([Wl1, Wr1], axis=1)
    p1, r1 = _combine_proj(acc0, deg8, r0, bl0.reshape(1, _H),
                           g0.reshape(1, _H), be0.reshape(1, _H), wcat1)
    acc1 = _edge_segsum1(p1, src3, dst3, z128)

    batchb = jnp.broadcast_to(batch[:, None], (_N, _H))
    wfcp = jnp.concatenate(
        [Wfc, jnp.zeros((_H, _H - _NOUT), jnp.float32)], axis=1)
    bfcp = jnp.concatenate(
        [bfc, jnp.zeros((_H - _NOUT,), jnp.float32)]).reshape(1, _H)
    _, logits_p = _final(acc1, deg8, r1, bl1.reshape(1, _H),
                         g1.reshape(1, _H), be1.reshape(1, _H), Wjk,
                         bjk.reshape(1, _H), batchb, wfcp, bfcp)
    logits = logits_p[:, :_NOUT]
    return logits[:, :1], logits[:, 1:]

# --- scband reference (transcript-rebuilt; emitter-appended) ---
"""Pipeline reference for scband-graph-model-24094766530844 (READ-ONLY COPY).

The authoritative reference and input builder live on the scoring server;
editing this copy changes nothing except your own understanding.
"""

import jax, jax.numpy as jnp
import numpy as np

N = 10000
E = 160000
D_IN = 256
H = 128
N_GRAPHS = 16
N_OUT = 14


def _glorot(key, shape):
    fan_in, fan_out = shape[0], shape[1]
    lim = (6.0 / (fan_in + fan_out)) ** 0.5
    return jax.random.uniform(key, shape, minval=-lim, maxval=lim, dtype=jnp.float32)


def setup_inputs(seed: int = 0):
    key = jax.random.key(seed)
    ks = jax.random.split(key, 16)
    x = jax.random.normal(ks[0], (N, D_IN), dtype=jnp.float32)
    edge_index = jax.random.randint(ks[1], (2, E), 0, N, dtype=jnp.int32)
    batch = jnp.sort(jax.random.randint(ks[2], (N,), 0, N_GRAPHS, dtype=jnp.int32))
    Wl0 = _glorot(ks[3], (D_IN, H)); bl0 = jnp.zeros((H,), jnp.float32)
    Wr0 = _glorot(ks[4], (D_IN, H))
    Wl1 = _glorot(ks[5], (H, H)); bl1 = jnp.zeros((H,), jnp.float32)
    Wr1 = _glorot(ks[6], (H, H))
    g0 = jnp.ones((H,), jnp.float32); be0 = jnp.zeros((H,), jnp.float32)
    g1 = jnp.ones((H,), jnp.float32); be1 = jnp.zeros((H,), jnp.float32)
    Wjk = _glorot(ks[7], (H, H)); bjk = jnp.zeros((H,), jnp.float32)
    Wfc = _glorot(ks[8], (H, N_OUT)); bfc = jnp.zeros((N_OUT,), jnp.float32)
    return dict(x=x, edge_index=edge_index, batch=batch, Wl0=Wl0, bl0=bl0, Wr0=Wr0,
                Wl1=Wl1, bl1=bl1, Wr1=Wr1, g0=g0, be0=be0, g1=g1, be1=be1,
                Wjk=Wjk, bjk=bjk, Wfc=Wfc, bfc=bfc)


def _sage_conv(x, src, dst, Wl, bl, Wr):
    # PyG SAGEConv with mean aggregation: out = lin_l(mean_{j->i} x_j) + lin_r(x_i)
    msg = x[src]
    s = jax.ops.segment_sum(msg, dst, num_segments=N)
    deg = jax.ops.segment_sum(jnp.ones((src.shape[0],), jnp.float32), dst, num_segments=N)
    aggr = s / jnp.maximum(deg, 1.0)[:, None]
    return aggr @ Wl + bl + x @ Wr


def _layernorm(x, g, b):
    mu = jnp.mean(x, axis=-1, keepdims=True)
    var = jnp.var(x, axis=-1, keepdims=True)
    return (x - mu) / jnp.sqrt(var + 1e-5) * g + b


def reference(x, edge_index, batch, Wl0, bl0, Wr0, Wl1, bl1, Wr1, g0, be0, g1, be1, Wjk, bjk, Wfc, bfc):
    src, dst = edge_index[0], edge_index[1]
    h = _sage_conv(x, src, dst, Wl0, bl0, Wr0)
    h = jax.nn.relu(_layernorm(h, g0, be0))
    h = _sage_conv(h, src, dst, Wl1, bl1, Wr1)
    h = jax.nn.relu(_layernorm(h, g1, be1))
    node_emb = h @ Wjk + bjk  # JumpingKnowledge 'last' + output lin
    graph_emb = jax.ops.segment_max(node_emb, batch, num_segments=N_GRAPHS)  # global_max_pool
    logits = graph_emb @ Wfc + bfc
    return logits[:, :1], logits[:, 1:]

if __name__ == "__main__":
    import jax
    _d = setup_inputs()
    print(jax.jit(kernel)(*tuple(_d.values())))

</pallas_src>

<mosaic_0001>
#map = affine_map<(d0, d1) -> (0, 0, 0)>
#map1 = affine_map<(d0, d1) -> (0)>
#map2 = affine_map<(d0, d1) -> (0, 0)>
module attributes {stable_mosaic.version = 14 : i64} {
  func.func @_sc_deg_body(%arg0: i32, %arg1: i32, %arg2: memref<32x80x64xi32, #tpu.memory_space<hbm>>, %arg3: memref<10240xf32, #tpu.memory_space<hbm>>, %arg4: memref<32x10240xf32, #tpu.memory_space<hbm>>, %arg5: memref<80x64xi32, #tpu.memory_space<vmem>>, %arg6: memref<10240xf32, #tpu.memory_space<vmem>>) attributes {dimension_semantics = [#tpu.dimension_semantics<core_parallel>, #tpu.dimension_semantics<subcore_parallel>], iteration_bounds = array<i64: 2, 16>, scalar_prefetch = 0 : i64, scratch_operands = 2 : i64, tpu.core_type = #tpu.core_type<sc_vector_subcore>, window_params = [{transform_indices = #map}, {transform_indices = #map1}, {transform_indices = #map2}]} {
    %mul3A = arith.constant 16 : i32
    %mul3A_0 = arith.muli %arg0, %mul3A : i32
    %add3A = arith.addi %mul3A_0, %arg1 : i32
    "tpu.region"() ({
      %run_scoped3A = tpu.sem_alloc : memref<!tpu.dma_semaphore, #tpu.memory_space<semaphore_mem>>
      tpu.enqueue_dma source(%arg3 : memref<10240xf32, #tpu.memory_space<hbm>>) target(%arg6 : memref<10240xf32, #tpu.memory_space<vmem>>) target_semaphore(%run_scoped3A : memref<!tpu.dma_semaphore, #tpu.memory_space<semaphore_mem>>)
      tpu.wait_dma2 semaphore(%run_scoped3A : memref<!tpu.dma_semaphore, #tpu.memory_space<semaphore_mem>>) src(%arg3 : memref<10240xf32, #tpu.memory_space<hbm>>) dst(%arg6 : memref<10240xf32, #tpu.memory_space<vmem>>)
      tpu.yield
    }) : () -> ()
    "tpu.region"() ({
      %run_scoped3A = tpu.sem_alloc : memref<!tpu.dma_semaphore, #tpu.memory_space<semaphore_mem>>
      %dma_start3A = arith.constant 0 : i32
      %dma_start3A_7 = arith.constant 0 : i32
      %dma_start3A_8 = tpu.memref_slice %arg2[%add3A, %dma_start3A, %dma_start3A_7] : memref<32x80x64xi32, #tpu.memory_space<hbm>> -> memref<1x80x64xi32, #tpu.memory_space<hbm>>
      %dma_start3A_9 = tpu.memref_squeeze %dma_start3A_8 : memref<1x80x64xi32, #tpu.memory_space<hbm>> -> memref<80x64xi32, #tpu.memory_space<hbm>>
      %dma_start3A_10 = arith.constant 0 : i32
      %dma_start3A_11 = arith.constant 0 : i32
      %dma_start3A_12 = tpu.memref_slice %arg2[%add3A, %dma_start3A_10, %dma_start3A_11] : memref<32x80x64xi32, #tpu.memory_space<hbm>> -> memref<1x80x64xi32, #tpu.memory_space<hbm>>
      %dma_start3A_13 = tpu.memref_squeeze %dma_start3A_12 : memref<1x80x64xi32, #tpu.memory_space<hbm>> -> memref<80x64xi32, #tpu.memory_space<hbm>>
      tpu.enqueue_dma source(%dma_start3A_13 : memref<80x64xi32, #tpu.memory_space<hbm>>) target(%arg5 : memref<80x64xi32, #tpu.memory_space<vmem>>) target_semaphore(%run_scoped3A : memref<!tpu.dma_semaphore, #tpu.memory_space<semaphore_mem>>)
      %dma_wait3A = arith.constant 0 : i32
      %dma_wait3A_14 = arith.constant 0 : i32
      %dma_wait3A_15 = tpu.memref_slice %arg2[%add3A, %dma_wait3A, %dma_wait3A_14] : memref<32x80x64xi32, #tpu.memory_space<hbm>> -> memref<1x80x64xi32, #tpu.memory_space<hbm>>
      %dma_wait3A_16 = tpu.memref_squeeze %dma_wait3A_15 : memref<1x80x64xi32, #tpu.memory_space<hbm>> -> memref<80x64xi32, #tpu.memory_space<hbm>>
      %dma_wait3A_17 = arith.constant 0 : i32
      %dma_wait3A_18 = arith.constant 0 : i32
      %dma_wait3A_19 = tpu.memref_slice %arg2[%add3A, %dma_wait3A_17, %dma_wait3A_18] : memref<32x80x64xi32, #tpu.memory_space<hbm>> -> memref<1x80x64xi32, #tpu.memory_space<hbm>>
      %dma_wait3A_20 = tpu.memref_squeeze %dma_wait3A_19 : memref<1x80x64xi32, #tpu.memory_space<hbm>> -> memref<80x64xi32, #tpu.memory_space<hbm>>
      tpu.wait_dma2 semaphore(%run_scoped3A : memref<!tpu.dma_semaphore, #tpu.memory_space<semaphore_mem>>) src(%dma_wait3A_20 : memref<80x64xi32, #tpu.memory_space<hbm>>) dst(%arg5 : memref<80x64xi32, #tpu.memory_space<vmem>>)
      tpu.yield
    }) : () -> ()
    %broadcast_in_dim3A = arith.constant 1.000000e+00 : f32
    %broadcast_in_dim3A_1 = vector.broadcast %broadcast_in_dim3A : f32 to vector<16xf32>
    %scan3A = arith.constant 0 : i32
    %scan3A_2 = arith.constant 0 : i32
    %scan3A_3 = arith.constant 80 : i32
    %scan3A_4 = arith.addi %scan3A_2, %scan3A_3 : i32
    %scan3A_5 = arith.constant 1 : i32
    scf.for %scan3A_7 = %scan3A_2 to %scan3A_4 step %scan3A_5  : i32 {
      %get3A = arith.index_cast %scan3A_7 : i32 to index
      %get3A_8 = arith.constant 0 : index
      %get3A_9 = tpu.vector_load %arg5[%get3A, %get3A_8] {strides = array<i32>} : memref<80x64xi32, #tpu.memory_space<vmem>>, vector<16xi32>,
      tpu.vector_store_idx %arg6[%get3A_9], %broadcast_in_dim3A_1 {add = true} : memref<10240xf32, #tpu.memory_space<vmem>>[vector<16xi32>], vector<16xf32>,
      %get3A_10 = arith.index_cast %scan3A_7 : i32 to index
      %get3A_11 = arith.constant 16 : index
      %get3A_12 = tpu.vector_load %arg5[%get3A_10, %get3A_11] {strides = array<i32>} : memref<80x64xi32, #tpu.memory_space<vmem>>, vector<16xi32>,
      tpu.vector_store_idx %arg6[%get3A_12], %broadcast_in_dim3A_1 {add = true} : memref<10240xf32, #tpu.memory_space<vmem>>[vector<16xi32>], vector<16xf32>,
      %get3A_13 = arith.index_cast %scan3A_7 : i32 to index
      %get3A_14 = arith.constant 32 : index
      %get3A_15 = tpu.vector_load %arg5[%get3A_13, %get3A_14] {strides = array<i32>} : memref<80x64xi32, #tpu.memory_space<vmem>>, vector<16xi32>,
      tpu.vector_store_idx %arg6[%get3A_15], %broadcast_in_dim3A_1 {add = true} : memref<10240xf32, #tpu.memory_space<vmem>>[vector<16xi32>], vector<16xf32>,
      %get3A_16 = arith.index_cast %scan3A_7 : i32 to index
      %get3A_17 = arith.constant 48 : index
      %get3A_18 = tpu.vector_load %arg5[%get3A_16, %get3A_17] {strides = array<i32>} : memref<80x64xi32, #tpu.memory_space<vmem>>, vector<16xi32>,
      tpu.vector_store_idx %arg6[%get3A_18], %broadcast_in_dim3A_1 {add = true} : memref<10240xf32, #tpu.memory_space<vmem>>[vector<16xi32>], vector<16xf32>,
    }
    %scan3A_6 = arith.constant 80 : i32
    "tpu.region"() ({
      %run_scoped3A = tpu.sem_alloc : memref<!tpu.dma_semaphore, #tpu.memory_space<semaphore_mem>>
      %dma_start3A = arith.constant 0 : i32
      %dma_start3A_7 = tpu.memref_slice %arg4[%add3A, %dma_start3A] : memref<32x10240xf32, #tpu.memory_space<hbm>> -> memref<1x10240xf32, #tpu.memory_space<hbm>>
      %dma_start3A_8 = tpu.memref_squeeze %dma_start3A_7 : memref<1x10240xf32, #tpu.memory_space<hbm>> -> memref<10240xf32, #tpu.memory_space<hbm>>
      %dma_start3A_9 = arith.constant 0 : i32
      %dma_start3A_10 = tpu.memref_slice %arg4[%add3A, %dma_start3A_9] : memref<32x10240xf32, #tpu.memory_space<hbm>> -> memref<1x10240xf32, #tpu.memory_space<hbm>>
      %dma_start3A_11 = tpu.memref_squeeze %dma_start3A_10 : memref<1x10240xf32, #tpu.memory_space<hbm>> -> memref<10240xf32, #tpu.memory_space<hbm>>
      tpu.enqueue_dma source(%arg6 : memref<10240xf32, #tpu.memory_space<vmem>>) target(%dma_start3A_11 : memref<10240xf32, #tpu.memory_space<hbm>>) target_semaphore(%run_scoped3A : memref<!tpu.dma_semaphore, #tpu.memory_space<semaphore_mem>>)
      %dma_wait3A = arith.constant 0 : i32
      %dma_wait3A_12 = tpu.memref_slice %arg4[%add3A, %dma_wait3A] : memref<32x10240xf32, #tpu.memory_space<hbm>> -> memref<1x10240xf32, #tpu.memory_space<hbm>>
      %dma_wait3A_13 = tpu.memref_squeeze %dma_wait3A_12 : memref<1x10240xf32, #tpu.memory_space<hbm>> -> memref<10240xf32, #tpu.memory_space<hbm>>
      %dma_wait3A_14 = arith.constant 0 : i32
      %dma_wait3A_15 = tpu.memref_slice %arg4[%add3A, %dma_wait3A_14] : memref<32x10240xf32, #tpu.memory_space<hbm>> -> memref<1x10240xf32, #tpu.memory_space<hbm>>
      %dma_wait3A_16 = tpu.memref_squeeze %dma_wait3A_15 : memref<1x10240xf32, #tpu.memory_space<hbm>> -> memref<10240xf32, #tpu.memory_space<hbm>>
      tpu.wait_dma2 semaphore(%run_scoped3A : memref<!tpu.dma_semaphore, #tpu.memory_space<semaphore_mem>>) src(%arg6 : memref<10240xf32, #tpu.memory_space<vmem>>) dst(%dma_wait3A_16 : memref<10240xf32, #tpu.memory_space<hbm>>)
      tpu.yield
    }) : () -> ()
    return
  }
}

#map = affine_map<(d0, d1) -> (0, 0)>
#map1 = affine_map<(d0, d1) -> (0, 0, 0)>
module attributes {stable_mosaic.version = 14 : i64} {
  func.func @_sc_body1(%arg0: i32, %arg1: i32, %arg2: memref<10000x128xf32, #tpu.memory_space<hbm>>, %arg3: memref<32x80x64xi32, #tpu.memory_space<hbm>>, %arg4: memref<32x80x64xi32, #tpu.memory_space<hbm>>, %arg5: memref<10240x128xf32, #tpu.memory_space<hbm>>, %arg6: memref<2x10240x128xf32, #tpu.memory_space<hbm>>, %arg7: memref<10240x128xf32, #tpu.memory_space<vmem_shared>>, %arg8: memref<40x64xi32, #tpu.memory_space<vmem>>, %arg9: memref<40x64xi32, #tpu.memory_space<vmem>>, %arg10: memref<4x64x128xf32, #tpu.memory_space<vmem>>, %arg11: memref<!tpu.dma_semaphore, #tpu.memory_space<semaphore_mem>>, %arg12: memref<!tpu.dma_semaphore, #tpu.memory_space<semaphore_mem>>, %arg13: memref<!tpu.dma_semaphore, #tpu.memory_space<semaphore_mem>>, %arg14: memref<!tpu.dma_semaphore, #tpu.memory_space<semaphore_mem>>) attributes {dimension_semantics = [#tpu.dimension_semantics<core_parallel>, #tpu.dimension_semantics<subcore_parallel>], iteration_bounds = array<i64: 2, 16>, scalar_prefetch = 0 : i64, scratch_operands = 8 : i64, tpu.core_type = #tpu.core_type<sc_vector_subcore>, window_params = [{transform_indices = #map}, {transform_indices = #map1}, {transform_indices = #map1}, {transform_indices = #map}, {transform_indices = #map1}]} {
    %mul3A = arith.constant 16 : i32
    %mul3A_0 = arith.muli %arg0, %mul3A : i32
    %add3A = arith.addi %mul3A_0, %arg1 : i32
    %mul3A_1 = arith.constant 640 : i32
    %mul3A_2 = arith.muli %arg1, %mul3A_1 : i32
    "tpu.region"() ({
      %run_scoped3A = tpu.sem_alloc : memref<!tpu.dma_semaphore, #tpu.memory_space<semaphore_mem>>
      %dma_start3A_86 = arith.constant 0 : i32
      %dma_start3A_87 = tpu.memref_slice %arg7[%mul3A_2, %dma_start3A_86] : memref<10240x128xf32, #tpu.memory_space<vmem_shared>> -> memref<640x128xf32, #tpu.memory_space<vmem_shared>>
      %dma_start3A_88 = arith.constant 0 : i32
      %dma_start3A_89 = tpu.memref_slice %arg5[%mul3A_2, %dma_start3A_88] : memref<10240x128xf32, #tpu.memory_space<hbm>> -> memref<640x128xf32, #tpu.memory_space<hbm>>
      tpu.enqueue_dma source(%dma_start3A_89 : memref<640x128xf32, #tpu.memory_space<hbm>>) target(%dma_start3A_87 : memref<640x128xf32, #tpu.memory_space<vmem_shared>>) target_semaphore(%run_scoped3A : memref<!tpu.dma_semaphore, #tpu.memory_space<semaphore_mem>>)
      %dma_wait3A = arith.constant 0 : i32
      %dma_wait3A_90 = tpu.memref_slice %arg7[%mul3A_2, %dma_wait3A] : memref<10240x128xf32, #tpu.memory_space<vmem_shared>> -> memref<640x128xf32, #tpu.memory_space<vmem_shared>>
      %dma_wait3A_91 = arith.constant 0 : i32
      %dma_wait3A_92 = tpu.memref_slice %arg5[%mul3A_2, %dma_wait3A_91] : memref<10240x128xf32, #tpu.memory_space<hbm>> -> memref<640x128xf32, #tpu.memory_space<hbm>>
      tpu.wait_dma2 semaphore(%run_scoped3A : memref<!tpu.dma_semaphore, #tpu.memory_space<semaphore_mem>>) src(%dma_wait3A_92 : memref<640x128xf32, #tpu.memory_space<hbm>>) dst(%dma_wait3A_90 : memref<640x128xf32, #tpu.memory_space<vmem_shared>>)
      tpu.yield
    }) : () -> ()
    %barrier3A = arith.constant 0 : index
    tpu.barrier barrier_id(%barrier3A)
    "tpu.region"() ({
      %run_scoped3A = tpu.sem_alloc : memref<!tpu.dma_semaphore, #tpu.memory_space<semaphore_mem>>
      %dma_start3A_86 = arith.constant 0 : i32
      %dma_start3A_87 = arith.constant 0 : i32
      %dma_start3A_88 = tpu.memref_slice %arg3[%add3A, %dma_start3A_86, %dma_start3A_87] : memref<32x80x64xi32, #tpu.memory_space<hbm>> -> memref<1x40x64xi32, #tpu.memory_space<hbm>>
      %dma_start3A_89 = tpu.memref_squeeze %dma_start3A_88 : memref<1x40x64xi32, #tpu.memory_space<hbm>> -> memref<40x64xi32, #tpu.memory_space<hbm>>
      %dma_start3A_90 = arith.constant 0 : i32
      %dma_start3A_91 = arith.constant 0 : i32
      %dma_start3A_92 = tpu.memref_slice %arg3[%add3A, %dma_start3A_90, %dma_start3A_91] : memref<32x80x64xi32, #tpu.memory_space<hbm>> -> memref<1x40x64xi32, #tpu.memory_space<hbm>>
      %dma_start3A_93 = tpu.memref_squeeze %dma_start3A_92 : memref<1x40x64xi32, #tpu.memory_space<hbm>> -> memref<40x64xi32, #tpu.memory_space<hbm>>
      tpu.enqueue_dma source(%dma_start3A_93 : memref<40x64xi32, #tpu.memory_space<hbm>>) target(%arg8 : memref<40x64xi32, #tpu.memory_space<vmem>>) target_semaphore(%run_scoped3A : memref<!tpu.dma_semaphore, #tpu.memory_space<semaphore_mem>>)
      %dma_wait3A = arith.constant 0 : i32
      %dma_wait3A_94 = arith.constant 0 : i32
      %dma_wait3A_95 = tpu.memref_slice %arg3[%add3A, %dma_wait3A, %dma_wait3A_94] : memref<32x80x64xi32, #tpu.memory_space<hbm>> -> memref<1x40x64xi32, #tpu.memory_space<hbm>>
      %dma_wait3A_96 = tpu.memref_squeeze %dma_wait3A_95 : memref<1x40x64xi32, #tpu.memory_space<hbm>> -> memref<40x64xi32, #tpu.memory_space<hbm>>
      %dma_wait3A_97 = arith.constant 0 : i32
      %dma_wait3A_98 = arith.constant 0 : i32
      %dma_wait3A_99 = tpu.memref_slice %arg3[%add3A, %dma_wait3A_97, %dma_wait3A_98] : memref<32x80x64xi32, #tpu.memory_space<hbm>> -> memref<1x40x64xi32, #tpu.memory_space<hbm>>
      %dma_wait3A_100 = tpu.memref_squeeze %dma_wait3A_99 : memref<1x40x64xi32, #tpu.memory_space<hbm>> -> memref<40x64xi32, #tpu.memory_space<hbm>>
      tpu.wait_dma2 semaphore(%run_scoped3A : memref<!tpu.dma_semaphore, #tpu.memory_space<semaphore_mem>>) src(%dma_wait3A_100 : memref<40x64xi32, #tpu.memory_space<hbm>>) dst(%arg8 : memref<40x64xi32, #tpu.memory_space<vmem>>)
      tpu.yield
    }) : () -> ()
    "tpu.region"() ({
      %run_scoped3A = tpu.sem_alloc : memref<!tpu.dma_semaphore, #tpu.memory_space<semaphore_mem>>
      %dma_start3A_86 = arith.constant 0 : i32
      %dma_start3A_87 = arith.constant 0 : i32
      %dma_start3A_88 = tpu.memref_slice %arg4[%add3A, %dma_start3A_86, %dma_start3A_87] : memref<32x80x64xi32, #tpu.memory_space<hbm>> -> memref<1x40x64xi32, #tpu.memory_space<hbm>>
      %dma_start3A_89 = tpu.memref_squeeze %dma_start3A_88 : memref<1x40x64xi32, #tpu.memory_space<hbm>> -> memref<40x64xi32, #tpu.memory_space<hbm>>
      %dma_start3A_90 = arith.constant 0 : i32
      %dma_start3A_91 = arith.constant 0 : i32
      %dma_start3A_92 = tpu.memref_slice %arg4[%add3A, %dma_start3A_90, %dma_start3A_91] : memref<32x80x64xi32, #tpu.memory_space<hbm>> -> memref<1x40x64xi32, #tpu.memory_space<hbm>>
      %dma_start3A_93 = tpu.memref_squeeze %dma_start3A_92 : memref<1x40x64xi32, #tpu.memory_space<hbm>> -> memref<40x64xi32, #tpu.memory_space<hbm>>
      tpu.enqueue_dma source(%dma_start3A_93 : memref<40x64xi32, #tpu.memory_space<hbm>>) target(%arg9 : memref<40x64xi32, #tpu.memory_space<vmem>>) target_semaphore(%run_scoped3A : memref<!tpu.dma_semaphore, #tpu.memory_space<semaphore_mem>>)
      %dma_wait3A = arith.constant 0 : i32
      %dma_wait3A_94 = arith.constant 0 : i32
      %dma_wait3A_95 = tpu.memref_slice %arg4[%add3A, %dma_wait3A, %dma_wait3A_94] : memref<32x80x64xi32, #tpu.memory_space<hbm>> -> memref<1x40x64xi32, #tpu.memory_space<hbm>>
      %dma_wait3A_96 = tpu.memref_squeeze %dma_wait3A_95 : memref<1x40x64xi32, #tpu.memory_space<hbm>> -> memref<40x64xi32, #tpu.memory_space<hbm>>
      %dma_wait3A_97 = arith.constant 0 : i32
      %dma_wait3A_98 = arith.constant 0 : i32
      %dma_wait3A_99 = tpu.memref_slice %arg4[%add3A, %dma_wait3A_97, %dma_wait3A_98] : memref<32x80x64xi32, #tpu.memory_space<hbm>> -> memref<1x40x64xi32, #tpu.memory_space<hbm>>
      %dma_wait3A_100 = tpu.memref_squeeze %dma_wait3A_99 : memref<1x40x64xi32, #tpu.memory_space<hbm>> -> memref<40x64xi32, #tpu.memory_space<hbm>>
      tpu.wait_dma2 semaphore(%run_scoped3A : memref<!tpu.dma_semaphore, #tpu.memory_space<semaphore_mem>>) src(%dma_wait3A_100 : memref<40x64xi32, #tpu.memory_space<hbm>>) dst(%arg9 : memref<40x64xi32, #tpu.memory_space<vmem>>)
      tpu.yield
    }) : () -> ()
    %dma_start3A = arith.constant 0 : i32
    %dma_start3A_3 = arith.constant 0 : i32
    %dma_start3A_4 = arith.constant 0 : i32
    %dma_start3A_5 = arith.constant 0 : i32
    %dma_start3A_6 = tpu.memref_slice %arg10[%dma_start3A_3, %dma_start3A_4, %dma_start3A_5] : memref<4x64x128xf32, #tpu.memory_space<vmem>> -> memref<1x64x128xf32, #tpu.memory_space<vmem>>
    %dma_start3A_7 = tpu.memref_squeeze %dma_start3A_6 : memref<1x64x128xf32, #tpu.memory_space<vmem>> -> memref<64x128xf32, #tpu.memory_space<vmem>>
    %dma_start3A_8 = arith.constant 0 : i32
    %dma_start3A_9 = tpu.memref_slice %arg8[%dma_start3A, %dma_start3A_8] : memref<40x64xi32, #tpu.memory_space<vmem>> -> memref<1x64xi32, #tpu.memory_space<vmem>>
    %dma_start3A_10 = tpu.memref_squeeze %dma_start3A_9 : memref<1x64xi32, #tpu.memory_space<vmem>> -> memref<64xi32, #tpu.memory_space<vmem>>
    %dma_start3A_11 = arith.constant 0 : i32
    %dma_start3A_12 = arith.constant 0 : i32
    %dma_start3A_13 = tpu.memref_slice %arg2[%dma_start3A_11, %dma_start3A_12] : memref<10000x128xf32, #tpu.memory_space<hbm>> -> memref<10000x128xf32, #tpu.memory_space<hbm>>
    tpu.enqueue_indirect_dma source(%dma_start3A_13 : memref<10000x128xf32, #tpu.memory_space<hbm>>) target(%dma_start3A_7 : memref<64x128xf32, #tpu.memory_space<vmem>>) offsets(%dma_start3A_10 : memref<64xi32, #tpu.memory_space<vmem>>) semaphore(%arg11 : memref<!tpu.dma_semaphore, #tpu.memory_space<semaphore_mem>>)
    %dma_start3A_14 = arith.constant 1 : i32
    %dma_start3A_15 = arith.constant 1 : i32
    %dma_start3A_16 = arith.constant 0 : i32
    %dma_start3A_17 = arith.constant 0 : i32
    %dma_start3A_18 = tpu.memref_slice %arg10[%dma_start3A_15, %dma_start3A_16, %dma_start3A_17] : memref<4x64x128xf32, #tpu.memory_space<vmem>> -> memref<1x64x128xf32, #tpu.memory_space<vmem>>
    %dma_start3A_19 = tpu.memref_squeeze %dma_start3A_18 : memref<1x64x128xf32, #tpu.memory_space<vmem>> -> memref<64x128xf32, #tpu.memory_space<vmem>>
    %dma_start3A_20 = arith.constant 0 : i32
    %dma_start3A_21 = tpu.memref_slice %arg8[%dma_start3A_14, %dma_start3A_20] : memref<40x64xi32, #tpu.memory_space<vmem>> -> memref<1x64xi32, #tpu.memory_space<vmem>>
    %dma_start3A_22 = tpu.memref_squeeze %dma_start3A_21 : memref<1x64xi32, #tpu.memory_space<vmem>> -> memref<64xi32, #tpu.memory_space<vmem>>
    %dma_start3A_23 = arith.constant 0 : i32
    %dma_start3A_24 = arith.constant 0 : i32
    %dma_start3A_25 = tpu.memref_slice %arg2[%dma_start3A_23, %dma_start3A_24] : memref<10000x128xf32, #tpu.memory_space<hbm>> -> memref<10000x128xf32, #tpu.memory_space<hbm>>
    tpu.enqueue_indirect_dma source(%dma_start3A_25 : memref<10000x128xf32, #tpu.memory_space<hbm>>) target(%dma_start3A_19 : memref<64x128xf32, #tpu.memory_space<vmem>>) offsets(%dma_start3A_22 : memref<64xi32, #tpu.memory_space<vmem>>) semaphore(%arg12 : memref<!tpu.dma_semaphore, #tpu.memory_space<semaphore_mem>>)
    %dma_start3A_26 = arith.constant 2 : i32
    %dma_start3A_27 = arith.constant 2 : i32
    %dma_start3A_28 = arith.constant 0 : i32
    %dma_start3A_29 = arith.constant 0 : i32
    %dma_start3A_30 = tpu.memref_slice %arg10[%dma_start3A_27, %dma_start3A_28, %dma_start3A_29] : memref<4x64x128xf32, #tpu.memory_space<vmem>> -> memref<1x64x128xf32, #tpu.memory_space<vmem>>
    %dma_start3A_31 = tpu.memref_squeeze %dma_start3A_30 : memref<1x64x128xf32, #tpu.memory_space<vmem>> -> memref<64x128xf32, #tpu.memory_space<vmem>>
    %dma_start3A_32 = arith.constant 0 : i32
    %dma_start3A_33 = tpu.memref_slice %arg8[%dma_start3A_26, %dma_start3A_32] : memref<40x64xi32, #tpu.memory_space<vmem>> -> memref<1x64xi32, #tpu.memory_space<vmem>>
    %dma_start3A_34 = tpu.memref_squeeze %dma_start3A_33 : memref<1x64xi32, #tpu.memory_space<vmem>> -> memref<64xi32, #tpu.memory_space<vmem>>
    %dma_start3A_35 = arith.constant 0 : i32
    %dma_start3A_36 = arith.constant 0 : i32
    %dma_start3A_37 = tpu.memref_slice %arg2[%dma_start3A_35, %dma_start3A_36] : memref<10000x128xf32, #tpu.memory_space<hbm>> -> memref<10000x128xf32, #tpu.memory_space<hbm>>
    tpu.enqueue_indirect_dma source(%dma_start3A_37 : memref<10000x128xf32, #tpu.memory_space<hbm>>) target(%dma_start3A_31 : memref<64x128xf32, #tpu.memory_space<vmem>>) offsets(%dma_start3A_34 : memref<64xi32, #tpu.memory_space<vmem>>) semaphore(%arg13 : memref<!tpu.dma_semaphore, #tpu.memory_space<semaphore_mem>>)
    %scan3A = arith.constant 0 : i32
    %scan3A_38 = arith.constant 0 : i32
    %scan3A_39 = arith.constant 10 : i32
    %scan3A_40 = arith.addi %scan3A_38, %scan3A_39 : i32
    %scan3A_41 = arith.constant 1 : i32
    scf.for %scan3A_86 = %scan3A_38 to %scan3A_40 step %scan3A_41  : i32 {
      %mul3A_87 = arith.constant 4 : i32
      %mul3A_88 = arith.muli %mul3A_87, %scan3A_86 : i32
      %add3A_89 = arith.constant 0 : i32
      %add3A_90 = arith.addi %mul3A_88, %add3A_89 : i32
      %dma_wait3A = arith.constant 0 : i32
      %dma_wait3A_91 = arith.constant 0 : i32
      %dma_wait3A_92 = arith.constant 0 : i32
      %dma_wait3A_93 = tpu.memref_slice %arg10[%dma_wait3A, %dma_wait3A_91, %dma_wait3A_92] : memref<4x64x128xf32, #tpu.memory_space<vmem>> -> memref<1x64x128xf32, #tpu.memory_space<vmem>>
      %dma_wait3A_94 = tpu.memref_squeeze %dma_wait3A_93 : memref<1x64x128xf32, #tpu.memory_space<vmem>> -> memref<64x128xf32, #tpu.memory_space<vmem>>
      %dma_wait3A_95 = arith.constant 0 : i32
      %dma_wait3A_96 = tpu.memref_slice %arg8[%add3A_90, %dma_wait3A_95] : memref<40x64xi32, #tpu.memory_space<vmem>> -> memref<1x64xi32, #tpu.memory_space<vmem>>
      %dma_wait3A_97 = tpu.memref_squeeze %dma_wait3A_96 : memref<1x64xi32, #tpu.memory_space<vmem>> -> memref<64xi32, #tpu.memory_space<vmem>>
      %dma_wait3A_98 = arith.constant 0 : i32
      %dma_wait3A_99 = arith.constant 0 : i32
      %dma_wait3A_100 = tpu.memref_slice %arg2[%dma_wait3A_98, %dma_wait3A_99] : memref<10000x128xf32, #tpu.memory_space<hbm>> -> memref<10000x128xf32, #tpu.memory_space<hbm>>
      tpu.wait_indirect_dma semaphore(%arg11 : memref<!tpu.dma_semaphore, #tpu.memory_space<semaphore_mem>>) src(%dma_wait3A_100 : memref<10000x128xf32, #tpu.memory_space<hbm>>) dst(%dma_wait3A_94 : memref<64x128xf32, #tpu.memory_space<vmem>>)
      %add3A_101 = arith.constant 4 : i32
      %add3A_102 = arith.addi %add3A_90, %add3A_101 : i32
      %sub3A = arith.constant 1 : i32
      %sub3A_103 = arith.subi %add3A_102, %sub3A : i32
      %lt3A = arith.constant 40 : i32
      %lt3A_104 = arith.cmpi slt, %sub3A_103, %lt3A : i32
      %convert_element_type3A = arith.extui %lt3A_104 : i1 to i32
      %cond3A = arith.constant 0 : i32
      %cond3A_105 = arith.cmpi ne, %convert_element_type3A, %cond3A : i32
      scf.if %cond3A_105 {
        %add3A_181 = arith.constant 4 : i32
        %add3A_182 = arith.addi %add3A_90, %add3A_181 : i32
        %sub3A_183 = arith.constant 1 : i32
        %sub3A_184 = arith.subi %add3A_182, %sub3A_183 : i32
        %dma_start3A_185 = arith.constant 3 : i32
        %dma_start3A_186 = arith.constant 0 : i32
        %dma_start3A_187 = arith.constant 0 : i32
        %dma_start3A_188 = tpu.memref_slice %arg10[%dma_start3A_185, %dma_start3A_186, %dma_start3A_187] : memref<4x64x128xf32, #tpu.memory_space<vmem>> -> memref<1x64x128xf32, #tpu.memory_space<vmem>>
        %dma_start3A_189 = tpu.memref_squeeze %dma_start3A_188 : memref<1x64x128xf32, #tpu.memory_space<vmem>> -> memref<64x128xf32, #tpu.memory_space<vmem>>
        %dma_start3A_190 = arith.constant 0 : i32
        %dma_start3A_191 = tpu.memref_slice %arg8[%sub3A_184, %dma_start3A_190] : memref<40x64xi32, #tpu.memory_space<vmem>> -> memref<1x64xi32, #tpu.memory_space<vmem>>
        %dma_start3A_192 = tpu.memref_squeeze %dma_start3A_191 : memref<1x64xi32, #tpu.memory_space<vmem>> -> memref<64xi32, #tpu.memory_space<vmem>>
        %dma_start3A_193 = arith.constant 0 : i32
        %dma_start3A_194 = arith.constant 0 : i32
        %dma_start3A_195 = tpu.memref_slice %arg2[%dma_start3A_193, %dma_start3A_194] : memref<10000x128xf32, #tpu.memory_space<hbm>> -> memref<10000x128xf32, #tpu.memory_space<hbm>>
        tpu.enqueue_indirect_dma source(%dma_start3A_195 : memref<10000x128xf32, #tpu.memory_space<hbm>>) target(%dma_start3A_189 : memref<64x128xf32, #tpu.memory_space<vmem>>) offsets(%dma_start3A_192 : memref<64xi32, #tpu.memory_space<vmem>>) semaphore(%arg14 : memref<!tpu.dma_semaphore, #tpu.memory_space<semaphore_mem>>)
      } else {
      }
      %run_scoped3A = arith.constant 0 : i32
      "tpu.region"() ({
        %run_scoped3A_181 = tpu.sem_alloc : memref<!tpu.dma_semaphore, #tpu.memory_space<semaphore_mem>>
        %dma_start3A_182 = arith.constant 0 : i32
        %dma_start3A_183 = arith.constant 0 : i32
        %dma_start3A_184 = tpu.memref_slice %arg10[%run_scoped3A, %dma_start3A_182, %dma_start3A_183] : memref<4x64x128xf32, #tpu.memory_space<vmem>> -> memref<1x64x128xf32, #tpu.memory_space<vmem>>
        %dma_start3A_185 = tpu.memref_squeeze %dma_start3A_184 : memref<1x64x128xf32, #tpu.memory_space<vmem>> -> memref<64x128xf32, #tpu.memory_space<vmem>>
        %dma_start3A_186 = arith.constant 0 : i32
        %dma_start3A_187 = tpu.memref_slice %arg9[%add3A_90, %dma_start3A_186] : memref<40x64xi32, #tpu.memory_space<vmem>> -> memref<1x64xi32, #tpu.memory_space<vmem>>
        %dma_start3A_188 = tpu.memref_squeeze %dma_start3A_187 : memref<1x64xi32, #tpu.memory_space<vmem>> -> memref<64xi32, #tpu.memory_space<vmem>>
        %dma_start3A_189 = arith.constant 0 : i32
        %dma_start3A_190 = arith.constant 0 : i32
        %dma_start3A_191 = tpu.memref_slice %arg7[%dma_start3A_189, %dma_start3A_190] : memref<10240x128xf32, #tpu.memory_space<vmem_shared>> -> memref<10240x128xf32, #tpu.memory_space<vmem_shared>>
        tpu.enqueue_indirect_dma source(%dma_start3A_185 : memref<64x128xf32, #tpu.memory_space<vmem>>) target(%dma_start3A_191 : memref<10240x128xf32, #tpu.memory_space<vmem_shared>>) offsets(%dma_start3A_188 : memref<64xi32, #tpu.memory_space<vmem>>) semaphore(%run_scoped3A_181 : memref<!tpu.dma_semaphore, #tpu.memory_space<semaphore_mem>>) {add = true}
        %dma_wait3A_192 = arith.constant 0 : i32
        %dma_wait3A_193 = arith.constant 0 : i32
        %dma_wait3A_194 = tpu.memref_slice %arg10[%run_scoped3A, %dma_wait3A_192, %dma_wait3A_193] : memref<4x64x128xf32, #tpu.memory_space<vmem>> -> memref<1x64x128xf32, #tpu.memory_space<vmem>>
        %dma_wait3A_195 = tpu.memref_squeeze %dma_wait3A_194 : memref<1x64x128xf32, #tpu.memory_space<vmem>> -> memref<64x128xf32, #tpu.memory_space<vmem>>
        %dma_wait3A_196 = arith.constant 0 : i32
        %dma_wait3A_197 = tpu.memref_slice %arg9[%add3A_90, %dma_wait3A_196] : memref<40x64xi32, #tpu.memory_space<vmem>> -> memref<1x64xi32, #tpu.memory_space<vmem>>
        %dma_wait3A_198 = tpu.memref_squeeze %dma_wait3A_197 : memref<1x64xi32, #tpu.memory_space<vmem>> -> memref<64xi32, #tpu.memory_space<vmem>>
        %dma_wait3A_199 = arith.constant 0 : i32
        %dma_wait3A_200 = arith.constant 0 : i32
        %dma_wait3A_201 = tpu.memref_slice %arg7[%dma_wait3A_199, %dma_wait3A_200] : memref<10240x128xf32, #tpu.memory_space<vmem_shared>> -> memref<10240x128xf32, #tpu.memory_space<vmem_shared>>
        tpu.wait_indirect_dma semaphore(%run_scoped3A_181 : memref<!tpu.dma_semaphore, #tpu.memory_space<semaphore_mem>>) src(%dma_wait3A_195 : memref<64x128xf32, #tpu.memory_space<vmem>>) dst(%dma_wait3A_201 : memref<10240x128xf32, #tpu.memory_space<vmem_shared>>)
        tpu.yield
      }) : () -> ()
      %mul3A_106 = arith.constant 4 : i32
      %mul3A_107 = arith.muli %mul3A_106, %scan3A_86 : i32
      %add3A_108 = arith.constant 1 : i32
      %add3A_109 = arith.addi %mul3A_107, %add3A_108 : i32
      %dma_wait3A_110 = arith.constant 1 : i32
      %dma_wait3A_111 = arith.constant 0 : i32
      %dma_wait3A_112 = arith.constant 0 : i32
      %dma_wait3A_113 = tpu.memref_slice %arg10[%dma_wait3A_110, %dma_wait3A_111, %dma_wait3A_112] : memref<4x64x128xf32, #tpu.memory_space<vmem>> -> memref<1x64x128xf32, #tpu.memory_space<vmem>>
      %dma_wait3A_114 = tpu.memref_squeeze %dma_wait3A_113 : memref<1x64x128xf32, #tpu.memory_space<vmem>> -> memref<64x128xf32, #tpu.memory_space<vmem>>
      %dma_wait3A_115 = arith.constant 0 : i32
      %dma_wait3A_116 = tpu.memref_slice %arg8[%add3A_109, %dma_wait3A_115] : memref<40x64xi32, #tpu.memory_space<vmem>> -> memref<1x64xi32, #tpu.memory_space<vmem>>
      %dma_wait3A_117 = tpu.memref_squeeze %dma_wait3A_116 : memref<1x64xi32, #tpu.memory_space<vmem>> -> memref<64xi32, #tpu.memory_space<vmem>>
      %dma_wait3A_118 = arith.constant 0 : i32
      %dma_wait3A_119 = arith.constant 0 : i32
      %dma_wait3A_120 = tpu.memref_slice %arg2[%dma_wait3A_118, %dma_wait3A_119] : memref<10000x128xf32, #tpu.memory_space<hbm>> -> memref<10000x128xf32, #tpu.memory_space<hbm>>
      tpu.wait_indirect_dma semaphore(%arg12 : memref<!tpu.dma_semaphore, #tpu.memory_space<semaphore_mem>>) src(%dma_wait3A_120 : memref<10000x128xf32, #tpu.memory_space<hbm>>) dst(%dma_wait3A_114 : memref<64x128xf32, #tpu.memory_space<vmem>>)
      %add3A_121 = arith.constant 4 : i32
      %add3A_122 = arith.addi %add3A_109, %add3A_121 : i32
      %sub3A_123 = arith.constant 1 : i32
      %sub3A_124 = arith.subi %add3A_122, %sub3A_123 : i32
      %lt3A_125 = arith.constant 40 : i32
      %lt3A_126 = arith.cmpi slt, %sub3A_124, %lt3A_125 : i32
      %convert_element_type3A_127 = arith.extui %lt3A_126 : i1 to i32
      %cond3A_128 = arith.constant 0 : i32
      %cond3A_129 = arith.cmpi ne, %convert_element_type3A_127, %cond3A_128 : i32
      scf.if %cond3A_129 {
        %add3A_181 = arith.constant 4 : i32
        %add3A_182 = arith.addi %add3A_109, %add3A_181 : i32
        %sub3A_183 = arith.constant 1 : i32
        %sub3A_184 = arith.subi %add3A_182, %sub3A_183 : i32
        %dma_start3A_185 = arith.constant 0 : i32
        %dma_start3A_186 = arith.constant 0 : i32
        %dma_start3A_187 = arith.constant 0 : i32
        %dma_start3A_188 = tpu.memref_slice %arg10[%dma_start3A_185, %dma_start3A_186, %dma_start3A_187] : memref<4x64x128xf32, #tpu.memory_space<vmem>> -> memref<1x64x128xf32, #tpu.memory_space<vmem>>
        %dma_start3A_189 = tpu.memref_squeeze %dma_start3A_188 : memref<1x64x128xf32, #tpu.memory_space<vmem>> -> memref<64x128xf32, #tpu.memory_space<vmem>>
        %dma_start3A_190 = arith.constant 0 : i32
        %dma_start3A_191 = tpu.memref_slice %arg8[%sub3A_184, %dma_start3A_190] : memref<40x64xi32, #tpu.memory_space<vmem>> -> memref<1x64xi32, #tpu.memory_space<vmem>>
        %dma_start3A_192 = tpu.memref_squeeze %dma_start3A_191 : memref<1x64xi32, #tpu.memory_space<vmem>> -> memref<64xi32, #tpu.memory_space<vmem>>
        %dma_start3A_193 = arith.constant 0 : i32
        %dma_start3A_194 = arith.constant 0 : i32
        %dma_start3A_195 = tpu.memref_slice %arg2[%dma_start3A_193, %dma_start3A_194] : memref<10000x128xf32, #tpu.memory_space<hbm>> -> memref<10000x128xf32, #tpu.memory_space<hbm>>
        tpu.enqueue_indirect_dma source(%dma_start3A_195 : memref<10000x128xf32, #tpu.memory_space<hbm>>) target(%dma_start3A_189 : memref<64x128xf32, #tpu.memory_space<vmem>>) offsets(%dma_start3A_192 : memref<64xi32, #tpu.memory_space<vmem>>) semaphore(%arg11 : memref<!tpu.dma_semaphore, #tpu.memory_space<semaphore_mem>>)
      } else {
      }
      %run_scoped3A_130 = arith.constant 1 : i32
      "tpu.region"() ({
        %run_scoped3A_181 = tpu.sem_alloc : memref<!tpu.dma_semaphore, #tpu.memory_space<semaphore_mem>>
        %dma_start3A_182 = arith.constant 0 : i32
        %dma_start3A_183 = arith.constant 0 : i32
        %dma_start3A_184 = tpu.memref_slice %arg10[%run_scoped3A_130, %dma_start3A_182, %dma_start3A_183] : memref<4x64x128xf32, #tpu.memory_space<vmem>> -> memref<1x64x128xf32, #tpu.memory_space<vmem>>
        %dma_start3A_185 = tpu.memref_squeeze %dma_start3A_184 : memref<1x64x128xf32, #tpu.memory_space<vmem>> -> memref<64x128xf32, #tpu.memory_space<vmem>>
        %dma_start3A_186 = arith.constant 0 : i32
        %dma_start3A_187 = tpu.memref_slice %arg9[%add3A_109, %dma_start3A_186] : memref<40x64xi32, #tpu.memory_space<vmem>> -> memref<1x64xi32, #tpu.memory_space<vmem>>
        %dma_start3A_188 = tpu.memref_squeeze %dma_start3A_187 : memref<1x64xi32, #tpu.memory_space<vmem>> -> memref<64xi32, #tpu.memory_space<vmem>>
        %dma_start3A_189 = arith.constant 0 : i32
        %dma_start3A_190 = arith.constant 0 : i32
        %dma_start3A_191 = tpu.memref_slice %arg7[%dma_start3A_189, %dma_start3A_190] : memref<10240x128xf32, #tpu.memory_space<vmem_shared>> -> memref<10240x128xf32, #tpu.memory_space<vmem_shared>>
        tpu.enqueue_indirect_dma source(%dma_start3A_185 : memref<64x128xf32, #tpu.memory_space<vmem>>) target(%dma_start3A_191 : memref<10240x128xf32, #tpu.memory_space<vmem_shared>>) offsets(%dma_start3A_188 : memref<64xi32, #tpu.memory_space<vmem>>) semaphore(%run_scoped3A_181 : memref<!tpu.dma_semaphore, #tpu.memory_space<semaphore_mem>>) {add = true}
        %dma_wait3A_192 = arith.constant 0 : i32
        %dma_wait3A_193 = arith.constant 0 : i32
        %dma_wait3A_194 = tpu.memref_slice %arg10[%run_scoped3A_130, %dma_wait3A_192, %dma_wait3A_193] : memref<4x64x128xf32, #tpu.memory_space<vmem>> -> memref<1x64x128xf32, #tpu.memory_space<vmem>>
        %dma_wait3A_195 = tpu.memref_squeeze %dma_wait3A_194 : memref<1x64x128xf32, #tpu.memory_space<vmem>> -> memref<64x128xf32, #tpu.memory_space<vmem>>
        %dma_wait3A_196 = arith.constant 0 : i32
        %dma_wait3A_197 = tpu.memref_slice %arg9[%add3A_109, %dma_wait3A_196] : memref<40x64xi32, #tpu.memory_space<vmem>> -> memref<1x64xi32, #tpu.memory_space<vmem>>
        %dma_wait3A_198 = tpu.memref_squeeze %dma_wait3A_197 : memref<1x64xi32, #tpu.memory_space<vmem>> -> memref<64xi32, #tpu.memory_space<vmem>>
        %dma_wait3A_199 = arith.constant 0 : i32
        %dma_wait3A_200 = arith.constant 0 : i32
        %dma_wait3A_201 = tpu.memref_slice %arg7[%dma_wait3A_199, %dma_wait3A_200] : memref<10240x128xf32, #tpu.memory_space<vmem_shared>> -> memref<10240x128xf32, #tpu.memory_space<vmem_shared>>
        tpu.wait_indirect_dma semaphore(%run_scoped3A_181 : memref<!tpu.dma_semaphore, #tpu.memory_space<semaphore_mem>>) src(%dma_wait3A_195 : memref<64x128xf32, #tpu.memory_space<vmem>>) dst(%dma_wait3A_201 : memref<10240x128xf32, #tpu.memory_space<vmem_shared>>)
        tpu.yield
      }) : () -> ()
      %mul3A_131 = arith.constant 4 : i32
      %mul3A_132 = arith.muli %mul3A_131, %scan3A_86 : i32
      %add3A_133 = arith.constant 2 : i32
      %add3A_134 = arith.addi %mul3A_132, %add3A_133 : i32
      %dma_wait3A_135 = arith.constant 2 : i32
      %dma_wait3A_136 = arith.constant 0 : i32
      %dma_wait3A_137 = arith.constant 0 : i32
      %dma_wait3A_138 = tpu.memref_slice %arg10[%dma_wait3A_135, %dma_wait3A_136, %dma_wait3A_137] : memref<4x64x128xf32, #tpu.memory_space<vmem>> -> memref<1x64x128xf32, #tpu.memory_space<vmem>>
      %dma_wait3A_139 = tpu.memref_squeeze %dma_wait3A_138 : memref<1x64x128xf32, #tpu.memory_space<vmem>> -> memref<64x128xf32, #tpu.memory_space<vmem>>
      %dma_wait3A_140 = arith.constant 0 : i32
      %dma_wait3A_141 = tpu.memref_slice %arg8[%add3A_134, %dma_wait3A_140] : memref<40x64xi32, #tpu.memory_space<vmem>> -> memref<1x64xi32, #tpu.memory_space<vmem>>
      %dma_wait3A_142 = tpu.memref_squeeze %dma_wait3A_141 : memref<1x64xi32, #tpu.memory_space<vmem>> -> memref<64xi32, #tpu.memory_space<vmem>>
      %dma_wait3A_143 = arith.constant 0 : i32
      %dma_wait3A_144 = arith.constant 0 : i32
      %dma_wait3A_145 = tpu.memref_slice %arg2[%dma_wait3A_143, %dma_wait3A_144] : memref<10000x128xf32, #tpu.memory_space<hbm>> -> memref<10000x128xf32, #tpu.memory_space<hbm>>
      tpu.wait_indirect_dma semaphore(%arg13 : memref<!tpu.dma_semaphore, #tpu.memory_space<semaphore_mem>>) src(%dma_wait3A_145 : memref<10000x128xf32, #tpu.memory_space<hbm>>) dst(%dma_wait3A_139 : memref<64x128xf32, #tpu.memory_space<vmem>>)
      %add3A_146 = arith.constant 4 : i32
      %add3A_147 = arith.addi %add3A_134, %add3A_146 : i32
      %sub3A_148 = arith.constant 1 : i32
      %sub3A_149 = arith.subi %add3A_147, %sub3A_148 : i32
      %lt3A_150 = arith.constant 40 : i32
      %lt3A_151 = arith.cmpi slt, %sub3A_149, %lt3A_150 : i32
      %convert_element_type3A_152 = arith.extui %lt3A_151 : i1 to i32
      %cond3A_153 = arith.constant 0 : i32
      %cond3A_154 = arith.cmpi ne, %convert_element_type3A_152, %cond3A_153 : i32
      scf.if %cond3A_154 {
        %add3A_181 = arith.constant 4 : i32
        %add3A_182 = arith.addi %add3A_134, %add3A_181 : i32
        %sub3A_183 = arith.constant 1 : i32
        %sub3A_184 = arith.subi %add3A_182, %sub3A_183 : i32
        %dma_start3A_185 = arith.constant 1 : i32
        %dma_start3A_186 = arith.constant 0 : i32
        %dma_start3A_187 = arith.constant 0 : i32
        %dma_start3A_188 = tpu.memref_slice %arg10[%dma_start3A_185, %dma_start3A_186, %dma_start3A_187] : memref<4x64x128xf32, #tpu.memory_space<vmem>> -> memref<1x64x128xf32, #tpu.memory_space<vmem>>
        %dma_start3A_189 = tpu.memref_squeeze %dma_start3A_188 : memref<1x64x128xf32, #tpu.memory_space<vmem>> -> memref<64x128xf32, #tpu.memory_space<vmem>>
        %dma_start3A_190 = arith.constant 0 : i32
        %dma_start3A_191 = tpu.memref_slice %arg8[%sub3A_184, %dma_start3A_190] : memref<40x64xi32, #tpu.memory_space<vmem>> -> memref<1x64xi32, #tpu.memory_space<vmem>>
        %dma_start3A_192 = tpu.memref_squeeze %dma_start3A_191 : memref<1x64xi32, #tpu.memory_space<vmem>> -> memref<64xi32, #tpu.memory_space<vmem>>
        %dma_start3A_193 = arith.constant 0 : i32
        %dma_start3A_194 = arith.constant 0 : i32
        %dma_start3A_195 = tpu.memref_slice %arg2[%dma_start3A_193, %dma_start3A_194] : memref<10000x128xf32, #tpu.memory_space<hbm>> -> memref<10000x128xf32, #tpu.memory_space<hbm>>
        tpu.enqueue_indirect_dma source(%dma_start3A_195 : memref<10000x128xf32, #tpu.memory_space<hbm>>) target(%dma_start3A_189 : memref<64x128xf32, #tpu.memory_space<vmem>>) offsets(%dma_start3A_192 : memref<64xi32, #tpu.memory_space<vmem>>) semaphore(%arg12 : memref<!tpu.dma_semaphore, #tpu.memory_space<semaphore_mem>>)
      } else {
      }
      %run_scoped3A_155 = arith.constant 2 : i32
      "tpu.region"() ({
        %run_scoped3A_181 = tpu.sem_alloc : memref<!tpu.dma_semaphore, #tpu.memory_space<semaphore_mem>>
        %dma_start3A_182 = arith.constant 0 : i32
        %dma_start3A_183 = arith.constant 0 : i32
        %dma_start3A_184 = tpu.memref_slice %arg10[%run_scoped3A_155, %dma_start3A_182, %dma_start3A_183] : memref<4x64x128xf32, #tpu.memory_space<vmem>> -> memref<1x64x128xf32, #tpu.memory_space<vmem>>
        %dma_start3A_185 = tpu.memref_squeeze %dma_start3A_184 : memref<1x64x128xf32, #tpu.memory_space<vmem>> -> memref<64x128xf32, #tpu.memory_space<vmem>>
        %dma_start3A_186 = arith.constant 0 : i32
        %dma_start3A_187 = tpu.memref_slice %arg9[%add3A_134, %dma_start3A_186] : memref<40x64xi32, #tpu.memory_space<vmem>> -> memref<1x64xi32, #tpu.memory_space<vmem>>
        %dma_start3A_188 = tpu.memref_squeeze %dma_start3A_187 : memref<1x64xi32, #tpu.memory_space<vmem>> -> memref<64xi32, #tpu.memory_space<vmem>>
        %dma_start3A_189 = arith.constant 0 : i32
        %dma_start3A_190 = arith.constant 0 : i32
        %dma_start3A_191 = tpu.memref_slice %arg7[%dma_start3A_189, %dma_start3A_190] : memref<10240x128xf32, #tpu.memory_space<vmem_shared>> -> memref<10240x128xf32, #tpu.memory_space<vmem_shared>>
        tpu.enqueue_indirect_dma source(%dma_start3A_185 : memref<64x128xf32, #tpu.memory_space<vmem>>) target(%dma_start3A_191 : memref<10240x128xf32, #tpu.memory_space<vmem_shared>>) offsets(%dma_start3A_188 : memref<64xi32, #tpu.memory_space<vmem>>) semaphore(%run_scoped3A_181 : memref<!tpu.dma_semaphore, #tpu.memory_space<semaphore_mem>>) {add = true}
        %dma_wait3A_192 = arith.constant 0 : i32
        %dma_wait3A_193 = arith.constant 0 : i32
        %dma_wait3A_194 = tpu.memref_slice %arg10[%run_scoped3A_155, %dma_wait3A_192, %dma_wait3A_193] : memref<4x64x128xf32, #tpu.memory_space<vmem>> -> memref<1x64x128xf32, #tpu.memory_space<vmem>>
        %dma_wait3A_195 = tpu.memref_squeeze %dma_wait3A_194 : memref<1x64x128xf32, #tpu.memory_space<vmem>> -> memref<64x128xf32, #tpu.memory_space<vmem>>
        %dma_wait3A_196 = arith.constant 0 : i32
        %dma_wait3A_197 = tpu.memref_slice %arg9[%add3A_134, %dma_wait3A_196] : memref<40x64xi32, #tpu.memory_space<vmem>> -> memref<1x64xi32, #tpu.memory_space<vmem>>
        %dma_wait3A_198 = tpu.memref_squeeze %dma_wait3A_197 : memref<1x64xi32, #tpu.memory_space<vmem>> -> memref<64xi32, #tpu.memory_space<vmem>>
        %dma_wait3A_199 = arith.constant 0 : i32
        %dma_wait3A_200 = arith.constant 0 : i32
        %dma_wait3A_201 = tpu.memref_slice %arg7[%dma_wait3A_199, %dma_wait3A_200] : memref<10240x128xf32, #tpu.memory_space<vmem_shared>> -> memref<10240x128xf32, #tpu.memory_space<vmem_shared>>
        tpu.wait_indirect_dma semaphore(%run_scoped3A_181 : memref<!tpu.dma_semaphore, #tpu.memory_space<semaphore_mem>>) src(%dma_wait3A_195 : memref<64x128xf32, #tpu.memory_space<vmem>>) dst(%dma_wait3A_201 : memref<10240x128xf32, #tpu.memory_space<vmem_shared>>)
        tpu.yield
      }) : () -> ()
      %mul3A_156 = arith.constant 4 : i32
      %mul3A_157 = arith.muli %mul3A_156, %scan3A_86 : i32
      %add3A_158 = arith.constant 3 : i32
      %add3A_159 = arith.addi %mul3A_157, %add3A_158 : i32
      %dma_wait3A_160 = arith.constant 3 : i32
      %dma_wait3A_161 = arith.constant 0 : i32
      %dma_wait3A_162 = arith.constant 0 : i32
      %dma_wait3A_163 = tpu.memref_slice %arg10[%dma_wait3A_160, %dma_wait3A_161, %dma_wait3A_162] : memref<4x64x128xf32, #tpu.memory_space<vmem>> -> memref<1x64x128xf32, #tpu.memory_space<vmem>>
      %dma_wait3A_164 = tpu.memref_squeeze %dma_wait3A_163 : memref<1x64x128xf32, #tpu.memory_space<vmem>> -> memref<64x128xf32, #tpu.memory_space<vmem>>
      %dma_wait3A_165 = arith.constant 0 : i32
      %dma_wait3A_166 = tpu.memref_slice %arg8[%add3A_159, %dma_wait3A_165] : memref<40x64xi32, #tpu.memory_space<vmem>> -> memref<1x64xi32, #tpu.memory_space<vmem>>
      %dma_wait3A_167 = tpu.memref_squeeze %dma_wait3A_166 : memref<1x64xi32, #tpu.memory_space<vmem>> -> memref<64xi32, #tpu.memory_space<vmem>>
      %dma_wait3A_168 = arith.constant 0 : i32
      %dma_wait3A_169 = arith.constant 0 : i32
      %dma_wait3A_170 = tpu.memref_slice %arg2[%dma_wait3A_168, %dma_wait3A_169] : memref<10000x128xf32, #tpu.memory_space<hbm>> -> memref<10000x128xf32, #tpu.memory_space<hbm>>
      tpu.wait_indirect_dma semaphore(%arg14 : memref<!tpu.dma_semaphore, #tpu.memory_space<semaphore_mem>>) src(%dma_wait3A_170 : memref<10000x128xf32, #tpu.memory_space<hbm>>) dst(%dma_wait3A_164 : memref<64x128xf32, #tpu.memory_space<vmem>>)
      %add3A_171 = arith.constant 4 : i32
      %add3A_172 = arith.addi %add3A_159, %add3A_171 : i32
      %sub3A_173 = arith.constant 1 : i32
      %sub3A_174 = arith.subi %add3A_172, %sub3A_173 : i32
      %lt3A_175 = arith.constant 40 : i32
      %lt3A_176 = arith.cmpi slt, %sub3A_174, %lt3A_175 : i32
      %convert_element_type3A_177 = arith.extui %lt3A_176 : i1 to i32
      %cond3A_178 = arith.constant 0 : i32
      %cond3A_179 = arith.cmpi ne, %convert_element_type3A_177, %cond3A_178 : i32
      scf.if %cond3A_179 {
        %add3A_181 = arith.constant 4 : i32
        %add3A_182 = arith.addi %add3A_159, %add3A_181 : i32
        %sub3A_183 = arith.constant 1 : i32
        %sub3A_184 = arith.subi %add3A_182, %sub3A_183 : i32
        %dma_start3A_185 = arith.constant 2 : i32
        %dma_start3A_186 = arith.constant 0 : i32
        %dma_start3A_187 = arith.constant 0 : i32
        %dma_start3A_188 = tpu.memref_slice %arg10[%dma_start3A_185, %dma_start3A_186, %dma_start3A_187] : memref<4x64x128xf32, #tpu.memory_space<vmem>> -> memref<1x64x128xf32, #tpu.memory_space<vmem>>
        %dma_start3A_189 = tpu.memref_squeeze %dma_start3A_188 : memref<1x64x128xf32, #tpu.memory_space<vmem>> -> memref<64x128xf32, #tpu.memory_space<vmem>>
        %dma_start3A_190 = arith.constant 0 : i32
        %dma_start3A_191 = tpu.memref_slice %arg8[%sub3A_184, %dma_start3A_190] : memref<40x64xi32, #tpu.memory_space<vmem>> -> memref<1x64xi32, #tpu.memory_space<vmem>>
        %dma_start3A_192 = tpu.memref_squeeze %dma_start3A_191 : memref<1x64xi32, #tpu.memory_space<vmem>> -> memref<64xi32, #tpu.memory_space<vmem>>
        %dma_start3A_193 = arith.constant 0 : i32
        %dma_start3A_194 = arith.constant 0 : i32
        %dma_start3A_195 = tpu.memref_slice %arg2[%dma_start3A_193, %dma_start3A_194] : memref<10000x128xf32, #tpu.memory_space<hbm>> -> memref<10000x128xf32, #tpu.memory_space<hbm>>
        tpu.enqueue_indirect_dma source(%dma_start3A_195 : memref<10000x128xf32, #tpu.memory_space<hbm>>) target(%dma_start3A_189 : memref<64x128xf32, #tpu.memory_space<vmem>>) offsets(%dma_start3A_192 : memref<64xi32, #tpu.memory_space<vmem>>) semaphore(%arg13 : memref<!tpu.dma_semaphore, #tpu.memory_space<semaphore_mem>>)
      } else {
      }
      %run_scoped3A_180 = arith.constant 3 : i32
      "tpu.region"() ({
        %run_scoped3A_181 = tpu.sem_alloc : memref<!tpu.dma_semaphore, #tpu.memory_space<semaphore_mem>>
        %dma_start3A_182 = arith.constant 0 : i32
        %dma_start3A_183 = arith.constant 0 : i32
        %dma_start3A_184 = tpu.memref_slice %arg10[%run_scoped3A_180, %dma_start3A_182, %dma_start3A_183] : memref<4x64x128xf32, #tpu.memory_space<vmem>> -> memref<1x64x128xf32, #tpu.memory_space<vmem>>
        %dma_start3A_185 = tpu.memref_squeeze %dma_start3A_184 : memref<1x64x128xf32, #tpu.memory_space<vmem>> -> memref<64x128xf32, #tpu.memory_space<vmem>>
        %dma_start3A_186 = arith.constant 0 : i32
        %dma_start3A_187 = tpu.memref_slice %arg9[%add3A_159, %dma_start3A_186] : memref<40x64xi32, #tpu.memory_space<vmem>> -> memref<1x64xi32, #tpu.memory_space<vmem>>
        %dma_start3A_188 = tpu.memref_squeeze %dma_start3A_187 : memref<1x64xi32, #tpu.memory_space<vmem>> -> memref<64xi32, #tpu.memory_space<vmem>>
        %dma_start3A_189 = arith.constant 0 : i32
        %dma_start3A_190 = arith.constant 0 : i32
        %dma_start3A_191 = tpu.memref_slice %arg7[%dma_start3A_189, %dma_start3A_190] : memref<10240x128xf32, #tpu.memory_space<vmem_shared>> -> memref<10240x128xf32, #tpu.memory_space<vmem_shared>>
        tpu.enqueue_indirect_dma source(%dma_start3A_185 : memref<64x128xf32, #tpu.memory_space<vmem>>) target(%dma_start3A_191 : memref<10240x128xf32, #tpu.memory_space<vmem_shared>>) offsets(%dma_start3A_188 : memref<64xi32, #tpu.memory_space<vmem>>) semaphore(%run_scoped3A_181 : memref<!tpu.dma_semaphore, #tpu.memory_space<semaphore_mem>>) {add = true}
        %dma_wait3A_192 = arith.constant 0 : i32
        %dma_wait3A_193 = arith.constant 0 : i32
        %dma_wait3A_194 = tpu.memref_slice %arg10[%run_scoped3A_180, %dma_wait3A_192, %dma_wait3A_193] : memref<4x64x128xf32, #tpu.memory_space<vmem>> -> memref<1x64x128xf32, #tpu.memory_space<vmem>>
        %dma_wait3A_195 = tpu.memref_squeeze %dma_wait3A_194 : memref<1x64x128xf32, #tpu.memory_space<vmem>> -> memref<64x128xf32, #tpu.memory_space<vmem>>
        %dma_wait3A_196 = arith.constant 0 : i32
        %dma_wait3A_197 = tpu.memref_slice %arg9[%add3A_159, %dma_wait3A_196] : memref<40x64xi32, #tpu.memory_space<vmem>> -> memref<1x64xi32, #tpu.memory_space<vmem>>
        %dma_wait3A_198 = tpu.memref_squeeze %dma_wait3A_197 : memref<1x64xi32, #tpu.memory_space<vmem>> -> memref<64xi32, #tpu.memory_space<vmem>>
        %dma_wait3A_199 = arith.constant 0 : i32
        %dma_wait3A_200 = arith.constant 0 : i32
        %dma_wait3A_201 = tpu.memref_slice %arg7[%dma_wait3A_199, %dma_wait3A_200] : memref<10240x128xf32, #tpu.memory_space<vmem_shared>> -> memref<10240x128xf32, #tpu.memory_space<vmem_shared>>
        tpu.wait_indirect_dma semaphore(%run_scoped3A_181 : memref<!tpu.dma_semaphore, #tpu.memory_space<semaphore_mem>>) src(%dma_wait3A_195 : memref<64x128xf32, #tpu.memory_space<vmem>>) dst(%dma_wait3A_201 : memref<10240x128xf32, #tpu.memory_space<vmem_shared>>)
        tpu.yield
      }) : () -> ()
    }
    %scan3A_42 = arith.constant 10 : i32
    "tpu.region"() ({
      %run_scoped3A = tpu.sem_alloc : memref<!tpu.dma_semaphore, #tpu.memory_space<semaphore_mem>>
      %dma_start3A_86 = arith.constant 40 : i32
      %dma_start3A_87 = arith.constant 0 : i32
      %dma_start3A_88 = tpu.memref_slice %arg3[%add3A, %dma_start3A_86, %dma_start3A_87] : memref<32x80x64xi32, #tpu.memory_space<hbm>> -> memref<1x40x64xi32, #tpu.memory_space<hbm>>
      %dma_start3A_89 = tpu.memref_squeeze %dma_start3A_88 : memref<1x40x64xi32, #tpu.memory_space<hbm>> -> memref<40x64xi32, #tpu.memory_space<hbm>>
      %dma_start3A_90 = arith.constant 40 : i32
      %dma_start3A_91 = arith.constant 0 : i32
      %dma_start3A_92 = tpu.memref_slice %arg3[%add3A, %dma_start3A_90, %dma_start3A_91] : memref<32x80x64xi32, #tpu.memory_space<hbm>> -> memref<1x40x64xi32, #tpu.memory_space<hbm>>
      %dma_start3A_93 = tpu.memref_squeeze %dma_start3A_92 : memref<1x40x64xi32, #tpu.memory_space<hbm>> -> memref<40x64xi32, #tpu.memory_space<hbm>>
      tpu.enqueue_dma source(%dma_start3A_93 : memref<40x64xi32, #tpu.memory_space<hbm>>) target(%arg8 : memref<40x64xi32, #tpu.memory_space<vmem>>) target_semaphore(%run_scoped3A : memref<!tpu.dma_semaphore, #tpu.memory_space<semaphore_mem>>)
      %dma_wait3A = arith.constant 40 : i32
      %dma_wait3A_94 = arith.constant 0 : i32
      %dma_wait3A_95 = tpu.memref_slice %arg3[%add3A, %dma_wait3A, %dma_wait3A_94] : memref<32x80x64xi32, #tpu.memory_space<hbm>> -> memref<1x40x64xi32, #tpu.memory_space<hbm>>
      %dma_wait3A_96 = tpu.memref_squeeze %dma_wait3A_95 : memref<1x40x64xi32, #tpu.memory_space<hbm>> -> memref<40x64xi32, #tpu.memory_space<hbm>>
      %dma_wait3A_97 = arith.constant 40 : i32
      %dma_wait3A_98 = arith.constant 0 : i32
      %dma_wait3A_99 = tpu.memref_slice %arg3[%add3A, %dma_wait3A_97, %dma_wait3A_98] : memref<32x80x64xi32, #tpu.memory_space<hbm>> -> memref<1x40x64xi32, #tpu.memory_space<hbm>>
      %dma_wait3A_100 = tpu.memref_squeeze %dma_wait3A_99 : memref<1x40x64xi32, #tpu.memory_space<hbm>> -> memref<40x64xi32, #tpu.memory_space<hbm>>
      tpu.wait_dma2 semaphore(%run_scoped3A : memref<!tpu.dma_semaphore, #tpu.memory_space<semaphore_mem>>) src(%dma_wait3A_100 : memref<40x64xi32, #tpu.memory_space<hbm>>) dst(%arg8 : memref<40x64xi32, #tpu.memory_space<vmem>>)
      tpu.yield
    }) : () -> ()
    "tpu.region"() ({
      %run_scoped3A = tpu.sem_alloc : memref<!tpu.dma_semaphore, #tpu.memory_space<semaphore_mem>>
      %dma_start3A_86 = arith.constant 40 : i32
      %dma_start3A_87 = arith.constant 0 : i32
      %dma_start3A_88 = tpu.memref_slice %arg4[%add3A, %dma_start3A_86, %dma_start3A_87] : memref<32x80x64xi32, #tpu.memory_space<hbm>> -> memref<1x40x64xi32, #tpu.memory_space<hbm>>
      %dma_start3A_89 = tpu.memref_squeeze %dma_start3A_88 : memref<1x40x64xi32, #tpu.memory_space<hbm>> -> memref<40x64xi32, #tpu.memory_space<hbm>>
      %dma_start3A_90 = arith.constant 40 : i32
      %dma_start3A_91 = arith.constant 0 : i32
      %dma_start3A_92 = tpu.memref_slice %arg4[%add3A, %dma_start3A_90, %dma_start3A_91] : memref<32x80x64xi32, #tpu.memory_space<hbm>> -> memref<1x40x64xi32, #tpu.memory_space<hbm>>
      %dma_start3A_93 = tpu.memref_squeeze %dma_start3A_92 : memref<1x40x64xi32, #tpu.memory_space<hbm>> -> memref<40x64xi32, #tpu.memory_space<hbm>>
      tpu.enqueue_dma source(%dma_start3A_93 : memref<40x64xi32, #tpu.memory_space<hbm>>) target(%arg9 : memref<40x64xi32, #tpu.memory_space<vmem>>) target_semaphore(%run_scoped3A : memref<!tpu.dma_semaphore, #tpu.memory_space<semaphore_mem>>)
      %dma_wait3A = arith.constant 40 : i32
      %dma_wait3A_94 = arith.constant 0 : i32
      %dma_wait3A_95 = tpu.memref_slice %arg4[%add3A, %dma_wait3A, %dma_wait3A_94] : memref<32x80x64xi32, #tpu.memory_space<hbm>> -> memref<1x40x64xi32, #tpu.memory_space<hbm>>
      %dma_wait3A_96 = tpu.memref_squeeze %dma_wait3A_95 : memref<1x40x64xi32, #tpu.memory_space<hbm>> -> memref<40x64xi32, #tpu.memory_space<hbm>>
      %dma_wait3A_97 = arith.constant 40 : i32
      %dma_wait3A_98 = arith.constant 0 : i32
      %dma_wait3A_99 = tpu.memref_slice %arg4[%add3A, %dma_wait3A_97, %dma_wait3A_98] : memref<32x80x64xi32, #tpu.memory_space<hbm>> -> memref<1x40x64xi32, #tpu.memory_space<hbm>>
      %dma_wait3A_100 = tpu.memref_squeeze %dma_wait3A_99 : memref<1x40x64xi32, #tpu.memory_space<hbm>> -> memref<40x64xi32, #tpu.memory_space<hbm>>
      tpu.wait_dma2 semaphore(%run_scoped3A : memref<!tpu.dma_semaphore, #tpu.memory_space<semaphore_mem>>) src(%dma_wait3A_100 : memref<40x64xi32, #tpu.memory_space<hbm>>) dst(%arg9 : memref<40x64xi32, #tpu.memory_space<vmem>>)
      tpu.yield
    }) : () -> ()
    %dma_start3A_43 = arith.constant 0 : i32
    %dma_start3A_44 = arith.constant 0 : i32
    %dma_start3A_45 = arith.constant 0 : i32
    %dma_start3A_46 = arith.constant 0 : i32
    %dma_start3A_47 = tpu.memref_slice %arg10[%dma_start3A_44, %dma_start3A_45, %dma_start3A_46] : memref<4x64x128xf32, #tpu.memory_space<vmem>> -> memref<1x64x128xf32, #tpu.memory_space<vmem>>
    %dma_start3A_48 = tpu.memref_squeeze %dma_start3A_47 : memref<1x64x128xf32, #tpu.memory_space<vmem>> -> memref<64x128xf32, #tpu.memory_space<vmem>>
    %dma_start3A_49 = arith.constant 0 : i32
    %dma_start3A_50 = tpu.memref_slice %arg8[%dma_start3A_43, %dma_start3A_49] : memref<40x64xi32, #tpu.memory_space<vmem>> -> memref<1x64xi32, #tpu.memory_space<vmem>>
    %dma_start3A_51 = tpu.memref_squeeze %dma_start3A_50 : memref<1x64xi32, #tpu.memory_space<vmem>> -> memref<64xi32, #tpu.memory_space<vmem>>
    %dma_start3A_52 = arith.constant 0 : i32
    %dma_start3A_53 = arith.constant 0 : i32
    %dma_start3A_54 = tpu.memref_slice %arg2[%dma_start3A_52, %dma_start3A_53] : memref<10000x128xf32, #tpu.memory_space<hbm>> -> memref<10000x128xf32, #tpu.memory_space<hbm>>
    tpu.enqueue_indirect_dma source(%dma_start3A_54 : memref<10000x128xf32, #tpu.memory_space<hbm>>) target(%dma_start3A_48 : memref<64x128xf32, #tpu.memory_space<vmem>>) offsets(%dma_start3A_51 : memref<64xi32, #tpu.memory_space<vmem>>) semaphore(%arg11 : memref<!tpu.dma_semaphore, #tpu.memory_space<semaphore_mem>>)
    %dma_start3A_55 = arith.constant 1 : i32
    %dma_start3A_56 = arith.constant 1 : i32
    %dma_start3A_57 = arith.constant 0 : i32
    %dma_start3A_58 = arith.constant 0 : i32
    %dma_start3A_59 = tpu.memref_slice %arg10[%dma_start3A_56, %dma_start3A_57, %dma_start3A_58] : memref<4x64x128xf32, #tpu.memory_space<vmem>> -> memref<1x64x128xf32, #tpu.memory_space<vmem>>
    %dma_start3A_60 = tpu.memref_squeeze %dma_start3A_59 : memref<1x64x128xf32, #tpu.memory_space<vmem>> -> memref<64x128xf32, #tpu.memory_space<vmem>>
    %dma_start3A_61 = arith.constant 0 : i32
    %dma_start3A_62 = tpu.memref_slice %arg8[%dma_start3A_55, %dma_start3A_61] : memref<40x64xi32, #tpu.memory_space<vmem>> -> memref<1x64xi32, #tpu.memory_space<vmem>>
    %dma_start3A_63 = tpu.memref_squeeze %dma_start3A_62 : memref<1x64xi32, #tpu.memory_space<vmem>> -> memref<64xi32, #tpu.memory_space<vmem>>
    %dma_start3A_64 = arith.constant 0 : i32
    %dma_start3A_65 = arith.constant 0 : i32
    %dma_start3A_66 = tpu.memref_slice %arg2[%dma_start3A_64, %dma_start3A_65] : memref<10000x128xf32, #tpu.memory_space<hbm>> -> memref<10000x128xf32, #tpu.memory_space<hbm>>
    tpu.enqueue_indirect_dma source(%dma_start3A_66 : memref<10000x128xf32, #tpu.memory_space<hbm>>) target(%dma_start3A_60 : memref<64x128xf32, #tpu.memory_space<vmem>>) offsets(%dma_start3A_63 : memref<64xi32, #tpu.memory_space<vmem>>) semaphore(%arg12 : memref<!tpu.dma_semaphore, #tpu.memory_space<semaphore_mem>>)
    %dma_start3A_67 = arith.constant 2 : i32
    %dma_start3A_68 = arith.constant 2 : i32
    %dma_start3A_69 = arith.constant 0 : i32
    %dma_start3A_70 = arith.constant 0 : i32
    %dma_start3A_71 = tpu.memref_slice %arg10[%dma_start3A_68, %dma_start3A_69, %dma_start3A_70] : memref<4x64x128xf32, #tpu.memory_space<vmem>> -> memref<1x64x128xf32, #tpu.memory_space<vmem>>
    %dma_start3A_72 = tpu.memref_squeeze %dma_start3A_71 : memref<1x64x128xf32, #tpu.memory_space<vmem>> -> memref<64x128xf32, #tpu.memory_space<vmem>>
    %dma_start3A_73 = arith.constant 0 : i32
    %dma_start3A_74 = tpu.memref_slice %arg8[%dma_start3A_67, %dma_start3A_73] : memref<40x64xi32, #tpu.memory_space<vmem>> -> memref<1x64xi32, #tpu.memory_space<vmem>>
    %dma_start3A_75 = tpu.memref_squeeze %dma_start3A_74 : memref<1x64xi32, #tpu.memory_space<vmem>> -> memref<64xi32, #tpu.memory_space<vmem>>
    %dma_start3A_76 = arith.constant 0 : i32
    %dma_start3A_77 = arith.constant 0 : i32
    %dma_start3A_78 = tpu.memref_slice %arg2[%dma_start3A_76, %dma_start3A_77] : memref<10000x128xf32, #tpu.memory_space<hbm>> -> memref<10000x128xf32, #tpu.memory_space<hbm>>
    tpu.enqueue_indirect_dma source(%dma_start3A_78 : memref<10000x128xf32, #tpu.memory_space<hbm>>) target(%dma_start3A_72 : memref<64x128xf32, #tpu.memory_space<vmem>>) offsets(%dma_start3A_75 : memref<64xi32, #tpu.memory_space<vmem>>) semaphore(%arg13 : memref<!tpu.dma_semaphore, #tpu.memory_space<semaphore_mem>>)
    %scan3A_79 = arith.constant 0 : i32
    %scan3A_80 = arith.constant 0 : i32
    %scan3A_81 = arith.constant 10 : i32
    %scan3A_82 = arith.addi %scan3A_80, %scan3A_81 : i32
    %scan3A_83 = arith.constant 1 : i32
    scf.for %scan3A_86 = %scan3A_80 to %scan3A_82 step %scan3A_83  : i32 {
      %mul3A_87 = arith.constant 4 : i32
      %mul3A_88 = arith.muli %mul3A_87, %scan3A_86 : i32
      %add3A_89 = arith.constant 0 : i32
      %add3A_90 = arith.addi %mul3A_88, %add3A_89 : i32
      %dma_wait3A = arith.constant 0 : i32
      %dma_wait3A_91 = arith.constant 0 : i32
      %dma_wait3A_92 = arith.constant 0 : i32
      %dma_wait3A_93 = tpu.memref_slice %arg10[%dma_wait3A, %dma_wait3A_91, %dma_wait3A_92] : memref<4x64x128xf32, #tpu.memory_space<vmem>> -> memref<1x64x128xf32, #tpu.memory_space<vmem>>
      %dma_wait3A_94 = tpu.memref_squeeze %dma_wait3A_93 : memref<1x64x128xf32, #tpu.memory_space<vmem>> -> memref<64x128xf32, #tpu.memory_space<vmem>>
      %dma_wait3A_95 = arith.constant 0 : i32
      %dma_wait3A_96 = tpu.memref_slice %arg8[%add3A_90, %dma_wait3A_95] : memref<40x64xi32, #tpu.memory_space<vmem>> -> memref<1x64xi32, #tpu.memory_space<vmem>>
      %dma_wait3A_97 = tpu.memref_squeeze %dma_wait3A_96 : memref<1x64xi32, #tpu.memory_space<vmem>> -> memref<64xi32, #tpu.memory_space<vmem>>
      %dma_wait3A_98 = arith.constant 0 : i32
      %dma_wait3A_99 = arith.constant 0 : i32
      %dma_wait3A_100 = tpu.memref_slice %arg2[%dma_wait3A_98, %dma_wait3A_99] : memref<10000x128xf32, #tpu.memory_space<hbm>> -> memref<10000x128xf32, #tpu.memory_space<hbm>>
      tpu.wait_indirect_dma semaphore(%arg11 : memref<!tpu.dma_semaphore, #tpu.memory_space<semaphore_mem>>) src(%dma_wait3A_100 : memref<10000x128xf32, #tpu.memory_space<hbm>>) dst(%dma_wait3A_94 : memref<64x128xf32, #tpu.memory_space<vmem>>)
      %add3A_101 = arith.constant 4 : i32
      %add3A_102 = arith.addi %add3A_90, %add3A_101 : i32
      %sub3A = arith.constant 1 : i32
      %sub3A_103 = arith.subi %add3A_102, %sub3A : i32
      %lt3A = arith.constant 40 : i32
      %lt3A_104 = arith.cmpi slt, %sub3A_103, %lt3A : i32
      %convert_element_type3A = arith.extui %lt3A_104 : i1 to i32
      %cond3A = arith.constant 0 : i32
      %cond3A_105 = arith.cmpi ne, %convert_element_type3A, %cond3A : i32
      scf.if %cond3A_105 {
        %add3A_181 = arith.constant 4 : i32
        %add3A_182 = arith.addi %add3A_90, %add3A_181 : i32
        %sub3A_183 = arith.constant 1 : i32
        %sub3A_184 = arith.subi %add3A_182, %sub3A_183 : i32
        %dma_start3A_185 = arith.constant 3 : i32
        %dma_start3A_186 = arith.constant 0 : i32
        %dma_start3A_187 = arith.constant 0 : i32
        %dma_start3A_188 = tpu.memref_slice %arg10[%dma_start3A_185, %dma_start3A_186, %dma_start3A_187] : memref<4x64x128xf32, #tpu.memory_space<vmem>> -> memref<1x64x128xf32, #tpu.memory_space<vmem>>
        %dma_start3A_189 = tpu.memref_squeeze %dma_start3A_188 : memref<1x64x128xf32, #tpu.memory_space<vmem>> -> memref<64x128xf32, #tpu.memory_space<vmem>>
        %dma_start3A_190 = arith.constant 0 : i32
        %dma_start3A_191 = tpu.memref_slice %arg8[%sub3A_184, %dma_start3A_190] : memref<40x64xi32, #tpu.memory_space<vmem>> -> memref<1x64xi32, #tpu.memory_space<vmem>>
        %dma_start3A_192 = tpu.memref_squeeze %dma_start3A_191 : memref<1x64xi32, #tpu.memory_space<vmem>> -> memref<64xi32, #tpu.memory_space<vmem>>
        %dma_start3A_193 = arith.constant 0 : i32
        %dma_start3A_194 = arith.constant 0 : i32
        %dma_start3A_195 = tpu.memref_slice %arg2[%dma_start3A_193, %dma_start3A_194] : memref<10000x128xf32, #tpu.memory_space<hbm>> -> memref<10000x128xf32, #tpu.memory_space<hbm>>
        tpu.enqueue_indirect_dma source(%dma_start3A_195 : memref<10000x128xf32, #tpu.memory_space<hbm>>) target(%dma_start3A_189 : memref<64x128xf32, #tpu.memory_space<vmem>>) offsets(%dma_start3A_192 : memref<64xi32, #tpu.memory_space<vmem>>) semaphore(%arg14 : memref<!tpu.dma_semaphore, #tpu.memory_space<semaphore_mem>>)
      } else {
      }
      %run_scoped3A = arith.constant 0 : i32
      "tpu.region"() ({
        %run_scoped3A_181 = tpu.sem_alloc : memref<!tpu.dma_semaphore, #tpu.memory_space<semaphore_mem>>
        %dma_start3A_182 = arith.constant 0 : i32
        %dma_start3A_183 = arith.constant 0 : i32
        %dma_start3A_184 = tpu.memref_slice %arg10[%run_scoped3A, %dma_start3A_182, %dma_start3A_183] : memref<4x64x128xf32, #tpu.memory_space<vmem>> -> memref<1x64x128xf32, #tpu.memory_space<vmem>>
        %dma_start3A_185 = tpu.memref_squeeze %dma_start3A_184 : memref<1x64x128xf32, #tpu.memory_space<vmem>> -> memref<64x128xf32, #tpu.memory_space<vmem>>
        %dma_start3A_186 = arith.constant 0 : i32
        %dma_start3A_187 = tpu.memref_slice %arg9[%add3A_90, %dma_start3A_186] : memref<40x64xi32, #tpu.memory_space<vmem>> -> memref<1x64xi32, #tpu.memory_space<vmem>>
        %dma_start3A_188 = tpu.memref_squeeze %dma_start3A_187 : memref<1x64xi32, #tpu.memory_space<vmem>> -> memref<64xi32, #tpu.memory_space<vmem>>
        %dma_start3A_189 = arith.constant 0 : i32
        %dma_start3A_190 = arith.constant 0 : i32
        %dma_start3A_191 = tpu.memref_slice %arg7[%dma_start3A_189, %dma_start3A_190] : memref<10240x128xf32, #tpu.memory_space<vmem_shared>> -> memref<10240x128xf32, #tpu.memory_space<vmem_shared>>
        tpu.enqueue_indirect_dma source(%dma_start3A_185 : memref<64x128xf32, #tpu.memory_space<vmem>>) target(%dma_start3A_191 : memref<10240x128xf32, #tpu.memory_space<vmem_shared>>) offsets(%dma_start3A_188 : memref<64xi32, #tpu.memory_space<vmem>>) semaphore(%run_scoped3A_181 : memref<!tpu.dma_semaphore, #tpu.memory_space<semaphore_mem>>) {add = true}
        %dma_wait3A_192 = arith.constant 0 : i32
        %dma_wait3A_193 = arith.constant 0 : i32
        %dma_wait3A_194 = tpu.memref_slice %arg10[%run_scoped3A, %dma_wait3A_192, %dma_wait3A_193] : memref<4x64x128xf32, #tpu.memory_space<vmem>> -> memref<1x64x128xf32, #tpu.memory_space<vmem>>
        %dma_wait3A_195 = tpu.memref_squeeze %dma_wait3A_194 : memref<1x64x128xf32, #tpu.memory_space<vmem>> -> memref<64x128xf32, #tpu.memory_space<vmem>>
        %dma_wait3A_196 = arith.constant 0 : i32
        %dma_wait3A_197 = tpu.memref_slice %arg9[%add3A_90, %dma_wait3A_196] : memref<40x64xi32, #tpu.memory_space<vmem>> -> memref<1x64xi32, #tpu.memory_space<vmem>>
        %dma_wait3A_198 = tpu.memref_squeeze %dma_wait3A_197 : memref<1x64xi32, #tpu.memory_space<vmem>> -> memref<64xi32, #tpu.memory_space<vmem>>
        %dma_wait3A_199 = arith.constant 0 : i32
        %dma_wait3A_200 = arith.constant 0 : i32
        %dma_wait3A_201 = tpu.memref_slice %arg7[%dma_wait3A_199, %dma_wait3A_200] : memref<10240x128xf32, #tpu.memory_space<vmem_shared>> -> memref<10240x128xf32, #tpu.memory_space<vmem_shared>>
        tpu.wait_indirect_dma semaphore(%run_scoped3A_181 : memref<!tpu.dma_semaphore, #tpu.memory_space<semaphore_mem>>) src(%dma_wait3A_195 : memref<64x128xf32, #tpu.memory_space<vmem>>) dst(%dma_wait3A_201 : memref<10240x128xf32, #tpu.memory_space<vmem_shared>>)
        tpu.yield
      }) : () -> ()
      %mul3A_106 = arith.constant 4 : i32
      %mul3A_107 = arith.muli %mul3A_106, %scan3A_86 : i32
      %add3A_108 = arith.constant 1 : i32
      %add3A_109 = arith.addi %mul3A_107, %add3A_108 : i32
      %dma_wait3A_110 = arith.constant 1 : i32
      %dma_wait3A_111 = arith.constant 0 : i32
      %dma_wait3A_112 = arith.constant 0 : i32
      %dma_wait3A_113 = tpu.memref_slice %arg10[%dma_wait3A_110, %dma_wait3A_111, %dma_wait3A_112] : memref<4x64x128xf32, #tpu.memory_space<vmem>> -> memref<1x64x128xf32, #tpu.memory_space<vmem>>
      %dma_wait3A_114 = tpu.memref_squeeze %dma_wait3A_113 : memref<1x64x128xf32, #tpu.memory_space<vmem>> -> memref<64x128xf32, #tpu.memory_space<vmem>>
      %dma_wait3A_115 = arith.constant 0 : i32
      %dma_wait3A_116 = tpu.memref_slice %arg8[%add3A_109, %dma_wait3A_115] : memref<40x64xi32, #tpu.memory_space<vmem>> -> memref<1x64xi32, #tpu.memory_space<vmem>>
      %dma_wait3A_117 = tpu.memref_squeeze %dma_wait3A_116 : memref<1x64xi32, #tpu.memory_space<vmem>> -> memref<64xi32, #tpu.memory_space<vmem>>
      %dma_wait3A_118 = arith.constant 0 : i32
      %dma_wait3A_119 = arith.constant 0 : i32
      %dma_wait3A_120 = tpu.memref_slice %arg2[%dma_wait3A_118, %dma_wait3A_119] : memref<10000x128xf32, #tpu.memory_space<hbm>> -> memref<10000x128xf32, #tpu.memory_space<hbm>>
      tpu.wait_indirect_dma semaphore(%arg12 : memref<!tpu.dma_semaphore, #tpu.memory_space<semaphore_mem>>) src(%dma_wait3A_120 : memref<10000x128xf32, #tpu.memory_space<hbm>>) dst(%dma_wait3A_114 : memref<64x128xf32, #tpu.memory_space<vmem>>)
      %add3A_121 = arith.constant 4 : i32
      %add3A_122 = arith.addi %add3A_109, %add3A_121 : i32
      %sub3A_123 = arith.constant 1 : i32
      %sub3A_124 = arith.subi %add3A_122, %sub3A_123 : i32
      %lt3A_125 = arith.constant 40 : i32
      %lt3A_126 = arith.cmpi slt, %sub3A_124, %lt3A_125 : i32
      %convert_element_type3A_127 = arith.extui %lt3A_126 : i1 to i32
      %cond3A_128 = arith.constant 0 : i32
      %cond3A_129 = arith.cmpi ne, %convert_element_type3A_127, %cond3A_128 : i32
      scf.if %cond3A_129 {
        %add3A_181 = arith.constant 4 : i32
        %add3A_182 = arith.addi %add3A_109, %add3A_181 : i32
        %sub3A_183 = arith.constant 1 : i32
        %sub3A_184 = arith.subi %add3A_182, %sub3A_183 : i32
        %dma_start3A_185 = arith.constant 0 : i32
        %dma_start3A_186 = arith.constant 0 : i32
        %dma_start3A_187 = arith.constant 0 : i32
        %dma_start3A_188 = tpu.memref_slice %arg10[%dma_start3A_185, %dma_start3A_186, %dma_start3A_187] : memref<4x64x128xf32, #tpu.memory_space<vmem>> -> memref<1x64x128xf32, #tpu.memory_space<vmem>>
        %dma_start3A_189 = tpu.memref_squeeze %dma_start3A_188 : memref<1x64x128xf32, #tpu.memory_space<vmem>> -> memref<64x128xf32, #tpu.memory_space<vmem>>
        %dma_start3A_190 = arith.constant 0 : i32
        %dma_start3A_191 = tpu.memref_slice %arg8[%sub3A_184, %dma_start3A_190] : memref<40x64xi32, #tpu.memory_space<vmem>> -> memref<1x64xi32, #tpu.memory_space<vmem>>
        %dma_start3A_192 = tpu.memref_squeeze %dma_start3A_191 : memref<1x64xi32, #tpu.memory_space<vmem>> -> memref<64xi32, #tpu.memory_space<vmem>>
        %dma_start3A_193 = arith.constant 0 : i32
        %dma_start3A_194 = arith.constant 0 : i32
        %dma_start3A_195 = tpu.memref_slice %arg2[%dma_start3A_193, %dma_start3A_194] : memref<10000x128xf32, #tpu.memory_space<hbm>> -> memref<10000x128xf32, #tpu.memory_space<hbm>>
        tpu.enqueue_indirect_dma source(%dma_start3A_195 : memref<10000x128xf32, #tpu.memory_space<hbm>>) target(%dma_start3A_189 : memref<64x128xf32, #tpu.memory_space<vmem>>) offsets(%dma_start3A_192 : memref<64xi32, #tpu.memory_space<vmem>>) semaphore(%arg11 : memref<!tpu.dma_semaphore, #tpu.memory_space<semaphore_mem>>)
      } else {
      }
      %run_scoped3A_130 = arith.constant 1 : i32
      "tpu.region"() ({
        %run_scoped3A_181 = tpu.sem_alloc : memref<!tpu.dma_semaphore, #tpu.memory_space<semaphore_mem>>
        %dma_start3A_182 = arith.constant 0 : i32
        %dma_start3A_183 = arith.constant 0 : i32
        %dma_start3A_184 = tpu.memref_slice %arg10[%run_scoped3A_130, %dma_start3A_182, %dma_start3A_183] : memref<4x64x128xf32, #tpu.memory_space<vmem>> -> memref<1x64x128xf32, #tpu.memory_space<vmem>>
        %dma_start3A_185 = tpu.memref_squeeze %dma_start3A_184 : memref<1x64x128xf32, #tpu.memory_space<vmem>> -> memref<64x128xf32, #tpu.memory_space<vmem>>
        %dma_start3A_186 = arith.constant 0 : i32
        %dma_start3A_187 = tpu.memref_slice %arg9[%add3A_109, %dma_start3A_186] : memref<40x64xi32, #tpu.memory_space<vmem>> -> memref<1x64xi32, #tpu.memory_space<vmem>>
        %dma_start3A_188 = tpu.memref_squeeze %dma_start3A_187 : memref<1x64xi32, #tpu.memory_space<vmem>> -> memref<64xi32, #tpu.memory_space<vmem>>
        %dma_start3A_189 = arith.constant 0 : i32
        %dma_start3A_190 = arith.constant 0 : i32
        %dma_start3A_191 = tpu.memref_slice %arg7[%dma_start3A_189, %dma_start3A_190] : memref<10240x128xf32, #tpu.memory_space<vmem_shared>> -> memref<10240x128xf32, #tpu.memory_space<vmem_shared>>
        tpu.enqueue_indirect_dma source(%dma_start3A_185 : memref<64x128xf32, #tpu.memory_space<vmem>>) target(%dma_start3A_191 : memref<10240x128xf32, #tpu.memory_space<vmem_shared>>) offsets(%dma_start3A_188 : memref<64xi32, #tpu.memory_space<vmem>>) semaphore(%run_scoped3A_181 : memref<!tpu.dma_semaphore, #tpu.memory_space<semaphore_mem>>) {add = true}
        %dma_wait3A_192 = arith.constant 0 : i32
        %dma_wait3A_193 = arith.constant 0 : i32
        %dma_wait3A_194 = tpu.memref_slice %arg10[%run_scoped3A_130, %dma_wait3A_192, %dma_wait3A_193] : memref<4x64x128xf32, #tpu.memory_space<vmem>> -> memref<1x64x128xf32, #tpu.memory_space<vmem>>
        %dma_wait3A_195 = tpu.memref_squeeze %dma_wait3A_194 : memref<1x64x128xf32, #tpu.memory_space<vmem>> -> memref<64x128xf32, #tpu.memory_space<vmem>>
        %dma_wait3A_196 = arith.constant 0 : i32
        %dma_wait3A_197 = tpu.memref_slice %arg9[%add3A_109, %dma_wait3A_196] : memref<40x64xi32, #tpu.memory_space<vmem>> -> memref<1x64xi32, #tpu.memory_space<vmem>>
        %dma_wait3A_198 = tpu.memref_squeeze %dma_wait3A_197 : memref<1x64xi32, #tpu.memory_space<vmem>> -> memref<64xi32, #tpu.memory_space<vmem>>
        %dma_wait3A_199 = arith.constant 0 : i32
        %dma_wait3A_200 = arith.constant 0 : i32
        %dma_wait3A_201 = tpu.memref_slice %arg7[%dma_wait3A_199, %dma_wait3A_200] : memref<10240x128xf32, #tpu.memory_space<vmem_shared>> -> memref<10240x128xf32, #tpu.memory_space<vmem_shared>>
        tpu.wait_indirect_dma semaphore(%run_scoped3A_181 : memref<!tpu.dma_semaphore, #tpu.memory_space<semaphore_mem>>) src(%dma_wait3A_195 : memref<64x128xf32, #tpu.memory_space<vmem>>) dst(%dma_wait3A_201 : memref<10240x128xf32, #tpu.memory_space<vmem_shared>>)
        tpu.yield
      }) : () -> ()
      %mul3A_131 = arith.constant 4 : i32
      %mul3A_132 = arith.muli %mul3A_131, %scan3A_86 : i32
      %add3A_133 = arith.constant 2 : i32
      %add3A_134 = arith.addi %mul3A_132, %add3A_133 : i32
      %dma_wait3A_135 = arith.constant 2 : i32
      %dma_wait3A_136 = arith.constant 0 : i32
      %dma_wait3A_137 = arith.constant 0 : i32
      %dma_wait3A_138 = tpu.memref_slice %arg10[%dma_wait3A_135, %dma_wait3A_136, %dma_wait3A_137] : memref<4x64x128xf32, #tpu.memory_space<vmem>> -> memref<1x64x128xf32, #tpu.memory_space<vmem>>
      %dma_wait3A_139 = tpu.memref_squeeze %dma_wait3A_138 : memref<1x64x128xf32, #tpu.memory_space<vmem>> -> memref<64x128xf32, #tpu.memory_space<vmem>>
      %dma_wait3A_140 = arith.constant 0 : i32
      %dma_wait3A_141 = tpu.memref_slice %arg8[%add3A_134, %dma_wait3A_140] : memref<40x64xi32, #tpu.memory_space<vmem>> -> memref<1x64xi32, #tpu.memory_space<vmem>>
      %dma_wait3A_142 = tpu.memref_squeeze %dma_wait3A_141 : memref<1x64xi32, #tpu.memory_space<vmem>> -> memref<64xi32, #tpu.memory_space<vmem>>
      %dma_wait3A_143 = arith.constant 0 : i32
      %dma_wait3A_144 = arith.constant 0 : i32
      %dma_wait3A_145 = tpu.memref_slice %arg2[%dma_wait3A_143, %dma_wait3A_144] : memref<10000x128xf32, #tpu.memory_space<hbm>> -> memref<10000x128xf32, #tpu.memory_space<hbm>>
      tpu.wait_indirect_dma semaphore(%arg13 : memref<!tpu.dma_semaphore, #tpu.memory_space<semaphore_mem>>) src(%dma_wait3A_145 : memref<10000x128xf32, #tpu.memory_space<hbm>>) dst(%dma_wait3A_139 : memref<64x128xf32, #tpu.memory_space<vmem>>)
      %add3A_146 = arith.constant 4 : i32
      %add3A_147 = arith.addi %add3A_134, %add3A_146 : i32
      %sub3A_148 = arith.constant 1 : i32
      %sub3A_149 = arith.subi %add3A_147, %sub3A_148 : i32
      %lt3A_150 = arith.constant 40 : i32
      %lt3A_151 = arith.cmpi slt, %sub3A_149, %lt3A_150 : i32
      %convert_element_type3A_152 = arith.extui %lt3A_151 : i1 to i32
      %cond3A_153 = arith.constant 0 : i32
      %cond3A_154 = arith.cmpi ne, %convert_element_type3A_152, %cond3A_153 : i32
      scf.if %cond3A_154 {
        %add3A_181 = arith.constant 4 : i32
        %add3A_182 = arith.addi %add3A_134, %add3A_181 : i32
        %sub3A_183 = arith.constant 1 : i32
        %sub3A_184 = arith.subi %add3A_182, %sub3A_183 : i32
        %dma_start3A_185 = arith.constant 1 : i32
        %dma_start3A_186 = arith.constant 0 : i32
        %dma_start3A_187 = arith.constant 0 : i32
        %dma_start3A_188 = tpu.memref_slice %arg10[%dma_start3A_185, %dma_start3A_186, %dma_start3A_187] : memref<4x64x128xf32, #tpu.memory_space<vmem>> -> memref<1x64x128xf32, #tpu.memory_space<vmem>>
        %dma_start3A_189 = tpu.memref_squeeze %dma_start3A_188 : memref<1x64x128xf32, #tpu.memory_space<vmem>> -> memref<64x128xf32, #tpu.memory_space<vmem>>
        %dma_start3A_190 = arith.constant 0 : i32
        %dma_start3A_191 = tpu.memref_slice %arg8[%sub3A_184, %dma_start3A_190] : memref<40x64xi32, #tpu.memory_space<vmem>> -> memref<1x64xi32, #tpu.memory_space<vmem>>
        %dma_start3A_192 = tpu.memref_squeeze %dma_start3A_191 : memref<1x64xi32, #tpu.memory_space<vmem>> -> memref<64xi32, #tpu.memory_space<vmem>>
        %dma_start3A_193 = arith.constant 0 : i32
        %dma_start3A_194 = arith.constant 0 : i32
        %dma_start3A_195 = tpu.memref_slice %arg2[%dma_start3A_193, %dma_start3A_194] : memref<10000x128xf32, #tpu.memory_space<hbm>> -> memref<10000x128xf32, #tpu.memory_space<hbm>>
        tpu.enqueue_indirect_dma source(%dma_start3A_195 : memref<10000x128xf32, #tpu.memory_space<hbm>>) target(%dma_start3A_189 : memref<64x128xf32, #tpu.memory_space<vmem>>) offsets(%dma_start3A_192 : memref<64xi32, #tpu.memory_space<vmem>>) semaphore(%arg12 : memref<!tpu.dma_semaphore, #tpu.memory_space<semaphore_mem>>)
      } else {
      }
      %run_scoped3A_155 = arith.constant 2 : i32
      "tpu.region"() ({
        %run_scoped3A_181 = tpu.sem_alloc : memref<!tpu.dma_semaphore, #tpu.memory_space<semaphore_mem>>
        %dma_start3A_182 = arith.constant 0 : i32
        %dma_start3A_183 = arith.constant 0 : i32
        %dma_start3A_184 = tpu.memref_slice %arg10[%run_scoped3A_155, %dma_start3A_182, %dma_start3A_183] : memref<4x64x128xf32, #tpu.memory_space<vmem>> -> memref<1x64x128xf32, #tpu.memory_space<vmem>>
        %dma_start3A_185 = tpu.memref_squeeze %dma_start3A_184 : memref<1x64x128xf32, #tpu.memory_space<vmem>> -> memref<64x128xf32, #tpu.memory_space<vmem>>
        %dma_start3A_186 = arith.constant 0 : i32
        %dma_start3A_187 = tpu.memref_slice %arg9[%add3A_134, %dma_start3A_186] : memref<40x64xi32, #tpu.memory_space<vmem>> -> memref<1x64xi32, #tpu.memory_space<vmem>>
        %dma_start3A_188 = tpu.memref_squeeze %dma_start3A_187 : memref<1x64xi32, #tpu.memory_space<vmem>> -> memref<64xi32, #tpu.memory_space<vmem>>
        %dma_start3A_189 = arith.constant 0 : i32
        %dma_start3A_190 = arith.constant 0 : i32
        %dma_start3A_191 = tpu.memref_slice %arg7[%dma_start3A_189, %dma_start3A_190] : memref<10240x128xf32, #tpu.memory_space<vmem_shared>> -> memref<10240x128xf32, #tpu.memory_space<vmem_shared>>
        tpu.enqueue_indirect_dma source(%dma_start3A_185 : memref<64x128xf32, #tpu.memory_space<vmem>>) target(%dma_start3A_191 : memref<10240x128xf32, #tpu.memory_space<vmem_shared>>) offsets(%dma_start3A_188 : memref<64xi32, #tpu.memory_space<vmem>>) semaphore(%run_scoped3A_181 : memref<!tpu.dma_semaphore, #tpu.memory_space<semaphore_mem>>) {add = true}
        %dma_wait3A_192 = arith.constant 0 : i32
        %dma_wait3A_193 = arith.constant 0 : i32
        %dma_wait3A_194 = tpu.memref_slice %arg10[%run_scoped3A_155, %dma_wait3A_192, %dma_wait3A_193] : memref<4x64x128xf32, #tpu.memory_space<vmem>> -> memref<1x64x128xf32, #tpu.memory_space<vmem>>
        %dma_wait3A_195 = tpu.memref_squeeze %dma_wait3A_194 : memref<1x64x128xf32, #tpu.memory_space<vmem>> -> memref<64x128xf32, #tpu.memory_space<vmem>>
        %dma_wait3A_196 = arith.constant 0 : i32
        %dma_wait3A_197 = tpu.memref_slice %arg9[%add3A_134, %dma_wait3A_196] : memref<40x64xi32, #tpu.memory_space<vmem>> -> memref<1x64xi32, #tpu.memory_space<vmem>>
        %dma_wait3A_198 = tpu.memref_squeeze %dma_wait3A_197 : memref<1x64xi32, #tpu.memory_space<vmem>> -> memref<64xi32, #tpu.memory_space<vmem>>
        %dma_wait3A_199 = arith.constant 0 : i32
        %dma_wait3A_200 = arith.constant 0 : i32
        %dma_wait3A_201 = tpu.memref_slice %arg7[%dma_wait3A_199, %dma_wait3A_200] : memref<10240x128xf32, #tpu.memory_space<vmem_shared>> -> memref<10240x128xf32, #tpu.memory_space<vmem_shared>>
        tpu.wait_indirect_dma semaphore(%run_scoped3A_181 : memref<!tpu.dma_semaphore, #tpu.memory_space<semaphore_mem>>) src(%dma_wait3A_195 : memref<64x128xf32, #tpu.memory_space<vmem>>) dst(%dma_wait3A_201 : memref<10240x128xf32, #tpu.memory_space<vmem_shared>>)
        tpu.yield
      }) : () -> ()
      %mul3A_156 = arith.constant 4 : i32
      %mul3A_157 = arith.muli %mul3A_156, %scan3A_86 : i32
      %add3A_158 = arith.constant 3 : i32
      %add3A_159 = arith.addi %mul3A_157, %add3A_158 : i32
      %dma_wait3A_160 = arith.constant 3 : i32
      %dma_wait3A_161 = arith.constant 0 : i32
      %dma_wait3A_162 = arith.constant 0 : i32
      %dma_wait3A_163 = tpu.memref_slice %arg10[%dma_wait3A_160, %dma_wait3A_161, %dma_wait3A_162] : memref<4x64x128xf32, #tpu.memory_space<vmem>> -> memref<1x64x128xf32, #tpu.memory_space<vmem>>
      %dma_wait3A_164 = tpu.memref_squeeze %dma_wait3A_163 : memref<1x64x128xf32, #tpu.memory_space<vmem>> -> memref<64x128xf32, #tpu.memory_space<vmem>>
      %dma_wait3A_165 = arith.constant 0 : i32
      %dma_wait3A_166 = tpu.memref_slice %arg8[%add3A_159, %dma_wait3A_165] : memref<40x64xi32, #tpu.memory_space<vmem>> -> memref<1x64xi32, #tpu.memory_space<vmem>>
      %dma_wait3A_167 = tpu.memref_squeeze %dma_wait3A_166 : memref<1x64xi32, #tpu.memory_space<vmem>> -> memref<64xi32, #tpu.memory_space<vmem>>
      %dma_wait3A_168 = arith.constant 0 : i32
      %dma_wait3A_169 = arith.constant 0 : i32
      %dma_wait3A_170 = tpu.memref_slice %arg2[%dma_wait3A_168, %dma_wait3A_169] : memref<10000x128xf32, #tpu.memory_space<hbm>> -> memref<10000x128xf32, #tpu.memory_space<hbm>>
      tpu.wait_indirect_dma semaphore(%arg14 : memref<!tpu.dma_semaphore, #tpu.memory_space<semaphore_mem>>) src(%dma_wait3A_170 : memref<10000x128xf32, #tpu.memory_space<hbm>>) dst(%dma_wait3A_164 : memref<64x128xf32, #tpu.memory_space<vmem>>)
      %add3A_171 = arith.constant 4 : i32
      %add3A_172 = arith.addi %add3A_159, %add3A_171 : i32
      %sub3A_173 = arith.constant 1 : i32
      %sub3A_174 = arith.subi %add3A_172, %sub3A_173 : i32
      %lt3A_175 = arith.constant 40 : i32
      %lt3A_176 = arith.cmpi slt, %sub3A_174, %lt3A_175 : i32
      %convert_element_type3A_177 = arith.extui %lt3A_176 : i1 to i32
      %cond3A_178 = arith.constant 0 : i32
      %cond3A_179 = arith.cmpi ne, %convert_element_type3A_177, %cond3A_178 : i32
      scf.if %cond3A_179 {
        %add3A_181 = arith.constant 4 : i32
        %add3A_182 = arith.addi %add3A_159, %add3A_181 : i32
        %sub3A_183 = arith.constant 1 : i32
        %sub3A_184 = arith.subi %add3A_182, %sub3A_183 : i32
        %dma_start3A_185 = arith.constant 2 : i32
        %dma_start3A_186 = arith.constant 0 : i32
        %dma_start3A_187 = arith.constant 0 : i32
        %dma_start3A_188 = tpu.memref_slice %arg10[%dma_start3A_185, %dma_start3A_186, %dma_start3A_187] : memref<4x64x128xf32, #tpu.memory_space<vmem>> -> memref<1x64x128xf32, #tpu.memory_space<vmem>>
        %dma_start3A_189 = tpu.memref_squeeze %dma_start3A_188 : memref<1x64x128xf32, #tpu.memory_space<vmem>> -> memref<64x128xf32, #tpu.memory_space<vmem>>
        %dma_start3A_190 = arith.constant 0 : i32
        %dma_start3A_191 = tpu.memref_slice %arg8[%sub3A_184, %dma_start3A_190] : memref<40x64xi32, #tpu.memory_space<vmem>> -> memref<1x64xi32, #tpu.memory_space<vmem>>
        %dma_start3A_192 = tpu.memref_squeeze %dma_start3A_191 : memref<1x64xi32, #tpu.memory_space<vmem>> -> memref<64xi32, #tpu.memory_space<vmem>>
        %dma_start3A_193 = arith.constant 0 : i32
        %dma_start3A_194 = arith.constant 0 : i32
        %dma_start3A_195 = tpu.memref_slice %arg2[%dma_start3A_193, %dma_start3A_194] : memref<10000x128xf32, #tpu.memory_space<hbm>> -> memref<10000x128xf32, #tpu.memory_space<hbm>>
        tpu.enqueue_indirect_dma source(%dma_start3A_195 : memref<10000x128xf32, #tpu.memory_space<hbm>>) target(%dma_start3A_189 : memref<64x128xf32, #tpu.memory_space<vmem>>) offsets(%dma_start3A_192 : memref<64xi32, #tpu.memory_space<vmem>>) semaphore(%arg13 : memref<!tpu.dma_semaphore, #tpu.memory_space<semaphore_mem>>)
      } else {
      }
      %run_scoped3A_180 = arith.constant 3 : i32
      "tpu.region"() ({
        %run_scoped3A_181 = tpu.sem_alloc : memref<!tpu.dma_semaphore, #tpu.memory_space<semaphore_mem>>
        %dma_start3A_182 = arith.constant 0 : i32
        %dma_start3A_183 = arith.constant 0 : i32
        %dma_start3A_184 = tpu.memref_slice %arg10[%run_scoped3A_180, %dma_start3A_182, %dma_start3A_183] : memref<4x64x128xf32, #tpu.memory_space<vmem>> -> memref<1x64x128xf32, #tpu.memory_space<vmem>>
        %dma_start3A_185 = tpu.memref_squeeze %dma_start3A_184 : memref<1x64x128xf32, #tpu.memory_space<vmem>> -> memref<64x128xf32, #tpu.memory_space<vmem>>
        %dma_start3A_186 = arith.constant 0 : i32
        %dma_start3A_187 = tpu.memref_slice %arg9[%add3A_159, %dma_start3A_186] : memref<40x64xi32, #tpu.memory_space<vmem>> -> memref<1x64xi32, #tpu.memory_space<vmem>>
        %dma_start3A_188 = tpu.memref_squeeze %dma_start3A_187 : memref<1x64xi32, #tpu.memory_space<vmem>> -> memref<64xi32, #tpu.memory_space<vmem>>
        %dma_start3A_189 = arith.constant 0 : i32
        %dma_start3A_190 = arith.constant 0 : i32
        %dma_start3A_191 = tpu.memref_slice %arg7[%dma_start3A_189, %dma_start3A_190] : memref<10240x128xf32, #tpu.memory_space<vmem_shared>> -> memref<10240x128xf32, #tpu.memory_space<vmem_shared>>
        tpu.enqueue_indirect_dma source(%dma_start3A_185 : memref<64x128xf32, #tpu.memory_space<vmem>>) target(%dma_start3A_191 : memref<10240x128xf32, #tpu.memory_space<vmem_shared>>) offsets(%dma_start3A_188 : memref<64xi32, #tpu.memory_space<vmem>>) semaphore(%run_scoped3A_181 : memref<!tpu.dma_semaphore, #tpu.memory_space<semaphore_mem>>) {add = true}
        %dma_wait3A_192 = arith.constant 0 : i32
        %dma_wait3A_193 = arith.constant 0 : i32
        %dma_wait3A_194 = tpu.memref_slice %arg10[%run_scoped3A_180, %dma_wait3A_192, %dma_wait3A_193] : memref<4x64x128xf32, #tpu.memory_space<vmem>> -> memref<1x64x128xf32, #tpu.memory_space<vmem>>
        %dma_wait3A_195 = tpu.memref_squeeze %dma_wait3A_194 : memref<1x64x128xf32, #tpu.memory_space<vmem>> -> memref<64x128xf32, #tpu.memory_space<vmem>>
        %dma_wait3A_196 = arith.constant 0 : i32
        %dma_wait3A_197 = tpu.memref_slice %arg9[%add3A_159, %dma_wait3A_196] : memref<40x64xi32, #tpu.memory_space<vmem>> -> memref<1x64xi32, #tpu.memory_space<vmem>>
        %dma_wait3A_198 = tpu.memref_squeeze %dma_wait3A_197 : memref<1x64xi32, #tpu.memory_space<vmem>> -> memref<64xi32, #tpu.memory_space<vmem>>
        %dma_wait3A_199 = arith.constant 0 : i32
        %dma_wait3A_200 = arith.constant 0 : i32
        %dma_wait3A_201 = tpu.memref_slice %arg7[%dma_wait3A_199, %dma_wait3A_200] : memref<10240x128xf32, #tpu.memory_space<vmem_shared>> -> memref<10240x128xf32, #tpu.memory_space<vmem_shared>>
        tpu.wait_indirect_dma semaphore(%run_scoped3A_181 : memref<!tpu.dma_semaphore, #tpu.memory_space<semaphore_mem>>) src(%dma_wait3A_195 : memref<64x128xf32, #tpu.memory_space<vmem>>) dst(%dma_wait3A_201 : memref<10240x128xf32, #tpu.memory_space<vmem_shared>>)
        tpu.yield
      }) : () -> ()
    }
    %scan3A_84 = arith.constant 10 : i32
    %barrier3A_85 = arith.constant 0 : index
    tpu.barrier barrier_id(%barrier3A_85)
    "tpu.region"() ({
      %run_scoped3A = tpu.sem_alloc : memref<!tpu.dma_semaphore, #tpu.memory_space<semaphore_mem>>
      %dma_start3A_86 = arith.constant 0 : i32
      %dma_start3A_87 = tpu.memref_slice %arg6[%arg0, %mul3A_2, %dma_start3A_86] : memref<2x10240x128xf32, #tpu.memory_space<hbm>> -> memref<1x640x128xf32, #tpu.memory_space<hbm>>
      %dma_start3A_88 = tpu.memref_squeeze %dma_start3A_87 : memref<1x640x128xf32, #tpu.memory_space<hbm>> -> memref<640x128xf32, #tpu.memory_space<hbm>>
      %dma_start3A_89 = arith.constant 0 : i32
      %dma_start3A_90 = tpu.memref_slice %arg7[%mul3A_2, %dma_start3A_89] : memref<10240x128xf32, #tpu.memory_space<vmem_shared>> -> memref<640x128xf32, #tpu.memory_space<vmem_shared>>
      tpu.enqueue_dma source(%dma_start3A_90 : memref<640x128xf32, #tpu.memory_space<vmem_shared>>) target(%dma_start3A_88 : memref<640x128xf32, #tpu.memory_space<hbm>>) target_semaphore(%run_scoped3A : memref<!tpu.dma_semaphore, #tpu.memory_space<semaphore_mem>>)
      %dma_wait3A = arith.constant 0 : i32
      %dma_wait3A_91 = tpu.memref_slice %arg6[%arg0, %mul3A_2, %dma_wait3A] : memref<2x10240x128xf32, #tpu.memory_space<hbm>> -> memref<1x640x128xf32, #tpu.memory_space<hbm>>
      %dma_wait3A_92 = tpu.memref_squeeze %dma_wait3A_91 : memref<1x640x128xf32, #tpu.memory_space<hbm>> -> memref<640x128xf32, #tpu.memory_space<hbm>>
      %dma_wait3A_93 = arith.constant 0 : i32
      %dma_wait3A_94 = tpu.memref_slice %arg7[%mul3A_2, %dma_wait3A_93] : memref<10240x128xf32, #tpu.memory_space<vmem_shared>> -> memref<640x128xf32, #tpu.memory_space<vmem_shared>>
      tpu.wait_dma2 semaphore(%run_scoped3A : memref<!tpu.dma_semaphore, #tpu.memory_space<semaphore_mem>>) src(%dma_wait3A_94 : memref<640x128xf32, #tpu.memory_space<vmem_shared>>) dst(%dma_wait3A_92 : memref<640x128xf32, #tpu.memory_space<hbm>>)
      tpu.yield
    }) : () -> ()
    return
  }
}

#map = affine_map<(d0, d1) -> (0, 0)>
#map1 = affine_map<(d0, d1) -> (0, 0, 0)>
module attributes {stable_mosaic.version = 14 : i64} {
  func.func @_sc_body1(%arg0: i32, %arg1: i32, %arg2: memref<10000x128xf32, #tpu.memory_space<hbm>>, %arg3: memref<32x80x64xi32, #tpu.memory_space<hbm>>, %arg4: memref<32x80x64xi32, #tpu.memory_space<hbm>>, %arg5: memref<10240x128xf32, #tpu.memory_space<hbm>>, %arg6: memref<2x10240x128xf32, #tpu.memory_space<hbm>>, %arg7: memref<10240x128xf32, #tpu.memory_space<vmem_shared>>, %arg8: memref<40x64xi32, #tpu.memory_space<vmem>>, %arg9: memref<40x64xi32, #tpu.memory_space<vmem>>, %arg10: memref<4x64x128xf32, #tpu.memory_space<vmem>>, %arg11: memref<!tpu.dma_semaphore, #tpu.memory_space<semaphore_mem>>, %arg12: memref<!tpu.dma_semaphore, #tpu.memory_space<semaphore_mem>>, %arg13: memref<!tpu.dma_semaphore, #tpu.memory_space<semaphore_mem>>, %arg14: memref<!tpu.dma_semaphore, #tpu.memory_space<semaphore_mem>>) attributes {dimension_semantics = [#tpu.dimension_semantics<core_parallel>, #tpu.dimension_semantics<subcore_parallel>], iteration_bounds = array<i64: 2, 16>, scalar_prefetch = 0 : i64, scratch_operands = 8 : i64, tpu.core_type = #tpu.core_type<sc_vector_subcore>, window_params = [{transform_indices = #map}, {transform_indices = #map1}, {transform_indices = #map1}, {transform_indices = #map}, {transform_indices = #map1}]} {
    %mul3A = arith.constant 16 : i32
    %mul3A_0 = arith.muli %arg0, %mul3A : i32
    %add3A = arith.addi %mul3A_0, %arg1 : i32
    %mul3A_1 = arith.constant 640 : i32
    %mul3A_2 = arith.muli %arg1, %mul3A_1 : i32
    "tpu.region"() ({
      %run_scoped3A = tpu.sem_alloc : memref<!tpu.dma_semaphore, #tpu.memory_space<semaphore_mem>>
      %dma_start3A_86 = arith.constant 0 : i32
      %dma_start3A_87 = tpu.memref_slice %arg7[%mul3A_2, %dma_start3A_86] : memref<10240x128xf32, #tpu.memory_space<vmem_shared>> -> memref<640x128xf32, #tpu.memory_space<vmem_shared>>
      %dma_start3A_88 = arith.constant 0 : i32
      %dma_start3A_89 = tpu.memref_slice %arg5[%mul3A_2, %dma_start3A_88] : memref<10240x128xf32, #tpu.memory_space<hbm>> -> memref<640x128xf32, #tpu.memory_space<hbm>>
      tpu.enqueue_dma source(%dma_start3A_89 : memref<640x128xf32, #tpu.memory_space<hbm>>) target(%dma_start3A_87 : memref<640x128xf32, #tpu.memory_space<vmem_shared>>) target_semaphore(%run_scoped3A : memref<!tpu.dma_semaphore, #tpu.memory_space<semaphore_mem>>)
      %dma_wait3A = arith.constant 0 : i32
      %dma_wait3A_90 = tpu.memref_slice %arg7[%mul3A_2, %dma_wait3A] : memref<10240x128xf32, #tpu.memory_space<vmem_shared>> -> memref<640x128xf32, #tpu.memory_space<vmem_shared>>
      %dma_wait3A_91 = arith.constant 0 : i32
      %dma_wait3A_92 = tpu.memref_slice %arg5[%mul3A_2, %dma_wait3A_91] : memref<10240x128xf32, #tpu.memory_space<hbm>> -> memref<640x128xf32, #tpu.memory_space<hbm>>
      tpu.wait_dma2 semaphore(%run_scoped3A : memref<!tpu.dma_semaphore, #tpu.memory_space<semaphore_mem>>) src(%dma_wait3A_92 : memref<640x128xf32, #tpu.memory_space<hbm>>) dst(%dma_wait3A_90 : memref<640x128xf32, #tpu.memory_space<vmem_shared>>)
      tpu.yield
    }) : () -> ()
    %barrier3A = arith.constant 0 : index
    tpu.barrier barrier_id(%barrier3A)
    "tpu.region"() ({
      %run_scoped3A = tpu.sem_alloc : memref<!tpu.dma_semaphore, #tpu.memory_space<semaphore_mem>>
      %dma_start3A_86 = arith.constant 0 : i32
      %dma_start3A_87 = arith.constant 0 : i32
      %dma_start3A_88 = tpu.memref_slice %arg3[%add3A, %dma_start3A_86, %dma_start3A_87] : memref<32x80x64xi32, #tpu.memory_space<hbm>> -> memref<1x40x64xi32, #tpu.memory_space<hbm>>
      %dma_start3A_89 = tpu.memref_squeeze %dma_start3A_88 : memref<1x40x64xi32, #tpu.memory_space<hbm>> -> memref<40x64xi32, #tpu.memory_space<hbm>>
      %dma_start3A_90 = arith.constant 0 : i32
      %dma_start3A_91 = arith.constant 0 : i32
      %dma_start3A_92 = tpu.memref_slice %arg3[%add3A, %dma_start3A_90, %dma_start3A_91] : memref<32x80x64xi32, #tpu.memory_space<hbm>> -> memref<1x40x64xi32, #tpu.memory_space<hbm>>
      %dma_start3A_93 = tpu.memref_squeeze %dma_start3A_92 : memref<1x40x64xi32, #tpu.memory_space<hbm>> -> memref<40x64xi32, #tpu.memory_space<hbm>>
      tpu.enqueue_dma source(%dma_start3A_93 : memref<40x64xi32, #tpu.memory_space<hbm>>) target(%arg8 : memref<40x64xi32, #tpu.memory_space<vmem>>) target_semaphore(%run_scoped3A : memref<!tpu.dma_semaphore, #tpu.memory_space<semaphore_mem>>)
      %dma_wait3A = arith.constant 0 : i32
      %dma_wait3A_94 = arith.constant 0 : i32
      %dma_wait3A_95 = tpu.memref_slice %arg3[%add3A, %dma_wait3A, %dma_wait3A_94] : memref<32x80x64xi32, #tpu.memory_space<hbm>> -> memref<1x40x64xi32, #tpu.memory_space<hbm>>
      %dma_wait3A_96 = tpu.memref_squeeze %dma_wait3A_95 : memref<1x40x64xi32, #tpu.memory_space<hbm>> -> memref<40x64xi32, #tpu.memory_space<hbm>>
      %dma_wait3A_97 = arith.constant 0 : i32
      %dma_wait3A_98 = arith.constant 0 : i32
      %dma_wait3A_99 = tpu.memref_slice %arg3[%add3A, %dma_wait3A_97, %dma_wait3A_98] : memref<32x80x64xi32, #tpu.memory_space<hbm>> -> memref<1x40x64xi32, #tpu.memory_space<hbm>>
      %dma_wait3A_100 = tpu.memref_squeeze %dma_wait3A_99 : memref<1x40x64xi32, #tpu.memory_space<hbm>> -> memref<40x64xi32, #tpu.memory_space<hbm>>
      tpu.wait_dma2 semaphore(%run_scoped3A : memref<!tpu.dma_semaphore, #tpu.memory_space<semaphore_mem>>) src(%dma_wait3A_100 : memref<40x64xi32, #tpu.memory_space<hbm>>) dst(%arg8 : memref<40x64xi32, #tpu.memory_space<vmem>>)
      tpu.yield
    }) : () -> ()
    "tpu.region"() ({
      %run_scoped3A = tpu.sem_alloc : memref<!tpu.dma_semaphore, #tpu.memory_space<semaphore_mem>>
      %dma_start3A_86 = arith.constant 0 : i32
      %dma_start3A_87 = arith.constant 0 : i32
      %dma_start3A_88 = tpu.memref_slice %arg4[%add3A, %dma_start3A_86, %dma_start3A_87] : memref<32x80x64xi32, #tpu.memory_space<hbm>> -> memref<1x40x64xi32, #tpu.memory_space<hbm>>
      %dma_start3A_89 = tpu.memref_squeeze %dma_start3A_88 : memref<1x40x64xi32, #tpu.memory_space<hbm>> -> memref<40x64xi32, #tpu.memory_space<hbm>>
      %dma_start3A_90 = arith.constant 0 : i32
      %dma_start3A_91 = arith.constant 0 : i32
      %dma_start3A_92 = tpu.memref_slice %arg4[%add3A, %dma_start3A_90, %dma_start3A_91] : memref<32x80x64xi32, #tpu.memory_space<hbm>> -> memref<1x40x64xi32, #tpu.memory_space<hbm>>
      %dma_start3A_93 = tpu.memref_squeeze %dma_start3A_92 : memref<1x40x64xi32, #tpu.memory_space<hbm>> -> memref<40x64xi32, #tpu.memory_space<hbm>>
      tpu.enqueue_dma source(%dma_start3A_93 : memref<40x64xi32, #tpu.memory_space<hbm>>) target(%arg9 : memref<40x64xi32, #tpu.memory_space<vmem>>) target_semaphore(%run_scoped3A : memref<!tpu.dma_semaphore, #tpu.memory_space<semaphore_mem>>)
      %dma_wait3A = arith.constant 0 : i32
      %dma_wait3A_94 = arith.constant 0 : i32
      %dma_wait3A_95 = tpu.memref_slice %arg4[%add3A, %dma_wait3A, %dma_wait3A_94] : memref<32x80x64xi32, #tpu.memory_space<hbm>> -> memref<1x40x64xi32, #tpu.memory_space<hbm>>
      %dma_wait3A_96 = tpu.memref_squeeze %dma_wait3A_95 : memref<1x40x64xi32, #tpu.memory_space<hbm>> -> memref<40x64xi32, #tpu.memory_space<hbm>>
      %dma_wait3A_97 = arith.constant 0 : i32
      %dma_wait3A_98 = arith.constant 0 : i32
      %dma_wait3A_99 = tpu.memref_slice %arg4[%add3A, %dma_wait3A_97, %dma_wait3A_98] : memref<32x80x64xi32, #tpu.memory_space<hbm>> -> memref<1x40x64xi32, #tpu.memory_space<hbm>>
      %dma_wait3A_100 = tpu.memref_squeeze %dma_wait3A_99 : memref<1x40x64xi32, #tpu.memory_space<hbm>> -> memref<40x64xi32, #tpu.memory_space<hbm>>
      tpu.wait_dma2 semaphore(%run_scoped3A : memref<!tpu.dma_semaphore, #tpu.memory_space<semaphore_mem>>) src(%dma_wait3A_100 : memref<40x64xi32, #tpu.memory_space<hbm>>) dst(%arg9 : memref<40x64xi32, #tpu.memory_space<vmem>>)
      tpu.yield
    }) : () -> ()
    %dma_start3A = arith.constant 0 : i32
    %dma_start3A_3 = arith.constant 0 : i32
    %dma_start3A_4 = arith.constant 0 : i32
    %dma_start3A_5 = arith.constant 0 : i32
    %dma_start3A_6 = tpu.memref_slice %arg10[%dma_start3A_3, %dma_start3A_4, %dma_start3A_5] : memref<4x64x128xf32, #tpu.memory_space<vmem>> -> memref<1x64x128xf32, #tpu.memory_space<vmem>>
    %dma_start3A_7 = tpu.memref_squeeze %dma_start3A_6 : memref<1x64x128xf32, #tpu.memory_space<vmem>> -> memref<64x128xf32, #tpu.memory_space<vmem>>
    %dma_start3A_8 = arith.constant 0 : i32
    %dma_start3A_9 = tpu.memref_slice %arg8[%dma_start3A, %dma_start3A_8] : memref<40x64xi32, #tpu.memory_space<vmem>> -> memref<1x64xi32, #tpu.memory_space<vmem>>
    %dma_start3A_10 = tpu.memref_squeeze %dma_start3A_9 : memref<1x64xi32, #tpu.memory_space<vmem>> -> memref<64xi32, #tpu.memory_space<vmem>>
    %dma_start3A_11 = arith.constant 0 : i32
    %dma_start3A_12 = arith.constant 0 : i32
    %dma_start3A_13 = tpu.memref_slice %arg2[%dma_start3A_11, %dma_start3A_12] : memref<10000x128xf32, #tpu.memory_space<hbm>> -> memref<10000x128xf32, #tpu.memory_space<hbm>>
    tpu.enqueue_indirect_dma source(%dma_start3A_13 : memref<10000x128xf32, #tpu.memory_space<hbm>>) target(%dma_start3A_7 : memref<64x128xf32, #tpu.memory_space<vmem>>) offsets(%dma_start3A_10 : memref<64xi32, #tpu.memory_space<vmem>>) semaphore(%arg11 : memref<!tpu.dma_semaphore, #tpu.memory_space<semaphore_mem>>)
    %dma_start3A_14 = arith.constant 1 : i32
    %dma_start3A_15 = arith.constant 1 : i32
    %dma_start3A_16 = arith.constant 0 : i32
    %dma_start3A_17 = arith.constant 0 : i32
    %dma_start3A_18 = tpu.memref_slice %arg10[%dma_start3A_15, %dma_start3A_16, %dma_start3A_17] : memref<4x64x128xf32, #tpu.memory_space<vmem>> -> memref<1x64x128xf32, #tpu.memory_space<vmem>>
    %dma_start3A_19 = tpu.memref_squeeze %dma_start3A_18 : memref<1x64x128xf32, #tpu.memory_space<vmem>> -> memref<64x128xf32, #tpu.memory_space<vmem>>
    %dma_start3A_20 = arith.constant 0 : i32
    %dma_start3A_21 = tpu.memref_slice %arg8[%dma_start3A_14, %dma_start3A_20] : memref<40x64xi32, #tpu.memory_space<vmem>> -> memref<1x64xi32, #tpu.memory_space<vmem>>
    %dma_start3A_22 = tpu.memref_squeeze %dma_start3A_21 : memref<1x64xi32, #tpu.memory_space<vmem>> -> memref<64xi32, #tpu.memory_space<vmem>>
    %dma_start3A_23 = arith.constant 0 : i32
    %dma_start3A_24 = arith.constant 0 : i32
    %dma_start3A_25 = tpu.memref_slice %arg2[%dma_start3A_23, %dma_start3A_24] : memref<10000x128xf32, #tpu.memory_space<hbm>> -> memref<10000x128xf32, #tpu.memory_space<hbm>>
    tpu.enqueue_indirect_dma source(%dma_start3A_25 : memref<10000x128xf32, #tpu.memory_space<hbm>>) target(%dma_start3A_19 : memref<64x128xf32, #tpu.memory_space<vmem>>) offsets(%dma_start3A_22 : memref<64xi32, #tpu.memory_space<vmem>>) semaphore(%arg12 : memref<!tpu.dma_semaphore, #tpu.memory_space<semaphore_mem>>)
    %dma_start3A_26 = arith.constant 2 : i32
    %dma_start3A_27 = arith.constant 2 : i32
    %dma_start3A_28 = arith.constant 0 : i32
    %dma_start3A_29 = arith.constant 0 : i32
    %dma_start3A_30 = tpu.memref_slice %arg10[%dma_start3A_27, %dma_start3A_28, %dma_start3A_29] : memref<4x64x128xf32, #tpu.memory_space<vmem>> -> memref<1x64x128xf32, #tpu.memory_space<vmem>>
    %dma_start3A_31 = tpu.memref_squeeze %dma_start3A_30 : memref<1x64x128xf32, #tpu.memory_space<vmem>> -> memref<64x128xf32, #tpu.memory_space<vmem>>
    %dma_start3A_32 = arith.constant 0 : i32
    %dma_start3A_33 = tpu.memref_slice %arg8[%dma_start3A_26, %dma_start3A_32] : memref<40x64xi32, #tpu.memory_space<vmem>> -> memref<1x64xi32, #tpu.memory_space<vmem>>
    %dma_start3A_34 = tpu.memref_squeeze %dma_start3A_33 : memref<1x64xi32, #tpu.memory_space<vmem>> -> memref<64xi32, #tpu.memory_space<vmem>>
    %dma_start3A_35 = arith.constant 0 : i32
    %dma_start3A_36 = arith.constant 0 : i32
    %dma_start3A_37 = tpu.memref_slice %arg2[%dma_start3A_35, %dma_start3A_36] : memref<10000x128xf32, #tpu.memory_space<hbm>> -> memref<10000x128xf32, #tpu.memory_space<hbm>>
    tpu.enqueue_indirect_dma source(%dma_start3A_37 : memref<10000x128xf32, #tpu.memory_space<hbm>>) target(%dma_start3A_31 : memref<64x128xf32, #tpu.memory_space<vmem>>) offsets(%dma_start3A_34 : memref<64xi32, #tpu.memory_space<vmem>>) semaphore(%arg13 : memref<!tpu.dma_semaphore, #tpu.memory_space<semaphore_mem>>)
    %scan3A = arith.constant 0 : i32
    %scan3A_38 = arith.constant 0 : i32
    %scan3A_39 = arith.constant 10 : i32
    %scan3A_40 = arith.addi %scan3A_38, %scan3A_39 : i32
    %scan3A_41 = arith.constant 1 : i32
    scf.for %scan3A_86 = %scan3A_38 to %scan3A_40 step %scan3A_41  : i32 {
      %mul3A_87 = arith.constant 4 : i32
      %mul3A_88 = arith.muli %mul3A_87, %scan3A_86 : i32
      %add3A_89 = arith.constant 0 : i32
      %add3A_90 = arith.addi %mul3A_88, %add3A_89 : i32
      %dma_wait3A = arith.constant 0 : i32
      %dma_wait3A_91 = arith.constant 0 : i32
      %dma_wait3A_92 = arith.constant 0 : i32
      %dma_wait3A_93 = tpu.memref_slice %arg10[%dma_wait3A, %dma_wait3A_91, %dma_wait3A_92] : memref<4x64x128xf32, #tpu.memory_space<vmem>> -> memref<1x64x128xf32, #tpu.memory_space<vmem>>
      %dma_wait3A_94 = tpu.memref_squeeze %dma_wait3A_93 : memref<1x64x128xf32, #tpu.memory_space<vmem>> -> memref<64x128xf32, #tpu.memory_space<vmem>>
      %dma_wait3A_95 = arith.constant 0 : i32
      %dma_wait3A_96 = tpu.memref_slice %arg8[%add3A_90, %dma_wait3A_95] : memref<40x64xi32, #tpu.memory_space<vmem>> -> memref<1x64xi32, #tpu.memory_space<vmem>>
      %dma_wait3A_97 = tpu.memref_squeeze %dma_wait3A_96 : memref<1x64xi32, #tpu.memory_space<vmem>> -> memref<64xi32, #tpu.memory_space<vmem>>
      %dma_wait3A_98 = arith.constant 0 : i32
      %dma_wait3A_99 = arith.constant 0 : i32
      %dma_wait3A_100 = tpu.memref_slice %arg2[%dma_wait3A_98, %dma_wait3A_99] : memref<10000x128xf32, #tpu.memory_space<hbm>> -> memref<10000x128xf32, #tpu.memory_space<hbm>>
      tpu.wait_indirect_dma semaphore(%arg11 : memref<!tpu.dma_semaphore, #tpu.memory_space<semaphore_mem>>) src(%dma_wait3A_100 : memref<10000x128xf32, #tpu.memory_space<hbm>>) dst(%dma_wait3A_94 : memref<64x128xf32, #tpu.memory_space<vmem>>)
      %add3A_101 = arith.constant 4 : i32
      %add3A_102 = arith.addi %add3A_90, %add3A_101 : i32
      %sub3A = arith.constant 1 : i32
      %sub3A_103 = arith.subi %add3A_102, %sub3A : i32
      %lt3A = arith.constant 40 : i32
      %lt3A_104 = arith.cmpi slt, %sub3A_103, %lt3A : i32
      %convert_element_type3A = arith.extui %lt3A_104 : i1 to i32
      %cond3A = arith.constant 0 : i32
      %cond3A_105 = arith.cmpi ne, %convert_element_type3A, %cond3A : i32
      scf.if %cond3A_105 {
        %add3A_181 = arith.constant 4 : i32
        %add3A_182 = arith.addi %add3A_90, %add3A_181 : i32
        %sub3A_183 = arith.constant 1 : i32
        %sub3A_184 = arith.subi %add3A_182, %sub3A_183 : i32
        %dma_start3A_185 = arith.constant 3 : i32
        %dma_start3A_186 = arith.constant 0 : i32
        %dma_start3A_187 = arith.constant 0 : i32
        %dma_start3A_188 = tpu.memref_slice %arg10[%dma_start3A_185, %dma_start3A_186, %dma_start3A_187] : memref<4x64x128xf32, #tpu.memory_space<vmem>> -> memref<1x64x128xf32, #tpu.memory_space<vmem>>
        %dma_start3A_189 = tpu.memref_squeeze %dma_start3A_188 : memref<1x64x128xf32, #tpu.memory_space<vmem>> -> memref<64x128xf32, #tpu.memory_space<vmem>>
        %dma_start3A_190 = arith.constant 0 : i32
        %dma_start3A_191 = tpu.memref_slice %arg8[%sub3A_184, %dma_start3A_190] : memref<40x64xi32, #tpu.memory_space<vmem>> -> memref<1x64xi32, #tpu.memory_space<vmem>>
        %dma_start3A_192 = tpu.memref_squeeze %dma_start3A_191 : memref<1x64xi32, #tpu.memory_space<vmem>> -> memref<64xi32, #tpu.memory_space<vmem>>
        %dma_start3A_193 = arith.constant 0 : i32
        %dma_start3A_194 = arith.constant 0 : i32
        %dma_start3A_195 = tpu.memref_slice %arg2[%dma_start3A_193, %dma_start3A_194] : memref<10000x128xf32, #tpu.memory_space<hbm>> -> memref<10000x128xf32, #tpu.memory_space<hbm>>
        tpu.enqueue_indirect_dma source(%dma_start3A_195 : memref<10000x128xf32, #tpu.memory_space<hbm>>) target(%dma_start3A_189 : memref<64x128xf32, #tpu.memory_space<vmem>>) offsets(%dma_start3A_192 : memref<64xi32, #tpu.memory_space<vmem>>) semaphore(%arg14 : memref<!tpu.dma_semaphore, #tpu.memory_space<semaphore_mem>>)
      } else {
      }
      %run_scoped3A = arith.constant 0 : i32
      "tpu.region"() ({
        %run_scoped3A_181 = tpu.sem_alloc : memref<!tpu.dma_semaphore, #tpu.memory_space<semaphore_mem>>
        %dma_start3A_182 = arith.constant 0 : i32
        %dma_start3A_183 = arith.constant 0 : i32
        %dma_start3A_184 = tpu.memref_slice %arg10[%run_scoped3A, %dma_start3A_182, %dma_start3A_183] : memref<4x64x128xf32, #tpu.memory_space<vmem>> -> memref<1x64x128xf32, #tpu.memory_space<vmem>>
        %dma_start3A_185 = tpu.memref_squeeze %dma_start3A_184 : memref<1x64x128xf32, #tpu.memory_space<vmem>> -> memref<64x128xf32, #tpu.memory_space<vmem>>
        %dma_start3A_186 = arith.constant 0 : i32
        %dma_start3A_187 = tpu.memref_slice %arg9[%add3A_90, %dma_start3A_186] : memref<40x64xi32, #tpu.memory_space<vmem>> -> memref<1x64xi32, #tpu.memory_space<vmem>>
        %dma_start3A_188 = tpu.memref_squeeze %dma_start3A_187 : memref<1x64xi32, #tpu.memory_space<vmem>> -> memref<64xi32, #tpu.memory_space<vmem>>
        %dma_start3A_189 = arith.constant 0 : i32
        %dma_start3A_190 = arith.constant 0 : i32
        %dma_start3A_191 = tpu.memref_slice %arg7[%dma_start3A_189, %dma_start3A_190] : memref<10240x128xf32, #tpu.memory_space<vmem_shared>> -> memref<10240x128xf32, #tpu.memory_space<vmem_shared>>
        tpu.enqueue_indirect_dma source(%dma_start3A_185 : memref<64x128xf32, #tpu.memory_space<vmem>>) target(%dma_start3A_191 : memref<10240x128xf32, #tpu.memory_space<vmem_shared>>) offsets(%dma_start3A_188 : memref<64xi32, #tpu.memory_space<vmem>>) semaphore(%run_scoped3A_181 : memref<!tpu.dma_semaphore, #tpu.memory_space<semaphore_mem>>) {add = true}
        %dma_wait3A_192 = arith.constant 0 : i32
        %dma_wait3A_193 = arith.constant 0 : i32
        %dma_wait3A_194 = tpu.memref_slice %arg10[%run_scoped3A, %dma_wait3A_192, %dma_wait3A_193] : memref<4x64x128xf32, #tpu.memory_space<vmem>> -> memref<1x64x128xf32, #tpu.memory_space<vmem>>
        %dma_wait3A_195 = tpu.memref_squeeze %dma_wait3A_194 : memref<1x64x128xf32, #tpu.memory_space<vmem>> -> memref<64x128xf32, #tpu.memory_space<vmem>>
        %dma_wait3A_196 = arith.constant 0 : i32
        %dma_wait3A_197 = tpu.memref_slice %arg9[%add3A_90, %dma_wait3A_196] : memref<40x64xi32, #tpu.memory_space<vmem>> -> memref<1x64xi32, #tpu.memory_space<vmem>>
        %dma_wait3A_198 = tpu.memref_squeeze %dma_wait3A_197 : memref<1x64xi32, #tpu.memory_space<vmem>> -> memref<64xi32, #tpu.memory_space<vmem>>
        %dma_wait3A_199 = arith.constant 0 : i32
        %dma_wait3A_200 = arith.constant 0 : i32
        %dma_wait3A_201 = tpu.memref_slice %arg7[%dma_wait3A_199, %dma_wait3A_200] : memref<10240x128xf32, #tpu.memory_space<vmem_shared>> -> memref<10240x128xf32, #tpu.memory_space<vmem_shared>>
        tpu.wait_indirect_dma semaphore(%run_scoped3A_181 : memref<!tpu.dma_semaphore, #tpu.memory_space<semaphore_mem>>) src(%dma_wait3A_195 : memref<64x128xf32, #tpu.memory_space<vmem>>) dst(%dma_wait3A_201 : memref<10240x128xf32, #tpu.memory_space<vmem_shared>>)
        tpu.yield
      }) : () -> ()
      %mul3A_106 = arith.constant 4 : i32
      %mul3A_107 = arith.muli %mul3A_106, %scan3A_86 : i32
      %add3A_108 = arith.constant 1 : i32
      %add3A_109 = arith.addi %mul3A_107, %add3A_108 : i32
      %dma_wait3A_110 = arith.constant 1 : i32
      %dma_wait3A_111 = arith.constant 0 : i32
      %dma_wait3A_112 = arith.constant 0 : i32
      %dma_wait3A_113 = tpu.memref_slice %arg10[%dma_wait3A_110, %dma_wait3A_111, %dma_wait3A_112] : memref<4x64x128xf32, #tpu.memory_space<vmem>> -> memref<1x64x128xf32, #tpu.memory_space<vmem>>
      %dma_wait3A_114 = tpu.memref_squeeze %dma_wait3A_113 : memref<1x64x128xf32, #tpu.memory_space<vmem>> -> memref<64x128xf32, #tpu.memory_space<vmem>>
      %dma_wait3A_115 = arith.constant 0 : i32
      %dma_wait3A_116 = tpu.memref_slice %arg8[%add3A_109, %dma_wait3A_115] : memref<40x64xi32, #tpu.memory_space<vmem>> -> memref<1x64xi32, #tpu.memory_space<vmem>>
      %dma_wait3A_117 = tpu.memref_squeeze %dma_wait3A_116 : memref<1x64xi32, #tpu.memory_space<vmem>> -> memref<64xi32, #tpu.memory_space<vmem>>
      %dma_wait3A_118 = arith.constant 0 : i32
      %dma_wait3A_119 = arith.constant 0 : i32
      %dma_wait3A_120 = tpu.memref_slice %arg2[%dma_wait3A_118, %dma_wait3A_119] : memref<10000x128xf32, #tpu.memory_space<hbm>> -> memref<10000x128xf32, #tpu.memory_space<hbm>>
      tpu.wait_indirect_dma semaphore(%arg12 : memref<!tpu.dma_semaphore, #tpu.memory_space<semaphore_mem>>) src(%dma_wait3A_120 : memref<10000x128xf32, #tpu.memory_space<hbm>>) dst(%dma_wait3A_114 : memref<64x128xf32, #tpu.memory_space<vmem>>)
      %add3A_121 = arith.constant 4 : i32
      %add3A_122 = arith.addi %add3A_109, %add3A_121 : i32
      %sub3A_123 = arith.constant 1 : i32
      %sub3A_124 = arith.subi %add3A_122, %sub3A_123 : i32
      %lt3A_125 = arith.constant 40 : i32
      %lt3A_126 = arith.cmpi slt, %sub3A_124, %lt3A_125 : i32
      %convert_element_type3A_127 = arith.extui %lt3A_126 : i1 to i32
      %cond3A_128 = arith.constant 0 : i32
      %cond3A_129 = arith.cmpi ne, %convert_element_type3A_127, %cond3A_128 : i32
      scf.if %cond3A_129 {
        %add3A_181 = arith.constant 4 : i32
        %add3A_182 = arith.addi %add3A_109, %add3A_181 : i32
        %sub3A_183 = arith.constant 1 : i32
        %sub3A_184 = arith.subi %add3A_182, %sub3A_183 : i32
        %dma_start3A_185 = arith.constant 0 : i32
        %dma_start3A_186 = arith.constant 0 : i32
        %dma_start3A_187 = arith.constant 0 : i32
        %dma_start3A_188 = tpu.memref_slice %arg10[%dma_start3A_185, %dma_start3A_186, %dma_start3A_187] : memref<4x64x128xf32, #tpu.memory_space<vmem>> -> memref<1x64x128xf32, #tpu.memory_space<vmem>>
        %dma_start3A_189 = tpu.memref_squeeze %dma_start3A_188 : memref<1x64x128xf32, #tpu.memory_space<vmem>> -> memref<64x128xf32, #tpu.memory_space<vmem>>
        %dma_start3A_190 = arith.constant 0 : i32
        %dma_start3A_191 = tpu.memref_slice %arg8[%sub3A_184, %dma_start3A_190] : memref<40x64xi32, #tpu.memory_space<vmem>> -> memref<1x64xi32, #tpu.memory_space<vmem>>
        %dma_start3A_192 = tpu.memref_squeeze %dma_start3A_191 : memref<1x64xi32, #tpu.memory_space<vmem>> -> memref<64xi32, #tpu.memory_space<vmem>>
        %dma_start3A_193 = arith.constant 0 : i32
        %dma_start3A_194 = arith.constant 0 : i32
        %dma_start3A_195 = tpu.memref_slice %arg2[%dma_start3A_193, %dma_start3A_194] : memref<10000x128xf32, #tpu.memory_space<hbm>> -> memref<10000x128xf32, #tpu.memory_space<hbm>>
        tpu.enqueue_indirect_dma source(%dma_start3A_195 : memref<10000x128xf32, #tpu.memory_space<hbm>>) target(%dma_start3A_189 : memref<64x128xf32, #tpu.memory_space<vmem>>) offsets(%dma_start3A_192 : memref<64xi32, #tpu.memory_space<vmem>>) semaphore(%arg11 : memref<!tpu.dma_semaphore, #tpu.memory_space<semaphore_mem>>)
      } else {
      }
      %run_scoped3A_130 = arith.constant 1 : i32
      "tpu.region"() ({
        %run_scoped3A_181 = tpu.sem_alloc : memref<!tpu.dma_semaphore, #tpu.memory_space<semaphore_mem>>
        %dma_start3A_182 = arith.constant 0 : i32
        %dma_start3A_183 = arith.constant 0 : i32
        %dma_start3A_184 = tpu.memref_slice %arg10[%run_scoped3A_130, %dma_start3A_182, %dma_start3A_183] : memref<4x64x128xf32, #tpu.memory_space<vmem>> -> memref<1x64x128xf32, #tpu.memory_space<vmem>>
        %dma_start3A_185 = tpu.memref_squeeze %dma_start3A_184 : memref<1x64x128xf32, #tpu.memory_space<vmem>> -> memref<64x128xf32, #tpu.memory_space<vmem>>
        %dma_start3A_186 = arith.constant 0 : i32
        %dma_start3A_187 = tpu.memref_slice %arg9[%add3A_109, %dma_start3A_186] : memref<40x64xi32, #tpu.memory_space<vmem>> -> memref<1x64xi32, #tpu.memory_space<vmem>>
        %dma_start3A_188 = tpu.memref_squeeze %dma_start3A_187 : memref<1x64xi32, #tpu.memory_space<vmem>> -> memref<64xi32, #tpu.memory_space<vmem>>
        %dma_start3A_189 = arith.constant 0 : i32
        %dma_start3A_190 = arith.constant 0 : i32
        %dma_start3A_191 = tpu.memref_slice %arg7[%dma_start3A_189, %dma_start3A_190] : memref<10240x128xf32, #tpu.memory_space<vmem_shared>> -> memref<10240x128xf32, #tpu.memory_space<vmem_shared>>
        tpu.enqueue_indirect_dma source(%dma_start3A_185 : memref<64x128xf32, #tpu.memory_space<vmem>>) target(%dma_start3A_191 : memref<10240x128xf32, #tpu.memory_space<vmem_shared>>) offsets(%dma_start3A_188 : memref<64xi32, #tpu.memory_space<vmem>>) semaphore(%run_scoped3A_181 : memref<!tpu.dma_semaphore, #tpu.memory_space<semaphore_mem>>) {add = true}
        %dma_wait3A_192 = arith.constant 0 : i32
        %dma_wait3A_193 = arith.constant 0 : i32
        %dma_wait3A_194 = tpu.memref_slice %arg10[%run_scoped3A_130, %dma_wait3A_192, %dma_wait3A_193] : memref<4x64x128xf32, #tpu.memory_space<vmem>> -> memref<1x64x128xf32, #tpu.memory_space<vmem>>
        %dma_wait3A_195 = tpu.memref_squeeze %dma_wait3A_194 : memref<1x64x128xf32, #tpu.memory_space<vmem>> -> memref<64x128xf32, #tpu.memory_space<vmem>>
        %dma_wait3A_196 = arith.constant 0 : i32
        %dma_wait3A_197 = tpu.memref_slice %arg9[%add3A_109, %dma_wait3A_196] : memref<40x64xi32, #tpu.memory_space<vmem>> -> memref<1x64xi32, #tpu.memory_space<vmem>>
        %dma_wait3A_198 = tpu.memref_squeeze %dma_wait3A_197 : memref<1x64xi32, #tpu.memory_space<vmem>> -> memref<64xi32, #tpu.memory_space<vmem>>
        %dma_wait3A_199 = arith.constant 0 : i32
        %dma_wait3A_200 = arith.constant 0 : i32
        %dma_wait3A_201 = tpu.memref_slice %arg7[%dma_wait3A_199, %dma_wait3A_200] : memref<10240x128xf32, #tpu.memory_space<vmem_shared>> -> memref<10240x128xf32, #tpu.memory_space<vmem_shared>>
        tpu.wait_indirect_dma semaphore(%run_scoped3A_181 : memref<!tpu.dma_semaphore, #tpu.memory_space<semaphore_mem>>) src(%dma_wait3A_195 : memref<64x128xf32, #tpu.memory_space<vmem>>) dst(%dma_wait3A_201 : memref<10240x128xf32, #tpu.memory_space<vmem_shared>>)
        tpu.yield
      }) : () -> ()
      %mul3A_131 = arith.constant 4 : i32
      %mul3A_132 = arith.muli %mul3A_131, %scan3A_86 : i32
      %add3A_133 = arith.constant 2 : i32
      %add3A_134 = arith.addi %mul3A_132, %add3A_133 : i32
      %dma_wait3A_135 = arith.constant 2 : i32
      %dma_wait3A_136 = arith.constant 0 : i32
      %dma_wait3A_137 = arith.constant 0 : i32
      %dma_wait3A_138 = tpu.memref_slice %arg10[%dma_wait3A_135, %dma_wait3A_136, %dma_wait3A_137] : memref<4x64x128xf32, #tpu.memory_space<vmem>> -> memref<1x64x128xf32, #tpu.memory_space<vmem>>
      %dma_wait3A_139 = tpu.memref_squeeze %dma_wait3A_138 : memref<1x64x128xf32, #tpu.memory_space<vmem>> -> memref<64x128xf32, #tpu.memory_space<vmem>>
      %dma_wait3A_140 = arith.constant 0 : i32
      %dma_wait3A_141 = tpu.memref_slice %arg8[%add3A_134, %dma_wait3A_140] : memref<40x64xi32, #tpu.memory_space<vmem>> -> memref<1x64xi32, #tpu.memory_space<vmem>>
      %dma_wait3A_142 = tpu.memref_squeeze %dma_wait3A_141 : memref<1x64xi32, #tpu.memory_space<vmem>> -> memref<64xi32, #tpu.memory_space<vmem>>
      %dma_wait3A_143 = arith.constant 0 : i32
      %dma_wait3A_144 = arith.constant 0 : i32
      %dma_wait3A_145 = tpu.memref_slice %arg2[%dma_wait3A_143, %dma_wait3A_144] : memref<10000x128xf32, #tpu.memory_space<hbm>> -> memref<10000x128xf32, #tpu.memory_space<hbm>>
      tpu.wait_indirect_dma semaphore(%arg13 : memref<!tpu.dma_semaphore, #tpu.memory_space<semaphore_mem>>) src(%dma_wait3A_145 : memref<10000x128xf32, #tpu.memory_space<hbm>>) dst(%dma_wait3A_139 : memref<64x128xf32, #tpu.memory_space<vmem>>)
      %add3A_146 = arith.constant 4 : i32
      %add3A_147 = arith.addi %add3A_134, %add3A_146 : i32
      %sub3A_148 = arith.constant 1 : i32
      %sub3A_149 = arith.subi %add3A_147, %sub3A_148 : i32
      %lt3A_150 = arith.constant 40 : i32
      %lt3A_151 = arith.cmpi slt, %sub3A_149, %lt3A_150 : i32
      %convert_element_type3A_152 = arith.extui %lt3A_151 : i1 to i32
      %cond3A_153 = arith.constant 0 : i32
      %cond3A_154 = arith.cmpi ne, %convert_element_type3A_152, %cond3A_153 : i32
      scf.if %cond3A_154 {
        %add3A_181 = arith.constant 4 : i32
        %add3A_182 = arith.addi %add3A_134, %add3A_181 : i32
        %sub3A_183 = arith.constant 1 : i32
        %sub3A_184 = arith.subi %add3A_182, %sub3A_183 : i32
        %dma_start3A_185 = arith.constant 1 : i32
        %dma_start3A_186 = arith.constant 0 : i32
        %dma_start3A_187 = arith.constant 0 : i32
        %dma_start3A_188 = tpu.memref_slice %arg10[%dma_start3A_185, %dma_start3A_186, %dma_start3A_187] : memref<4x64x128xf32, #tpu.memory_space<vmem>> -> memref<1x64x128xf32, #tpu.memory_space<vmem>>
        %dma_start3A_189 = tpu.memref_squeeze %dma_start3A_188 : memref<1x64x128xf32, #tpu.memory_space<vmem>> -> memref<64x128xf32, #tpu.memory_space<vmem>>
        %dma_start3A_190 = arith.constant 0 : i32
        %dma_start3A_191 = tpu.memref_slice %arg8[%sub3A_184, %dma_start3A_190] : memref<40x64xi32, #tpu.memory_space<vmem>> -> memref<1x64xi32, #tpu.memory_space<vmem>>
        %dma_start3A_192 = tpu.memref_squeeze %dma_start3A_191 : memref<1x64xi32, #tpu.memory_space<vmem>> -> memref<64xi32, #tpu.memory_space<vmem>>
        %dma_start3A_193 = arith.constant 0 : i32
        %dma_start3A_194 = arith.constant 0 : i32
        %dma_start3A_195 = tpu.memref_slice %arg2[%dma_start3A_193, %dma_start3A_194] : memref<10000x128xf32, #tpu.memory_space<hbm>> -> memref<10000x128xf32, #tpu.memory_space<hbm>>
        tpu.enqueue_indirect_dma source(%dma_start3A_195 : memref<10000x128xf32, #tpu.memory_space<hbm>>) target(%dma_start3A_189 : memref<64x128xf32, #tpu.memory_space<vmem>>) offsets(%dma_start3A_192 : memref<64xi32, #tpu.memory_space<vmem>>) semaphore(%arg12 : memref<!tpu.dma_semaphore, #tpu.memory_space<semaphore_mem>>)
      } else {
      }
      %run_scoped3A_155 = arith.constant 2 : i32
      "tpu.region"() ({
        %run_scoped3A_181 = tpu.sem_alloc : memref<!tpu.dma_semaphore, #tpu.memory_space<semaphore_mem>>
        %dma_start3A_182 = arith.constant 0 : i32
        %dma_start3A_183 = arith.constant 0 : i32
        %dma_start3A_184 = tpu.memref_slice %arg10[%run_scoped3A_155, %dma_start3A_182, %dma_start3A_183] : memref<4x64x128xf32, #tpu.memory_space<vmem>> -> memref<1x64x128xf32, #tpu.memory_space<vmem>>
        %dma_start3A_185 = tpu.memref_squeeze %dma_start3A_184 : memref<1x64x128xf32, #tpu.memory_space<vmem>> -> memref<64x128xf32, #tpu.memory_space<vmem>>
        %dma_start3A_186 = arith.constant 0 : i32
        %dma_start3A_187 = tpu.memref_slice %arg9[%add3A_134, %dma_start3A_186] : memref<40x64xi32, #tpu.memory_space<vmem>> -> memref<1x64xi32, #tpu.memory_space<vmem>>
        %dma_start3A_188 = tpu.memref_squeeze %dma_start3A_187 : memref<1x64xi32, #tpu.memory_space<vmem>> -> memref<64xi32, #tpu.memory_space<vmem>>
        %dma_start3A_189 = arith.constant 0 : i32
        %dma_start3A_190 = arith.constant 0 : i32
        %dma_start3A_191 = tpu.memref_slice %arg7[%dma_start3A_189, %dma_start3A_190] : memref<10240x128xf32, #tpu.memory_space<vmem_shared>> -> memref<10240x128xf32, #tpu.memory_space<vmem_shared>>
        tpu.enqueue_indirect_dma source(%dma_start3A_185 : memref<64x128xf32, #tpu.memory_space<vmem>>) target(%dma_start3A_191 : memref<10240x128xf32, #tpu.memory_space<vmem_shared>>) offsets(%dma_start3A_188 : memref<64xi32, #tpu.memory_space<vmem>>) semaphore(%run_scoped3A_181 : memref<!tpu.dma_semaphore, #tpu.memory_space<semaphore_mem>>) {add = true}
        %dma_wait3A_192 = arith.constant 0 : i32
        %dma_wait3A_193 = arith.constant 0 : i32
        %dma_wait3A_194 = tpu.memref_slice %arg10[%run_scoped3A_155, %dma_wait3A_192, %dma_wait3A_193] : memref<4x64x128xf32, #tpu.memory_space<vmem>> -> memref<1x64x128xf32, #tpu.memory_space<vmem>>
        %dma_wait3A_195 = tpu.memref_squeeze %dma_wait3A_194 : memref<1x64x128xf32, #tpu.memory_space<vmem>> -> memref<64x128xf32, #tpu.memory_space<vmem>>
        %dma_wait3A_196 = arith.constant 0 : i32
        %dma_wait3A_197 = tpu.memref_slice %arg9[%add3A_134, %dma_wait3A_196] : memref<40x64xi32, #tpu.memory_space<vmem>> -> memref<1x64xi32, #tpu.memory_space<vmem>>
        %dma_wait3A_198 = tpu.memref_squeeze %dma_wait3A_197 : memref<1x64xi32, #tpu.memory_space<vmem>> -> memref<64xi32, #tpu.memory_space<vmem>>
        %dma_wait3A_199 = arith.constant 0 : i32
        %dma_wait3A_200 = arith.constant 0 : i32
        %dma_wait3A_201 = tpu.memref_slice %arg7[%dma_wait3A_199, %dma_wait3A_200] : memref<10240x128xf32, #tpu.memory_space<vmem_shared>> -> memref<10240x128xf32, #tpu.memory_space<vmem_shared>>
        tpu.wait_indirect_dma semaphore(%run_scoped3A_181 : memref<!tpu.dma_semaphore, #tpu.memory_space<semaphore_mem>>) src(%dma_wait3A_195 : memref<64x128xf32, #tpu.memory_space<vmem>>) dst(%dma_wait3A_201 : memref<10240x128xf32, #tpu.memory_space<vmem_shared>>)
        tpu.yield
      }) : () -> ()
      %mul3A_156 = arith.constant 4 : i32
      %mul3A_157 = arith.muli %mul3A_156, %scan3A_86 : i32
      %add3A_158 = arith.constant 3 : i32
      %add3A_159 = arith.addi %mul3A_157, %add3A_158 : i32
      %dma_wait3A_160 = arith.constant 3 : i32
      %dma_wait3A_161 = arith.constant 0 : i32
      %dma_wait3A_162 = arith.constant 0 : i32
      %dma_wait3A_163 = tpu.memref_slice %arg10[%dma_wait3A_160, %dma_wait3A_161, %dma_wait3A_162] : memref<4x64x128xf32, #tpu.memory_space<vmem>> -> memref<1x64x128xf32, #tpu.memory_space<vmem>>
      %dma_wait3A_164 = tpu.memref_squeeze %dma_wait3A_163 : memref<1x64x128xf32, #tpu.memory_space<vmem>> -> memref<64x128xf32, #tpu.memory_space<vmem>>
      %dma_wait3A_165 = arith.constant 0 : i32
      %dma_wait3A_166 = tpu.memref_slice %arg8[%add3A_159, %dma_wait3A_165] : memref<40x64xi32, #tpu.memory_space<vmem>> -> memref<1x64xi32, #tpu.memory_space<vmem>>
      %dma_wait3A_167 = tpu.memref_squeeze %dma_wait3A_166 : memref<1x64xi32, #tpu.memory_space<vmem>> -> memref<64xi32, #tpu.memory_space<vmem>>
      %dma_wait3A_168 = arith.constant 0 : i32
      %dma_wait3A_169 = arith.constant 0 : i32
      %dma_wait3A_170 = tpu.memref_slice %arg2[%dma_wait3A_168, %dma_wait3A_169] : memref<10000x128xf32, #tpu.memory_space<hbm>> -> memref<10000x128xf32, #tpu.memory_space<hbm>>
      tpu.wait_indirect_dma semaphore(%arg14 : memref<!tpu.dma_semaphore, #tpu.memory_space<semaphore_mem>>) src(%dma_wait3A_170 : memref<10000x128xf32, #tpu.memory_space<hbm>>) dst(%dma_wait3A_164 : memref<64x128xf32, #tpu.memory_space<vmem>>)
      %add3A_171 = arith.constant 4 : i32
      %add3A_172 = arith.addi %add3A_159, %add3A_171 : i32
      %sub3A_173 = arith.constant 1 : i32
      %sub3A_174 = arith.subi %add3A_172, %sub3A_173 : i32
      %lt3A_175 = arith.constant 40 : i32
      %lt3A_176 = arith.cmpi slt, %sub3A_174, %lt3A_175 : i32
      %convert_element_type3A_177 = arith.extui %lt3A_176 : i1 to i32
      %cond3A_178 = arith.constant 0 : i32
      %cond3A_179 = arith.cmpi ne, %convert_element_type3A_177, %cond3A_178 : i32
      scf.if %cond3A_179 {
        %add3A_181 = arith.constant 4 : i32
        %add3A_182 = arith.addi %add3A_159, %add3A_181 : i32
        %sub3A_183 = arith.constant 1 : i32
        %sub3A_184 = arith.subi %add3A_182, %sub3A_183 : i32
        %dma_start3A_185 = arith.constant 2 : i32
        %dma_start3A_186 = arith.constant 0 : i32
        %dma_start3A_187 = arith.constant 0 : i32
        %dma_start3A_188 = tpu.memref_slice %arg10[%dma_start3A_185, %dma_start3A_186, %dma_start3A_187] : memref<4x64x128xf32, #tpu.memory_space<vmem>> -> memref<1x64x128xf32, #tpu.memory_space<vmem>>
        %dma_start3A_189 = tpu.memref_squeeze %dma_start3A_188 : memref<1x64x128xf32, #tpu.memory_space<vmem>> -> memref<64x128xf32, #tpu.memory_space<vmem>>
        %dma_start3A_190 = arith.constant 0 : i32
        %dma_start3A_191 = tpu.memref_slice %arg8[%sub3A_184, %dma_start3A_190] : memref<40x64xi32, #tpu.memory_space<vmem>> -> memref<1x64xi32, #tpu.memory_space<vmem>>
        %dma_start3A_192 = tpu.memref_squeeze %dma_start3A_191 : memref<1x64xi32, #tpu.memory_space<vmem>> -> memref<64xi32, #tpu.memory_space<vmem>>
        %dma_start3A_193 = arith.constant 0 : i32
        %dma_start3A_194 = arith.constant 0 : i32
        %dma_start3A_195 = tpu.memref_slice %arg2[%dma_start3A_193, %dma_start3A_194] : memref<10000x128xf32, #tpu.memory_space<hbm>> -> memref<10000x128xf32, #tpu.memory_space<hbm>>
        tpu.enqueue_indirect_dma source(%dma_start3A_195 : memref<10000x128xf32, #tpu.memory_space<hbm>>) target(%dma_start3A_189 : memref<64x128xf32, #tpu.memory_space<vmem>>) offsets(%dma_start3A_192 : memref<64xi32, #tpu.memory_space<vmem>>) semaphore(%arg13 : memref<!tpu.dma_semaphore, #tpu.memory_space<semaphore_mem>>)
      } else {
      }
      %run_scoped3A_180 = arith.constant 3 : i32
      "tpu.region"() ({
        %run_scoped3A_181 = tpu.sem_alloc : memref<!tpu.dma_semaphore, #tpu.memory_space<semaphore_mem>>
        %dma_start3A_182 = arith.constant 0 : i32
        %dma_start3A_183 = arith.constant 0 : i32
        %dma_start3A_184 = tpu.memref_slice %arg10[%run_scoped3A_180, %dma_start3A_182, %dma_start3A_183] : memref<4x64x128xf32, #tpu.memory_space<vmem>> -> memref<1x64x128xf32, #tpu.memory_space<vmem>>
        %dma_start3A_185 = tpu.memref_squeeze %dma_start3A_184 : memref<1x64x128xf32, #tpu.memory_space<vmem>> -> memref<64x128xf32, #tpu.memory_space<vmem>>
        %dma_start3A_186 = arith.constant 0 : i32
        %dma_start3A_187 = tpu.memref_slice %arg9[%add3A_159, %dma_start3A_186] : memref<40x64xi32, #tpu.memory_space<vmem>> -> memref<1x64xi32, #tpu.memory_space<vmem>>
        %dma_start3A_188 = tpu.memref_squeeze %dma_start3A_187 : memref<1x64xi32, #tpu.memory_space<vmem>> -> memref<64xi32, #tpu.memory_space<vmem>>
        %dma_start3A_189 = arith.constant 0 : i32
        %dma_start3A_190 = arith.constant 0 : i32
        %dma_start3A_191 = tpu.memref_slice %arg7[%dma_start3A_189, %dma_start3A_190] : memref<10240x128xf32, #tpu.memory_space<vmem_shared>> -> memref<10240x128xf32, #tpu.memory_space<vmem_shared>>
        tpu.enqueue_indirect_dma source(%dma_start3A_185 : memref<64x128xf32, #tpu.memory_space<vmem>>) target(%dma_start3A_191 : memref<10240x128xf32, #tpu.memory_space<vmem_shared>>) offsets(%dma_start3A_188 : memref<64xi32, #tpu.memory_space<vmem>>) semaphore(%run_scoped3A_181 : memref<!tpu.dma_semaphore, #tpu.memory_space<semaphore_mem>>) {add = true}
        %dma_wait3A_192 = arith.constant 0 : i32
        %dma_wait3A_193 = arith.constant 0 : i32
        %dma_wait3A_194 = tpu.memref_slice %arg10[%run_scoped3A_180, %dma_wait3A_192, %dma_wait3A_193] : memref<4x64x128xf32, #tpu.memory_space<vmem>> -> memref<1x64x128xf32, #tpu.memory_space<vmem>>
        %dma_wait3A_195 = tpu.memref_squeeze %dma_wait3A_194 : memref<1x64x128xf32, #tpu.memory_space<vmem>> -> memref<64x128xf32, #tpu.memory_space<vmem>>
        %dma_wait3A_196 = arith.constant 0 : i32
        %dma_wait3A_197 = tpu.memref_slice %arg9[%add3A_159, %dma_wait3A_196] : memref<40x64xi32, #tpu.memory_space<vmem>> -> memref<1x64xi32, #tpu.memory_space<vmem>>
        %dma_wait3A_198 = tpu.memref_squeeze %dma_wait3A_197 : memref<1x64xi32, #tpu.memory_space<vmem>> -> memref<64xi32, #tpu.memory_space<vmem>>
        %dma_wait3A_199 = arith.constant 0 : i32
        %dma_wait3A_200 = arith.constant 0 : i32
        %dma_wait3A_201 = tpu.memref_slice %arg7[%dma_wait3A_199, %dma_wait3A_200] : memref<10240x128xf32, #tpu.memory_space<vmem_shared>> -> memref<10240x128xf32, #tpu.memory_space<vmem_shared>>
        tpu.wait_indirect_dma semaphore(%run_scoped3A_181 : memref<!tpu.dma_semaphore, #tpu.memory_space<semaphore_mem>>) src(%dma_wait3A_195 : memref<64x128xf32, #tpu.memory_space<vmem>>) dst(%dma_wait3A_201 : memref<10240x128xf32, #tpu.memory_space<vmem_shared>>)
        tpu.yield
      }) : () -> ()
    }
    %scan3A_42 = arith.constant 10 : i32
    "tpu.region"() ({
      %run_scoped3A = tpu.sem_alloc : memref<!tpu.dma_semaphore, #tpu.memory_space<semaphore_mem>>
      %dma_start3A_86 = arith.constant 40 : i32
      %dma_start3A_87 = arith.constant 0 : i32
      %dma_start3A_88 = tpu.memref_slice %arg3[%add3A, %dma_start3A_86, %dma_start3A_87] : memref<32x80x64xi32, #tpu.memory_space<hbm>> -> memref<1x40x64xi32, #tpu.memory_space<hbm>>
      %dma_start3A_89 = tpu.memref_squeeze %dma_start3A_88 : memref<1x40x64xi32, #tpu.memory_space<hbm>> -> memref<40x64xi32, #tpu.memory_space<hbm>>
      %dma_start3A_90 = arith.constant 40 : i32
      %dma_start3A_91 = arith.constant 0 : i32
      %dma_start3A_92 = tpu.memref_slice %arg3[%add3A, %dma_start3A_90, %dma_start3A_91] : memref<32x80x64xi32, #tpu.memory_space<hbm>> -> memref<1x40x64xi32, #tpu.memory_space<hbm>>
      %dma_start3A_93 = tpu.memref_squeeze %dma_start3A_92 : memref<1x40x64xi32, #tpu.memory_space<hbm>> -> memref<40x64xi32, #tpu.memory_space<hbm>>
      tpu.enqueue_dma source(%dma_start3A_93 : memref<40x64xi32, #tpu.memory_space<hbm>>) target(%arg8 : memref<40x64xi32, #tpu.memory_space<vmem>>) target_semaphore(%run_scoped3A : memref<!tpu.dma_semaphore, #tpu.memory_space<semaphore_mem>>)
      %dma_wait3A = arith.constant 40 : i32
      %dma_wait3A_94 = arith.constant 0 : i32
      %dma_wait3A_95 = tpu.memref_slice %arg3[%add3A, %dma_wait3A, %dma_wait3A_94] : memref<32x80x64xi32, #tpu.memory_space<hbm>> -> memref<1x40x64xi32, #tpu.memory_space<hbm>>
      %dma_wait3A_96 = tpu.memref_squeeze %dma_wait3A_95 : memref<1x40x64xi32, #tpu.memory_space<hbm>> -> memref<40x64xi32, #tpu.memory_space<hbm>>
      %dma_wait3A_97 = arith.constant 40 : i32
      %dma_wait3A_98 = arith.constant 0 : i32
      %dma_wait3A_99 = tpu.memref_slice %arg3[%add3A, %dma_wait3A_97, %dma_wait3A_98] : memref<32x80x64xi32, #tpu.memory_space<hbm>> -> memref<1x40x64xi32, #tpu.memory_space<hbm>>
      %dma_wait3A_100 = tpu.memref_squeeze %dma_wait3A_99 : memref<1x40x64xi32, #tpu.memory_space<hbm>> -> memref<40x64xi32, #tpu.memory_space<hbm>>
      tpu.wait_dma2 semaphore(%run_scoped3A : memref<!tpu.dma_semaphore, #tpu.memory_space<semaphore_mem>>) src(%dma_wait3A_100 : memref<40x64xi32, #tpu.memory_space<hbm>>) dst(%arg8 : memref<40x64xi32, #tpu.memory_space<vmem>>)
      tpu.yield
    }) : () -> ()
    "tpu.region"() ({
      %run_scoped3A = tpu.sem_alloc : memref<!tpu.dma_semaphore, #tpu.memory_space<semaphore_mem>>
      %dma_start3A_86 = arith.constant 40 : i32
      %dma_start3A_87 = arith.constant 0 : i32
      %dma_start3A_88 = tpu.memref_slice %arg4[%add3A, %dma_start3A_86, %dma_start3A_87] : memref<32x80x64xi32, #tpu.memory_space<hbm>> -> memref<1x40x64xi32, #tpu.memory_space<hbm>>
      %dma_start3A_89 = tpu.memref_squeeze %dma_start3A_88 : memref<1x40x64xi32, #tpu.memory_space<hbm>> -> memref<40x64xi32, #tpu.memory_space<hbm>>
      %dma_start3A_90 = arith.constant 40 : i32
      %dma_start3A_91 = arith.constant 0 : i32
      %dma_start3A_92 = tpu.memref_slice %arg4[%add3A, %dma_start3A_90, %dma_start3A_91] : memref<32x80x64xi32, #tpu.memory_space<hbm>> -> memref<1x40x64xi32, #tpu.memory_space<hbm>>
      %dma_start3A_93 = tpu.memref_squeeze %dma_start3A_92 : memref<1x40x64xi32, #tpu.memory_space<hbm>> -> memref<40x64xi32, #tpu.memory_space<hbm>>
      tpu.enqueue_dma source(%dma_start3A_93 : memref<40x64xi32, #tpu.memory_space<hbm>>) target(%arg9 : memref<40x64xi32, #tpu.memory_space<vmem>>) target_semaphore(%run_scoped3A : memref<!tpu.dma_semaphore, #tpu.memory_space<semaphore_mem>>)
      %dma_wait3A = arith.constant 40 : i32
      %dma_wait3A_94 = arith.constant 0 : i32
      %dma_wait3A_95 = tpu.memref_slice %arg4[%add3A, %dma_wait3A, %dma_wait3A_94] : memref<32x80x64xi32, #tpu.memory_space<hbm>> -> memref<1x40x64xi32, #tpu.memory_space<hbm>>
      %dma_wait3A_96 = tpu.memref_squeeze %dma_wait3A_95 : memref<1x40x64xi32, #tpu.memory_space<hbm>> -> memref<40x64xi32, #tpu.memory_space<hbm>>
      %dma_wait3A_97 = arith.constant 40 : i32
      %dma_wait3A_98 = arith.constant 0 : i32
      %dma_wait3A_99 = tpu.memref_slice %arg4[%add3A, %dma_wait3A_97, %dma_wait3A_98] : memref<32x80x64xi32, #tpu.memory_space<hbm>> -> memref<1x40x64xi32, #tpu.memory_space<hbm>>
      %dma_wait3A_100 = tpu.memref_squeeze %dma_wait3A_99 : memref<1x40x64xi32, #tpu.memory_space<hbm>> -> memref<40x64xi32, #tpu.memory_space<hbm>>
      tpu.wait_dma2 semaphore(%run_scoped3A : memref<!tpu.dma_semaphore, #tpu.memory_space<semaphore_mem>>) src(%dma_wait3A_100 : memref<40x64xi32, #tpu.memory_space<hbm>>) dst(%arg9 : memref<40x64xi32, #tpu.memory_space<vmem>>)
      tpu.yield
    }) : () -> ()
    %dma_start3A_43 = arith.constant 0 : i32
    %dma_start3A_44 = arith.constant 0 : i32
    %dma_start3A_45 = arith.constant 0 : i32
    %dma_start3A_46 = arith.constant 0 : i32
    %dma_start3A_47 = tpu.memref_slice %arg10[%dma_start3A_44, %dma_start3A_45, %dma_start3A_46] : memref<4x64x128xf32, #tpu.memory_space<vmem>> -> memref<1x64x128xf32, #tpu.memory_space<vmem>>
    %dma_start3A_48 = tpu.memref_squeeze %dma_start3A_47 : memref<1x64x128xf32, #tpu.memory_space<vmem>> -> memref<64x128xf32, #tpu.memory_space<vmem>>
    %dma_start3A_49 = arith.constant 0 : i32
    %dma_start3A_50 = tpu.memref_slice %arg8[%dma_start3A_43, %dma_start3A_49] : memref<40x64xi32, #tpu.memory_space<vmem>> -> memref<1x64xi32, #tpu.memory_space<vmem>>
    %dma_start3A_51 = tpu.memref_squeeze %dma_start3A_50 : memref<1x64xi32, #tpu.memory_space<vmem>> -> memref<64xi32, #tpu.memory_space<vmem>>
    %dma_start3A_52 = arith.constant 0 : i32
    %dma_start3A_53 = arith.constant 0 : i32
    %dma_start3A_54 = tpu.memref_slice %arg2[%dma_start3A_52, %dma_start3A_53] : memref<10000x128xf32, #tpu.memory_space<hbm>> -> memref<10000x128xf32, #tpu.memory_space<hbm>>
    tpu.enqueue_indirect_dma source(%dma_start3A_54 : memref<10000x128xf32, #tpu.memory_space<hbm>>) target(%dma_start3A_48 : memref<64x128xf32, #tpu.memory_space<vmem>>) offsets(%dma_start3A_51 : memref<64xi32, #tpu.memory_space<vmem>>) semaphore(%arg11 : memref<!tpu.dma_semaphore, #tpu.memory_space<semaphore_mem>>)
    %dma_start3A_55 = arith.constant 1 : i32
    %dma_start3A_56 = arith.constant 1 : i32
    %dma_start3A_57 = arith.constant 0 : i32
    %dma_start3A_58 = arith.constant 0 : i32
    %dma_start3A_59 = tpu.memref_slice %arg10[%dma_start3A_56, %dma_start3A_57, %dma_start3A_58] : memref<4x64x128xf32, #tpu.memory_space<vmem>> -> memref<1x64x128xf32, #tpu.memory_space<vmem>>
    %dma_start3A_60 = tpu.memref_squeeze %dma_start3A_59 : memref<1x64x128xf32, #tpu.memory_space<vmem>> -> memref<64x128xf32, #tpu.memory_space<vmem>>
    %dma_start3A_61 = arith.constant 0 : i32
    %dma_start3A_62 = tpu.memref_slice %arg8[%dma_start3A_55, %dma_start3A_61] : memref<40x64xi32, #tpu.memory_space<vmem>> -> memref<1x64xi32, #tpu.memory_space<vmem>>
    %dma_start3A_63 = tpu.memref_squeeze %dma_start3A_62 : memref<1x64xi32, #tpu.memory_space<vmem>> -> memref<64xi32, #tpu.memory_space<vmem>>
    %dma_start3A_64 = arith.constant 0 : i32
    %dma_start3A_65 = arith.constant 0 : i32
    %dma_start3A_66 = tpu.memref_slice %arg2[%dma_start3A_64, %dma_start3A_65] : memref<10000x128xf32, #tpu.memory_space<hbm>> -> memref<10000x128xf32, #tpu.memory_space<hbm>>
    tpu.enqueue_indirect_dma source(%dma_start3A_66 : memref<10000x128xf32, #tpu.memory_space<hbm>>) target(%dma_start3A_60 : memref<64x128xf32, #tpu.memory_space<vmem>>) offsets(%dma_start3A_63 : memref<64xi32, #tpu.memory_space<vmem>>) semaphore(%arg12 : memref<!tpu.dma_semaphore, #tpu.memory_space<semaphore_mem>>)
    %dma_start3A_67 = arith.constant 2 : i32
    %dma_start3A_68 = arith.constant 2 : i32
    %dma_start3A_69 = arith.constant 0 : i32
    %dma_start3A_70 = arith.constant 0 : i32
    %dma_start3A_71 = tpu.memref_slice %arg10[%dma_start3A_68, %dma_start3A_69, %dma_start3A_70] : memref<4x64x128xf32, #tpu.memory_space<vmem>> -> memref<1x64x128xf32, #tpu.memory_space<vmem>>
    %dma_start3A_72 = tpu.memref_squeeze %dma_start3A_71 : memref<1x64x128xf32, #tpu.memory_space<vmem>> -> memref<64x128xf32, #tpu.memory_space<vmem>>
    %dma_start3A_73 = arith.constant 0 : i32
    %dma_start3A_74 = tpu.memref_slice %arg8[%dma_start3A_67, %dma_start3A_73] : memref<40x64xi32, #tpu.memory_space<vmem>> -> memref<1x64xi32, #tpu.memory_space<vmem>>
    %dma_start3A_75 = tpu.memref_squeeze %dma_start3A_74 : memref<1x64xi32, #tpu.memory_space<vmem>> -> memref<64xi32, #tpu.memory_space<vmem>>
    %dma_start3A_76 = arith.constant 0 : i32
    %dma_start3A_77 = arith.constant 0 : i32
    %dma_start3A_78 = tpu.memref_slice %arg2[%dma_start3A_76, %dma_start3A_77] : memref<10000x128xf32, #tpu.memory_space<hbm>> -> memref<10000x128xf32, #tpu.memory_space<hbm>>
    tpu.enqueue_indirect_dma source(%dma_start3A_78 : memref<10000x128xf32, #tpu.memory_space<hbm>>) target(%dma_start3A_72 : memref<64x128xf32, #tpu.memory_space<vmem>>) offsets(%dma_start3A_75 : memref<64xi32, #tpu.memory_space<vmem>>) semaphore(%arg13 : memref<!tpu.dma_semaphore, #tpu.memory_space<semaphore_mem>>)
    %scan3A_79 = arith.constant 0 : i32
    %scan3A_80 = arith.constant 0 : i32
    %scan3A_81 = arith.constant 10 : i32
    %scan3A_82 = arith.addi %scan3A_80, %scan3A_81 : i32
    %scan3A_83 = arith.constant 1 : i32
    scf.for %scan3A_86 = %scan3A_80 to %scan3A_82 step %scan3A_83  : i32 {
      %mul3A_87 = arith.constant 4 : i32
      %mul3A_88 = arith.muli %mul3A_87, %scan3A_86 : i32
      %add3A_89 = arith.constant 0 : i32
      %add3A_90 = arith.addi %mul3A_88, %add3A_89 : i32
      %dma_wait3A = arith.constant 0 : i32
      %dma_wait3A_91 = arith.constant 0 : i32
      %dma_wait3A_92 = arith.constant 0 : i32
      %dma_wait3A_93 = tpu.memref_slice %arg10[%dma_wait3A, %dma_wait3A_91, %dma_wait3A_92] : memref<4x64x128xf32, #tpu.memory_space<vmem>> -> memref<1x64x128xf32, #tpu.memory_space<vmem>>
      %dma_wait3A_94 = tpu.memref_squeeze %dma_wait3A_93 : memref<1x64x128xf32, #tpu.memory_space<vmem>> -> memref<64x128xf32, #tpu.memory_space<vmem>>
      %dma_wait3A_95 = arith.constant 0 : i32
      %dma_wait3A_96 = tpu.memref_slice %arg8[%add3A_90, %dma_wait3A_95] : memref<40x64xi32, #tpu.memory_space<vmem>> -> memref<1x64xi32, #tpu.memory_space<vmem>>
      %dma_wait3A_97 = tpu.memref_squeeze %dma_wait3A_96 : memref<1x64xi32, #tpu.memory_space<vmem>> -> memref<64xi32, #tpu.memory_space<vmem>>
      %dma_wait3A_98 = arith.constant 0 : i32
      %dma_wait3A_99 = arith.constant 0 : i32
      %dma_wait3A_100 = tpu.memref_slice %arg2[%dma_wait3A_98, %dma_wait3A_99] : memref<10000x128xf32, #tpu.memory_space<hbm>> -> memref<10000x128xf32, #tpu.memory_space<hbm>>
      tpu.wait_indirect_dma semaphore(%arg11 : memref<!tpu.dma_semaphore, #tpu.memory_space<semaphore_mem>>) src(%dma_wait3A_100 : memref<10000x128xf32, #tpu.memory_space<hbm>>) dst(%dma_wait3A_94 : memref<64x128xf32, #tpu.memory_space<vmem>>)
      %add3A_101 = arith.constant 4 : i32
      %add3A_102 = arith.addi %add3A_90, %add3A_101 : i32
      %sub3A = arith.constant 1 : i32
      %sub3A_103 = arith.subi %add3A_102, %sub3A : i32
      %lt3A = arith.constant 40 : i32
      %lt3A_104 = arith.cmpi slt, %sub3A_103, %lt3A : i32
      %convert_element_type3A = arith.extui %lt3A_104 : i1 to i32
      %cond3A = arith.constant 0 : i32
      %cond3A_105 = arith.cmpi ne, %convert_element_type3A, %cond3A : i32
      scf.if %cond3A_105 {
        %add3A_181 = arith.constant 4 : i32
        %add3A_182 = arith.addi %add3A_90, %add3A_181 : i32
        %sub3A_183 = arith.constant 1 : i32
        %sub3A_184 = arith.subi %add3A_182, %sub3A_183 : i32
        %dma_start3A_185 = arith.constant 3 : i32
        %dma_start3A_186 = arith.constant 0 : i32
        %dma_start3A_187 = arith.constant 0 : i32
        %dma_start3A_188 = tpu.memref_slice %arg10[%dma_start3A_185, %dma_start3A_186, %dma_start3A_187] : memref<4x64x128xf32, #tpu.memory_space<vmem>> -> memref<1x64x128xf32, #tpu.memory_space<vmem>>
        %dma_start3A_189 = tpu.memref_squeeze %dma_start3A_188 : memref<1x64x128xf32, #tpu.memory_space<vmem>> -> memref<64x128xf32, #tpu.memory_space<vmem>>
        %dma_start3A_190 = arith.constant 0 : i32
        %dma_start3A_191 = tpu.memref_slice %arg8[%sub3A_184, %dma_start3A_190] : memref<40x64xi32, #tpu.memory_space<vmem>> -> memref<1x64xi32, #tpu.memory_space<vmem>>
        %dma_start3A_192 = tpu.memref_squeeze %dma_start3A_191 : memref<1x64xi32, #tpu.memory_space<vmem>> -> memref<64xi32, #tpu.memory_space<vmem>>
        %dma_start3A_193 = arith.constant 0 : i32
        %dma_start3A_194 = arith.constant 0 : i32
        %dma_start3A_195 = tpu.memref_slice %arg2[%dma_start3A_193, %dma_start3A_194] : memref<10000x128xf32, #tpu.memory_space<hbm>> -> memref<10000x128xf32, #tpu.memory_space<hbm>>
        tpu.enqueue_indirect_dma source(%dma_start3A_195 : memref<10000x128xf32, #tpu.memory_space<hbm>>) target(%dma_start3A_189 : memref<64x128xf32, #tpu.memory_space<vmem>>) offsets(%dma_start3A_192 : memref<64xi32, #tpu.memory_space<vmem>>) semaphore(%arg14 : memref<!tpu.dma_semaphore, #tpu.memory_space<semaphore_mem>>)
      } else {
      }
      %run_scoped3A = arith.constant 0 : i32
      "tpu.region"() ({
        %run_scoped3A_181 = tpu.sem_alloc : memref<!tpu.dma_semaphore, #tpu.memory_space<semaphore_mem>>
        %dma_start3A_182 = arith.constant 0 : i32
        %dma_start3A_183 = arith.constant 0 : i32
        %dma_start3A_184 = tpu.memref_slice %arg10[%run_scoped3A, %dma_start3A_182, %dma_start3A_183] : memref<4x64x128xf32, #tpu.memory_space<vmem>> -> memref<1x64x128xf32, #tpu.memory_space<vmem>>
        %dma_start3A_185 = tpu.memref_squeeze %dma_start3A_184 : memref<1x64x128xf32, #tpu.memory_space<vmem>> -> memref<64x128xf32, #tpu.memory_space<vmem>>
        %dma_start3A_186 = arith.constant 0 : i32
        %dma_start3A_187 = tpu.memref_slice %arg9[%add3A_90, %dma_start3A_186] : memref<40x64xi32, #tpu.memory_space<vmem>> -> memref<1x64xi32, #tpu.memory_space<vmem>>
        %dma_start3A_188 = tpu.memref_squeeze %dma_start3A_187 : memref<1x64xi32, #tpu.memory_space<vmem>> -> memref<64xi32, #tpu.memory_space<vmem>>
        %dma_start3A_189 = arith.constant 0 : i32
        %dma_start3A_190 = arith.constant 0 : i32
        %dma_start3A_191 = tpu.memref_slice %arg7[%dma_start3A_189, %dma_start3A_190] : memref<10240x128xf32, #tpu.memory_space<vmem_shared>> -> memref<10240x128xf32, #tpu.memory_space<vmem_shared>>
        tpu.enqueue_indirect_dma source(%dma_start3A_185 : memref<64x128xf32, #tpu.memory_space<vmem>>) target(%dma_start3A_191 : memref<10240x128xf32, #tpu.memory_space<vmem_shared>>) offsets(%dma_start3A_188 : memref<64xi32, #tpu.memory_space<vmem>>) semaphore(%run_scoped3A_181 : memref<!tpu.dma_semaphore, #tpu.memory_space<semaphore_mem>>) {add = true}
        %dma_wait3A_192 = arith.constant 0 : i32
        %dma_wait3A_193 = arith.constant 0 : i32
        %dma_wait3A_194 = tpu.memref_slice %arg10[%run_scoped3A, %dma_wait3A_192, %dma_wait3A_193] : memref<4x64x128xf32, #tpu.memory_space<vmem>> -> memref<1x64x128xf32, #tpu.memory_space<vmem>>
        %dma_wait3A_195 = tpu.memref_squeeze %dma_wait3A_194 : memref<1x64x128xf32, #tpu.memory_space<vmem>> -> memref<64x128xf32, #tpu.memory_space<vmem>>
        %dma_wait3A_196 = arith.constant 0 : i32
        %dma_wait3A_197 = tpu.memref_slice %arg9[%add3A_90, %dma_wait3A_196] : memref<40x64xi32, #tpu.memory_space<vmem>> -> memref<1x64xi32, #tpu.memory_space<vmem>>
        %dma_wait3A_198 = tpu.memref_squeeze %dma_wait3A_197 : memref<1x64xi32, #tpu.memory_space<vmem>> -> memref<64xi32, #tpu.memory_space<vmem>>
        %dma_wait3A_199 = arith.constant 0 : i32
        %dma_wait3A_200 = arith.constant 0 : i32
        %dma_wait3A_201 = tpu.memref_slice %arg7[%dma_wait3A_199, %dma_wait3A_200] : memref<10240x128xf32, #tpu.memory_space<vmem_shared>> -> memref<10240x128xf32, #tpu.memory_space<vmem_shared>>
        tpu.wait_indirect_dma semaphore(%run_scoped3A_181 : memref<!tpu.dma_semaphore, #tpu.memory_space<semaphore_mem>>) src(%dma_wait3A_195 : memref<64x128xf32, #tpu.memory_space<vmem>>) dst(%dma_wait3A_201 : memref<10240x128xf32, #tpu.memory_space<vmem_shared>>)
        tpu.yield
      }) : () -> ()
      %mul3A_106 = arith.constant 4 : i32
      %mul3A_107 = arith.muli %mul3A_106, %scan3A_86 : i32
      %add3A_108 = arith.constant 1 : i32
      %add3A_109 = arith.addi %mul3A_107, %add3A_108 : i32
      %dma_wait3A_110 = arith.constant 1 : i32
      %dma_wait3A_111 = arith.constant 0 : i32
      %dma_wait3A_112 = arith.constant 0 : i32
      %dma_wait3A_113 = tpu.memref_slice %arg10[%dma_wait3A_110, %dma_wait3A_111, %dma_wait3A_112] : memref<4x64x128xf32, #tpu.memory_space<vmem>> -> memref<1x64x128xf32, #tpu.memory_space<vmem>>
      %dma_wait3A_114 = tpu.memref_squeeze %dma_wait3A_113 : memref<1x64x128xf32, #tpu.memory_space<vmem>> -> memref<64x128xf32, #tpu.memory_space<vmem>>
      %dma_wait3A_115 = arith.constant 0 : i32
      %dma_wait3A_116 = tpu.memref_slice %arg8[%add3A_109, %dma_wait3A_115] : memref<40x64xi32, #tpu.memory_space<vmem>> -> memref<1x64xi32, #tpu.memory_space<vmem>>
      %dma_wait3A_117 = tpu.memref_squeeze %dma_wait3A_116 : memref<1x64xi32, #tpu.memory_space<vmem>> -> memref<64xi32, #tpu.memory_space<vmem>>
      %dma_wait3A_118 = arith.constant 0 : i32
      %dma_wait3A_119 = arith.constant 0 : i32
      %dma_wait3A_120 = tpu.memref_slice %arg2[%dma_wait3A_118, %dma_wait3A_119] : memref<10000x128xf32, #tpu.memory_space<hbm>> -> memref<10000x128xf32, #tpu.memory_space<hbm>>
      tpu.wait_indirect_dma semaphore(%arg12 : memref<!tpu.dma_semaphore, #tpu.memory_space<semaphore_mem>>) src(%dma_wait3A_120 : memref<10000x128xf32, #tpu.memory_space<hbm>>) dst(%dma_wait3A_114 : memref<64x128xf32, #tpu.memory_space<vmem>>)
      %add3A_121 = arith.constant 4 : i32
      %add3A_122 = arith.addi %add3A_109, %add3A_121 : i32
      %sub3A_123 = arith.constant 1 : i32
      %sub3A_124 = arith.subi %add3A_122, %sub3A_123 : i32
      %lt3A_125 = arith.constant 40 : i32
      %lt3A_126 = arith.cmpi slt, %sub3A_124, %lt3A_125 : i32
      %convert_element_type3A_127 = arith.extui %lt3A_126 : i1 to i32
      %cond3A_128 = arith.constant 0 : i32
      %cond3A_129 = arith.cmpi ne, %convert_element_type3A_127, %cond3A_128 : i32
      scf.if %cond3A_129 {
        %add3A_181 = arith.constant 4 : i32
        %add3A_182 = arith.addi %add3A_109, %add3A_181 : i32
        %sub3A_183 = arith.constant 1 : i32
        %sub3A_184 = arith.subi %add3A_182, %sub3A_183 : i32
        %dma_start3A_185 = arith.constant 0 : i32
        %dma_start3A_186 = arith.constant 0 : i32
        %dma_start3A_187 = arith.constant 0 : i32
        %dma_start3A_188 = tpu.memref_slice %arg10[%dma_start3A_185, %dma_start3A_186, %dma_start3A_187] : memref<4x64x128xf32, #tpu.memory_space<vmem>> -> memref<1x64x128xf32, #tpu.memory_space<vmem>>
        %dma_start3A_189 = tpu.memref_squeeze %dma_start3A_188 : memref<1x64x128xf32, #tpu.memory_space<vmem>> -> memref<64x128xf32, #tpu.memory_space<vmem>>
        %dma_start3A_190 = arith.constant 0 : i32
        %dma_start3A_191 = tpu.memref_slice %arg8[%sub3A_184, %dma_start3A_190] : memref<40x64xi32, #tpu.memory_space<vmem>> -> memref<1x64xi32, #tpu.memory_space<vmem>>
        %dma_start3A_192 = tpu.memref_squeeze %dma_start3A_191 : memref<1x64xi32, #tpu.memory_space<vmem>> -> memref<64xi32, #tpu.memory_space<vmem>>
        %dma_start3A_193 = arith.constant 0 : i32
        %dma_start3A_194 = arith.constant 0 : i32
        %dma_start3A_195 = tpu.memref_slice %arg2[%dma_start3A_193, %dma_start3A_194] : memref<10000x128xf32, #tpu.memory_space<hbm>> -> memref<10000x128xf32, #tpu.memory_space<hbm>>
        tpu.enqueue_indirect_dma source(%dma_start3A_195 : memref<10000x128xf32, #tpu.memory_space<hbm>>) target(%dma_start3A_189 : memref<64x128xf32, #tpu.memory_space<vmem>>) offsets(%dma_start3A_192 : memref<64xi32, #tpu.memory_space<vmem>>) semaphore(%arg11 : memref<!tpu.dma_semaphore, #tpu.memory_space<semaphore_mem>>)
      } else {
      }
      %run_scoped3A_130 = arith.constant 1 : i32
      "tpu.region"() ({
        %run_scoped3A_181 = tpu.sem_alloc : memref<!tpu.dma_semaphore, #tpu.memory_space<semaphore_mem>>
        %dma_start3A_182 = arith.constant 0 : i32
        %dma_start3A_183 = arith.constant 0 : i32
        %dma_start3A_184 = tpu.memref_slice %arg10[%run_scoped3A_130, %dma_start3A_182, %dma_start3A_183] : memref<4x64x128xf32, #tpu.memory_space<vmem>> -> memref<1x64x128xf32, #tpu.memory_space<vmem>>
        %dma_start3A_185 = tpu.memref_squeeze %dma_start3A_184 : memref<1x64x128xf32, #tpu.memory_space<vmem>> -> memref<64x128xf32, #tpu.memory_space<vmem>>
        %dma_start3A_186 = arith.constant 0 : i32
        %dma_start3A_187 = tpu.memref_slice %arg9[%add3A_109, %dma_start3A_186] : memref<40x64xi32, #tpu.memory_space<vmem>> -> memref<1x64xi32, #tpu.memory_space<vmem>>
        %dma_start3A_188 = tpu.memref_squeeze %dma_start3A_187 : memref<1x64xi32, #tpu.memory_space<vmem>> -> memref<64xi32, #tpu.memory_space<vmem>>
        %dma_start3A_189 = arith.constant 0 : i32
        %dma_start3A_190 = arith.constant 0 : i32
        %dma_start3A_191 = tpu.memref_slice %arg7[%dma_start3A_189, %dma_start3A_190] : memref<10240x128xf32, #tpu.memory_space<vmem_shared>> -> memref<10240x128xf32, #tpu.memory_space<vmem_shared>>
        tpu.enqueue_indirect_dma source(%dma_start3A_185 : memref<64x128xf32, #tpu.memory_space<vmem>>) target(%dma_start3A_191 : memref<10240x128xf32, #tpu.memory_space<vmem_shared>>) offsets(%dma_start3A_188 : memref<64xi32, #tpu.memory_space<vmem>>) semaphore(%run_scoped3A_181 : memref<!tpu.dma_semaphore, #tpu.memory_space<semaphore_mem>>) {add = true}
        %dma_wait3A_192 = arith.constant 0 : i32
        %dma_wait3A_193 = arith.constant 0 : i32
        %dma_wait3A_194 = tpu.memref_slice %arg10[%run_scoped3A_130, %dma_wait3A_192, %dma_wait3A_193] : memref<4x64x128xf32, #tpu.memory_space<vmem>> -> memref<1x64x128xf32, #tpu.memory_space<vmem>>
        %dma_wait3A_195 = tpu.memref_squeeze %dma_wait3A_194 : memref<1x64x128xf32, #tpu.memory_space<vmem>> -> memref<64x128xf32, #tpu.memory_space<vmem>>
        %dma_wait3A_196 = arith.constant 0 : i32
        %dma_wait3A_197 = tpu.memref_slice %arg9[%add3A_109, %dma_wait3A_196] : memref<40x64xi32, #tpu.memory_space<vmem>> -> memref<1x64xi32, #tpu.memory_space<vmem>>
        %dma_wait3A_198 = tpu.memref_squeeze %dma_wait3A_197 : memref<1x64xi32, #tpu.memory_space<vmem>> -> memref<64xi32, #tpu.memory_space<vmem>>
        %dma_wait3A_199 = arith.constant 0 : i32
        %dma_wait3A_200 = arith.constant 0 : i32
        %dma_wait3A_201 = tpu.memref_slice %arg7[%dma_wait3A_199, %dma_wait3A_200] : memref<10240x128xf32, #tpu.memory_space<vmem_shared>> -> memref<10240x128xf32, #tpu.memory_space<vmem_shared>>
        tpu.wait_indirect_dma semaphore(%run_scoped3A_181 : memref<!tpu.dma_semaphore, #tpu.memory_space<semaphore_mem>>) src(%dma_wait3A_195 : memref<64x128xf32, #tpu.memory_space<vmem>>) dst(%dma_wait3A_201 : memref<10240x128xf32, #tpu.memory_space<vmem_shared>>)
        tpu.yield
      }) : () -> ()
      %mul3A_131 = arith.constant 4 : i32
      %mul3A_132 = arith.muli %mul3A_131, %scan3A_86 : i32
      %add3A_133 = arith.constant 2 : i32
      %add3A_134 = arith.addi %mul3A_132, %add3A_133 : i32
      %dma_wait3A_135 = arith.constant 2 : i32
      %dma_wait3A_136 = arith.constant 0 : i32
      %dma_wait3A_137 = arith.constant 0 : i32
      %dma_wait3A_138 = tpu.memref_slice %arg10[%dma_wait3A_135, %dma_wait3A_136, %dma_wait3A_137] : memref<4x64x128xf32, #tpu.memory_space<vmem>> -> memref<1x64x128xf32, #tpu.memory_space<vmem>>
      %dma_wait3A_139 = tpu.memref_squeeze %dma_wait3A_138 : memref<1x64x128xf32, #tpu.memory_space<vmem>> -> memref<64x128xf32, #tpu.memory_space<vmem>>
      %dma_wait3A_140 = arith.constant 0 : i32
      %dma_wait3A_141 = tpu.memref_slice %arg8[%add3A_134, %dma_wait3A_140] : memref<40x64xi32, #tpu.memory_space<vmem>> -> memref<1x64xi32, #tpu.memory_space<vmem>>
      %dma_wait3A_142 = tpu.memref_squeeze %dma_wait3A_141 : memref<1x64xi32, #tpu.memory_space<vmem>> -> memref<64xi32, #tpu.memory_space<vmem>>
      %dma_wait3A_143 = arith.constant 0 : i32
      %dma_wait3A_144 = arith.constant 0 : i32
      %dma_wait3A_145 = tpu.memref_slice %arg2[%dma_wait3A_143, %dma_wait3A_144] : memref<10000x128xf32, #tpu.memory_space<hbm>> -> memref<10000x128xf32, #tpu.memory_space<hbm>>
      tpu.wait_indirect_dma semaphore(%arg13 : memref<!tpu.dma_semaphore, #tpu.memory_space<semaphore_mem>>) src(%dma_wait3A_145 : memref<10000x128xf32, #tpu.memory_space<hbm>>) dst(%dma_wait3A_139 : memref<64x128xf32, #tpu.memory_space<vmem>>)
      %add3A_146 = arith.constant 4 : i32
      %add3A_147 = arith.addi %add3A_134, %add3A_146 : i32
      %sub3A_148 = arith.constant 1 : i32
      %sub3A_149 = arith.subi %add3A_147, %sub3A_148 : i32
      %lt3A_150 = arith.constant 40 : i32
      %lt3A_151 = arith.cmpi slt, %sub3A_149, %lt3A_150 : i32
      %convert_element_type3A_152 = arith.extui %lt3A_151 : i1 to i32
      %cond3A_153 = arith.constant 0 : i32
      %cond3A_154 = arith.cmpi ne, %convert_element_type3A_152, %cond3A_153 : i32
      scf.if %cond3A_154 {
        %add3A_181 = arith.constant 4 : i32
        %add3A_182 = arith.addi %add3A_134, %add3A_181 : i32
        %sub3A_183 = arith.constant 1 : i32
        %sub3A_184 = arith.subi %add3A_182, %sub3A_183 : i32
        %dma_start3A_185 = arith.constant 1 : i32
        %dma_start3A_186 = arith.constant 0 : i32
        %dma_start3A_187 = arith.constant 0 : i32
        %dma_start3A_188 = tpu.memref_slice %arg10[%dma_start3A_185, %dma_start3A_186, %dma_start3A_187] : memref<4x64x128xf32, #tpu.memory_space<vmem>> -> memref<1x64x128xf32, #tpu.memory_space<vmem>>
        %dma_start3A_189 = tpu.memref_squeeze %dma_start3A_188 : memref<1x64x128xf32, #tpu.memory_space<vmem>> -> memref<64x128xf32, #tpu.memory_space<vmem>>
        %dma_start3A_190 = arith.constant 0 : i32
        %dma_start3A_191 = tpu.memref_slice %arg8[%sub3A_184, %dma_start3A_190] : memref<40x64xi32, #tpu.memory_space<vmem>> -> memref<1x64xi32, #tpu.memory_space<vmem>>
        %dma_start3A_192 = tpu.memref_squeeze %dma_start3A_191 : memref<1x64xi32, #tpu.memory_space<vmem>> -> memref<64xi32, #tpu.memory_space<vmem>>
        %dma_start3A_193 = arith.constant 0 : i32
        %dma_start3A_194 = arith.constant 0 : i32
        %dma_start3A_195 = tpu.memref_slice %arg2[%dma_start3A_193, %dma_start3A_194] : memref<10000x128xf32, #tpu.memory_space<hbm>> -> memref<10000x128xf32, #tpu.memory_space<hbm>>
        tpu.enqueue_indirect_dma source(%dma_start3A_195 : memref<10000x128xf32, #tpu.memory_space<hbm>>) target(%dma_start3A_189 : memref<64x128xf32, #tpu.memory_space<vmem>>) offsets(%dma_start3A_192 : memref<64xi32, #tpu.memory_space<vmem>>) semaphore(%arg12 : memref<!tpu.dma_semaphore, #tpu.memory_space<semaphore_mem>>)
      } else {
      }
      %run_scoped3A_155 = arith.constant 2 : i32
      "tpu.region"() ({
        %run_scoped3A_181 = tpu.sem_alloc : memref<!tpu.dma_semaphore, #tpu.memory_space<semaphore_mem>>
        %dma_start3A_182 = arith.constant 0 : i32
        %dma_start3A_183 = arith.constant 0 : i32
        %dma_start3A_184 = tpu.memref_slice %arg10[%run_scoped3A_155, %dma_start3A_182, %dma_start3A_183] : memref<4x64x128xf32, #tpu.memory_space<vmem>> -> memref<1x64x128xf32, #tpu.memory_space<vmem>>
        %dma_start3A_185 = tpu.memref_squeeze %dma_start3A_184 : memref<1x64x128xf32, #tpu.memory_space<vmem>> -> memref<64x128xf32, #tpu.memory_space<vmem>>
        %dma_start3A_186 = arith.constant 0 : i32
        %dma_start3A_187 = tpu.memref_slice %arg9[%add3A_134, %dma_start3A_186] : memref<40x64xi32, #tpu.memory_space<vmem>> -> memref<1x64xi32, #tpu.memory_space<vmem>>
        %dma_start3A_188 = tpu.memref_squeeze %dma_start3A_187 : memref<1x64xi32, #tpu.memory_space<vmem>> -> memref<64xi32, #tpu.memory_space<vmem>>
        %dma_start3A_189 = arith.constant 0 : i32
        %dma_start3A_190 = arith.constant 0 : i32
        %dma_start3A_191 = tpu.memref_slice %arg7[%dma_start3A_189, %dma_start3A_190] : memref<10240x128xf32, #tpu.memory_space<vmem_shared>> -> memref<10240x128xf32, #tpu.memory_space<vmem_shared>>
        tpu.enqueue_indirect_dma source(%dma_start3A_185 : memref<64x128xf32, #tpu.memory_space<vmem>>) target(%dma_start3A_191 : memref<10240x128xf32, #tpu.memory_space<vmem_shared>>) offsets(%dma_start3A_188 : memref<64xi32, #tpu.memory_space<vmem>>) semaphore(%run_scoped3A_181 : memref<!tpu.dma_semaphore, #tpu.memory_space<semaphore_mem>>) {add = true}
        %dma_wait3A_192 = arith.constant 0 : i32
        %dma_wait3A_193 = arith.constant 0 : i32
        %dma_wait3A_194 = tpu.memref_slice %arg10[%run_scoped3A_155, %dma_wait3A_192, %dma_wait3A_193] : memref<4x64x128xf32, #tpu.memory_space<vmem>> -> memref<1x64x128xf32, #tpu.memory_space<vmem>>
        %dma_wait3A_195 = tpu.memref_squeeze %dma_wait3A_194 : memref<1x64x128xf32, #tpu.memory_space<vmem>> -> memref<64x128xf32, #tpu.memory_space<vmem>>
        %dma_wait3A_196 = arith.constant 0 : i32
        %dma_wait3A_197 = tpu.memref_slice %arg9[%add3A_134, %dma_wait3A_196] : memref<40x64xi32, #tpu.memory_space<vmem>> -> memref<1x64xi32, #tpu.memory_space<vmem>>
        %dma_wait3A_198 = tpu.memref_squeeze %dma_wait3A_197 : memref<1x64xi32, #tpu.memory_space<vmem>> -> memref<64xi32, #tpu.memory_space<vmem>>
        %dma_wait3A_199 = arith.constant 0 : i32
        %dma_wait3A_200 = arith.constant 0 : i32
        %dma_wait3A_201 = tpu.memref_slice %arg7[%dma_wait3A_199, %dma_wait3A_200] : memref<10240x128xf32, #tpu.memory_space<vmem_shared>> -> memref<10240x128xf32, #tpu.memory_space<vmem_shared>>
        tpu.wait_indirect_dma semaphore(%run_scoped3A_181 : memref<!tpu.dma_semaphore, #tpu.memory_space<semaphore_mem>>) src(%dma_wait3A_195 : memref<64x128xf32, #tpu.memory_space<vmem>>) dst(%dma_wait3A_201 : memref<10240x128xf32, #tpu.memory_space<vmem_shared>>)
        tpu.yield
      }) : () -> ()
      %mul3A_156 = arith.constant 4 : i32
      %mul3A_157 = arith.muli %mul3A_156, %scan3A_86 : i32
      %add3A_158 = arith.constant 3 : i32
      %add3A_159 = arith.addi %mul3A_157, %add3A_158 : i32
      %dma_wait3A_160 = arith.constant 3 : i32
      %dma_wait3A_161 = arith.constant 0 : i32
      %dma_wait3A_162 = arith.constant 0 : i32
      %dma_wait3A_163 = tpu.memref_slice %arg10[%dma_wait3A_160, %dma_wait3A_161, %dma_wait3A_162] : memref<4x64x128xf32, #tpu.memory_space<vmem>> -> memref<1x64x128xf32, #tpu.memory_space<vmem>>
      %dma_wait3A_164 = tpu.memref_squeeze %dma_wait3A_163 : memref<1x64x128xf32, #tpu.memory_space<vmem>> -> memref<64x128xf32, #tpu.memory_space<vmem>>
      %dma_wait3A_165 = arith.constant 0 : i32
      %dma_wait3A_166 = tpu.memref_slice %arg8[%add3A_159, %dma_wait3A_165] : memref<40x64xi32, #tpu.memory_space<vmem>> -> memref<1x64xi32, #tpu.memory_space<vmem>>
      %dma_wait3A_167 = tpu.memref_squeeze %dma_wait3A_166 : memref<1x64xi32, #tpu.memory_space<vmem>> -> memref<64xi32, #tpu.memory_space<vmem>>
      %dma_wait3A_168 = arith.constant 0 : i32
      %dma_wait3A_169 = arith.constant 0 : i32
      %dma_wait3A_170 = tpu.memref_slice %arg2[%dma_wait3A_168, %dma_wait3A_169] : memref<10000x128xf32, #tpu.memory_space<hbm>> -> memref<10000x128xf32, #tpu.memory_space<hbm>>
      tpu.wait_indirect_dma semaphore(%arg14 : memref<!tpu.dma_semaphore, #tpu.memory_space<semaphore_mem>>) src(%dma_wait3A_170 : memref<10000x128xf32, #tpu.memory_space<hbm>>) dst(%dma_wait3A_164 : memref<64x128xf32, #tpu.memory_space<vmem>>)
      %add3A_171 = arith.constant 4 : i32
      %add3A_172 = arith.addi %add3A_159, %add3A_171 : i32
      %sub3A_173 = arith.constant 1 : i32
      %sub3A_174 = arith.subi %add3A_172, %sub3A_173 : i32
      %lt3A_175 = arith.constant 40 : i32
      %lt3A_176 = arith.cmpi slt, %sub3A_174, %lt3A_175 : i32
      %convert_element_type3A_177 = arith.extui %lt3A_176 : i1 to i32
      %cond3A_178 = arith.constant 0 : i32
      %cond3A_179 = arith.cmpi ne, %convert_element_type3A_177, %cond3A_178 : i32
      scf.if %cond3A_179 {
        %add3A_181 = arith.constant 4 : i32
        %add3A_182 = arith.addi %add3A_159, %add3A_181 : i32
        %sub3A_183 = arith.constant 1 : i32
        %sub3A_184 = arith.subi %add3A_182, %sub3A_183 : i32
        %dma_start3A_185 = arith.constant 2 : i32
        %dma_start3A_186 = arith.constant 0 : i32
        %dma_start3A_187 = arith.constant 0 : i32
        %dma_start3A_188 = tpu.memref_slice %arg10[%dma_start3A_185, %dma_start3A_186, %dma_start3A_187] : memref<4x64x128xf32, #tpu.memory_space<vmem>> -> memref<1x64x128xf32, #tpu.memory_space<vmem>>
        %dma_start3A_189 = tpu.memref_squeeze %dma_start3A_188 : memref<1x64x128xf32, #tpu.memory_space<vmem>> -> memref<64x128xf32, #tpu.memory_space<vmem>>
        %dma_start3A_190 = arith.constant 0 : i32
        %dma_start3A_191 = tpu.memref_slice %arg8[%sub3A_184, %dma_start3A_190] : memref<40x64xi32, #tpu.memory_space<vmem>> -> memref<1x64xi32, #tpu.memory_space<vmem>>
        %dma_start3A_192 = tpu.memref_squeeze %dma_start3A_191 : memref<1x64xi32, #tpu.memory_space<vmem>> -> memref<64xi32, #tpu.memory_space<vmem>>
        %dma_start3A_193 = arith.constant 0 : i32
        %dma_start3A_194 = arith.constant 0 : i32
        %dma_start3A_195 = tpu.memref_slice %arg2[%dma_start3A_193, %dma_start3A_194] : memref<10000x128xf32, #tpu.memory_space<hbm>> -> memref<10000x128xf32, #tpu.memory_space<hbm>>
        tpu.enqueue_indirect_dma source(%dma_start3A_195 : memref<10000x128xf32, #tpu.memory_space<hbm>>) target(%dma_start3A_189 : memref<64x128xf32, #tpu.memory_space<vmem>>) offsets(%dma_start3A_192 : memref<64xi32, #tpu.memory_space<vmem>>) semaphore(%arg13 : memref<!tpu.dma_semaphore, #tpu.memory_space<semaphore_mem>>)
      } else {
      }
      %run_scoped3A_180 = arith.constant 3 : i32
      "tpu.region"() ({
        %run_scoped3A_181 = tpu.sem_alloc : memref<!tpu.dma_semaphore, #tpu.memory_space<semaphore_mem>>
        %dma_start3A_182 = arith.constant 0 : i32
        %dma_start3A_183 = arith.constant 0 : i32
        %dma_start3A_184 = tpu.memref_slice %arg10[%run_scoped3A_180, %dma_start3A_182, %dma_start3A_183] : memref<4x64x128xf32, #tpu.memory_space<vmem>> -> memref<1x64x128xf32, #tpu.memory_space<vmem>>
        %dma_start3A_185 = tpu.memref_squeeze %dma_start3A_184 : memref<1x64x128xf32, #tpu.memory_space<vmem>> -> memref<64x128xf32, #tpu.memory_space<vmem>>
        %dma_start3A_186 = arith.constant 0 : i32
        %dma_start3A_187 = tpu.memref_slice %arg9[%add3A_159, %dma_start3A_186] : memref<40x64xi32, #tpu.memory_space<vmem>> -> memref<1x64xi32, #tpu.memory_space<vmem>>
        %dma_start3A_188 = tpu.memref_squeeze %dma_start3A_187 : memref<1x64xi32, #tpu.memory_space<vmem>> -> memref<64xi32, #tpu.memory_space<vmem>>
        %dma_start3A_189 = arith.constant 0 : i32
        %dma_start3A_190 = arith.constant 0 : i32
        %dma_start3A_191 = tpu.memref_slice %arg7[%dma_start3A_189, %dma_start3A_190] : memref<10240x128xf32, #tpu.memory_space<vmem_shared>> -> memref<10240x128xf32, #tpu.memory_space<vmem_shared>>
        tpu.enqueue_indirect_dma source(%dma_start3A_185 : memref<64x128xf32, #tpu.memory_space<vmem>>) target(%dma_start3A_191 : memref<10240x128xf32, #tpu.memory_space<vmem_shared>>) offsets(%dma_start3A_188 : memref<64xi32, #tpu.memory_space<vmem>>) semaphore(%run_scoped3A_181 : memref<!tpu.dma_semaphore, #tpu.memory_space<semaphore_mem>>) {add = true}
        %dma_wait3A_192 = arith.constant 0 : i32
        %dma_wait3A_193 = arith.constant 0 : i32
        %dma_wait3A_194 = tpu.memref_slice %arg10[%run_scoped3A_180, %dma_wait3A_192, %dma_wait3A_193] : memref<4x64x128xf32, #tpu.memory_space<vmem>> -> memref<1x64x128xf32, #tpu.memory_space<vmem>>
        %dma_wait3A_195 = tpu.memref_squeeze %dma_wait3A_194 : memref<1x64x128xf32, #tpu.memory_space<vmem>> -> memref<64x128xf32, #tpu.memory_space<vmem>>
        %dma_wait3A_196 = arith.constant 0 : i32
        %dma_wait3A_197 = tpu.memref_slice %arg9[%add3A_159, %dma_wait3A_196] : memref<40x64xi32, #tpu.memory_space<vmem>> -> memref<1x64xi32, #tpu.memory_space<vmem>>
        %dma_wait3A_198 = tpu.memref_squeeze %dma_wait3A_197 : memref<1x64xi32, #tpu.memory_space<vmem>> -> memref<64xi32, #tpu.memory_space<vmem>>
        %dma_wait3A_199 = arith.constant 0 : i32
        %dma_wait3A_200 = arith.constant 0 : i32
        %dma_wait3A_201 = tpu.memref_slice %arg7[%dma_wait3A_199, %dma_wait3A_200] : memref<10240x128xf32, #tpu.memory_space<vmem_shared>> -> memref<10240x128xf32, #tpu.memory_space<vmem_shared>>
        tpu.wait_indirect_dma semaphore(%run_scoped3A_181 : memref<!tpu.dma_semaphore, #tpu.memory_space<semaphore_mem>>) src(%dma_wait3A_195 : memref<64x128xf32, #tpu.memory_space<vmem>>) dst(%dma_wait3A_201 : memref<10240x128xf32, #tpu.memory_space<vmem_shared>>)
        tpu.yield
      }) : () -> ()
    }
    %scan3A_84 = arith.constant 10 : i32
    %barrier3A_85 = arith.constant 0 : index
    tpu.barrier barrier_id(%barrier3A_85)
    "tpu.region"() ({
      %run_scoped3A = tpu.sem_alloc : memref<!tpu.dma_semaphore, #tpu.memory_space<semaphore_mem>>
      %dma_start3A_86 = arith.constant 0 : i32
      %dma_start3A_87 = tpu.memref_slice %arg6[%arg0, %mul3A_2, %dma_start3A_86] : memref<2x10240x128xf32, #tpu.memory_space<hbm>> -> memref<1x640x128xf32, #tpu.memory_space<hbm>>
      %dma_start3A_88 = tpu.memref_squeeze %dma_start3A_87 : memref<1x640x128xf32, #tpu.memory_space<hbm>> -> memref<640x128xf32, #tpu.memory_space<hbm>>
      %dma_start3A_89 = arith.constant 0 : i32
      %dma_start3A_90 = tpu.memref_slice %arg7[%mul3A_2, %dma_start3A_89] : memref<10240x128xf32, #tpu.memory_space<vmem_shared>> -> memref<640x128xf32, #tpu.memory_space<vmem_shared>>
      tpu.enqueue_dma source(%dma_start3A_90 : memref<640x128xf32, #tpu.memory_space<vmem_shared>>) target(%dma_start3A_88 : memref<640x128xf32, #tpu.memory_space<hbm>>) target_semaphore(%run_scoped3A : memref<!tpu.dma_semaphore, #tpu.memory_space<semaphore_mem>>)
      %dma_wait3A = arith.constant 0 : i32
      %dma_wait3A_91 = tpu.memref_slice %arg6[%arg0, %mul3A_2, %dma_wait3A] : memref<2x10240x128xf32, #tpu.memory_space<hbm>> -> memref<1x640x128xf32, #tpu.memory_space<hbm>>
      %dma_wait3A_92 = tpu.memref_squeeze %dma_wait3A_91 : memref<1x640x128xf32, #tpu.memory_space<hbm>> -> memref<640x128xf32, #tpu.memory_space<hbm>>
      %dma_wait3A_93 = arith.constant 0 : i32
      %dma_wait3A_94 = tpu.memref_slice %arg7[%mul3A_2, %dma_wait3A_93] : memref<10240x128xf32, #tpu.memory_space<vmem_shared>> -> memref<640x128xf32, #tpu.memory_space<vmem_shared>>
      tpu.wait_dma2 semaphore(%run_scoped3A : memref<!tpu.dma_semaphore, #tpu.memory_space<semaphore_mem>>) src(%dma_wait3A_94 : memref<640x128xf32, #tpu.memory_space<vmem_shared>>) dst(%dma_wait3A_92 : memref<640x128xf32, #tpu.memory_space<hbm>>)
      tpu.yield
    }) : () -> ()
    return
  }
}

module attributes {stable_mosaic.version = 14 : i64} {
  func.func @_proj_body(%arg0: i32, %arg1: memref<1024x256xf32, #tpu.memory_space<vmem>>, %arg2: memref<256x256xf32, #tpu.memory_space<vmem>>, %arg3: memref<1024x128xf32, #tpu.memory_space<vmem>>, %arg4: memref<1024x128xf32, #tpu.memory_space<vmem>>) attributes {dimension_semantics = [#tpu.dimension_semantics<arbitrary>], iteration_bounds = array<i64: 10>, scalar_prefetch = 0 : i64, scratch_operands = 0 : i64, tpu.core_type = #tpu.core_type<tc>, window_params = [{transform_indices = @transform_0, window_bounds = array<i64: 1024, 256>}, {pipeline_mode = #tpu.pipeline_mode<synchronous>, transform_indices = @transform_1, window_bounds = array<i64: 256, 256>}, {transform_indices = @transform_2, window_bounds = array<i64: 1024, 128>}, {transform_indices = @transform_3, window_bounds = array<i64: 1024, 128>}]} {
    %get3A = arith.constant 0 : index
    %get3A_0 = arith.constant 0 : index
    %get3A_1 = vector.load %arg1[%get3A, %get3A_0] : memref<1024x256xf32, #tpu.memory_space<vmem>>, vector<1024x256xf32>
    %get3A_2 = arith.constant 0 : index
    %get3A_3 = arith.constant 0 : index
    %get3A_4 = vector.load %arg2[%get3A_2, %get3A_3] : memref<256x256xf32, #tpu.memory_space<vmem>>, vector<256x256xf32>
    %dot_general3A = arith.constant dense<0.000000e+00> : vector<1024x256xf32>
    %dot_general3A_5 = tpu.matmul %get3A_1, %get3A_4, %dot_general3A {dimension_numbers = #tpu.dot_dimension_numbers<[1], [0], [0], [1], [0, 0, 1, 1], [], []>, transpose_lhs_hint = false} : vector<1024x256xf32>, vector<256x256xf32>, vector<1024x256xf32> -> vector<1024x256xf32>
    %slice3A = vector.extract_strided_slice %dot_general3A_5 {offsets = [0, 0], sizes = [1024, 128], strides = [1, 1]} : vector<1024x256xf32> to vector<1024x128xf32>
    %swap3A = arith.constant 0 : index
    %swap3A_6 = arith.constant 0 : index
    %swap3A_7 = vector.load %arg3[%swap3A, %swap3A_6] : memref<1024x128xf32, #tpu.memory_space<vmem>>, vector<1024x128xf32>
    tpu.vector_store %arg3[%swap3A, %swap3A_6], %slice3A {strides = array<i32>} : memref<1024x128xf32, #tpu.memory_space<vmem>>, vector<1024x128xf32>,
    %slice3A_8 = vector.extract_strided_slice %dot_general3A_5 {offsets = [0, 128], sizes = [1024, 128], strides = [1, 1]} : vector<1024x256xf32> to vector<1024x128xf32>
    %swap3A_9 = arith.constant 0 : index
    %swap3A_10 = arith.constant 0 : index
    %swap3A_11 = vector.load %arg4[%swap3A_9, %swap3A_10] : memref<1024x128xf32, #tpu.memory_space<vmem>>, vector<1024x128xf32>
    tpu.vector_store %arg4[%swap3A_9, %swap3A_10], %slice3A_8 {strides = array<i32>} : memref<1024x128xf32, #tpu.memory_space<vmem>>, vector<1024x128xf32>,
    return
  }
  func.func @transform_0(%arg0: i32) -> (i32, i32) {
    %c0_i32 = arith.constant 0 : i32
    %c0_i32_0 = arith.constant 0 : i32
    return %arg0, %c0_i32 : i32, i32
  }
  func.func @transform_1(%arg0: i32) -> (i32, i32) {
    %c0_i32 = arith.constant 0 : i32
    %c0_i32_0 = arith.constant 0 : i32
    %c0_i32_1 = arith.constant 0 : i32
    return %c0_i32, %c0_i32_0 : i32, i32
  }
  func.func @transform_2(%arg0: i32) -> (i32, i32) {
    %c0_i32 = arith.constant 0 : i32
    %c0_i32_0 = arith.constant 0 : i32
    return %arg0, %c0_i32 : i32, i32
  }
  func.func @transform_3(%arg0: i32) -> (i32, i32) {
    %c0_i32 = arith.constant 0 : i32
    %c0_i32_0 = arith.constant 0 : i32
    return %arg0, %c0_i32 : i32, i32
  }
}

module attributes {stable_mosaic.version = 14 : i64} {
  func.func @_combine_proj_body(%arg0: i32, %arg1: memref<2x1024x128xf32, #tpu.memory_space<vmem>>, %arg2: memref<32x1024xf32, #tpu.memory_space<vmem>>, %arg3: memref<1024x128xf32, #tpu.memory_space<vmem>>, %arg4: memref<1x128xf32, #tpu.memory_space<vmem>>, %arg5: memref<1x128xf32, #tpu.memory_space<vmem>>, %arg6: memref<1x128xf32, #tpu.memory_space<vmem>>, %arg7: memref<128x256xf32, #tpu.memory_space<vmem>>, %arg8: memref<1024x128xf32, #tpu.memory_space<vmem>>, %arg9: memref<1024x128xf32, #tpu.memory_space<vmem>>) attributes {dimension_semantics = [#tpu.dimension_semantics<arbitrary>], iteration_bounds = array<i64: 10>, scalar_prefetch = 0 : i64, scratch_operands = 0 : i64, tpu.core_type = #tpu.core_type<tc>, window_params = [{transform_indices = @transform_0, window_bounds = array<i64: 2, 1024, 128>}, {transform_indices = @transform_1, window_bounds = array<i64: 32, 1024>}, {transform_indices = @transform_2, window_bounds = array<i64: 1024, 128>}, {pipeline_mode = #tpu.pipeline_mode<synchronous>, transform_indices = @transform_3, window_bounds = array<i64: 1, 128>}, {pipeline_mode = #tpu.pipeline_mode<synchronous>, transform_indices = @transform_4, window_bounds = array<i64: 1, 128>}, {pipeline_mode = #tpu.pipeline_mode<synchronous>, transform_indices = @transform_5, window_bounds = array<i64: 1, 128>}, {pipeline_mode = #tpu.pipeline_mode<synchronous>, transform_indices = @transform_6, window_bounds = array<i64: 128, 256>}, {transform_indices = @transform_7, window_bounds = array<i64: 1024, 128>}, {transform_indices = @transform_8, window_bounds = array<i64: 1024, 128>}]} {
    %get3A = arith.constant 0 : index
    %get3A_0 = arith.constant 0 : index
    %get3A_1 = arith.constant 0 : index
    %get3A_2 = vector.load %arg1[%get3A, %get3A_0, %get3A_1] : memref<2x1024x128xf32, #tpu.memory_space<vmem>>, vector<1x1024x128xf32>
    %get3A_3 = vector.shape_cast %get3A_2 : vector<1x1024x128xf32> to vector<1024x128xf32>
    %get3A_4 = arith.constant 1 : index
    %get3A_5 = arith.constant 0 : index
    %get3A_6 = arith.constant 0 : index
    %get3A_7 = vector.load %arg1[%get3A_4, %get3A_5, %get3A_6] : memref<2x1024x128xf32, #tpu.memory_space<vmem>>, vector<1x1024x128xf32>
    %get3A_8 = vector.shape_cast %get3A_7 : vector<1x1024x128xf32> to vector<1024x128xf32>
    %add3A = arith.addf %get3A_3, %get3A_8 : vector<1024x128xf32>
    %get3A_9 = arith.constant 0 : index
    %get3A_10 = arith.constant 0 : index
    %get3A_11 = vector.load %arg2[%get3A_9, %get3A_10] : memref<32x1024xf32, #tpu.memory_space<vmem>>, vector<32x1024xf32>
    %reduce_sum3A = arith.constant dense<0.000000e+00> : vector<1024xf32>
    %reduce_sum3A_12 = vector.multi_reduction <add>, %get3A_11, %reduce_sum3A [0] : vector<32x1024xf32> to vector<1024xf32>
    %max3A = arith.constant 1.000000e+00 : f32
    %max3A_13 = vector.broadcast %max3A : f32 to vector<1024xf32>
    %max3A_14 = arith.maximumf %reduce_sum3A_12, %max3A_13 : vector<1024xf32>
    %broadcast_in_dim3A = vector.shape_cast %max3A_14 : vector<1024xf32> to vector<1024x1xf32>
    %div3A = vector.broadcast %broadcast_in_dim3A : vector<1024x1xf32> to vector<1024x128xf32>
    %div3A_15 = arith.divf %add3A, %div3A : vector<1024x128xf32>
    %get3A_16 = arith.constant 0 : index
    %get3A_17 = arith.constant 0 : index
    %get3A_18 = vector.load %arg4[%get3A_16, %get3A_17] : memref<1x128xf32, #tpu.memory_space<vmem>>, vector<1x128xf32>
    %get3A_19 = vector.shape_cast %get3A_18 : vector<1x128xf32> to vector<128xf32>
    %broadcast_in_dim3A_20 = vector.shape_cast %get3A_19 : vector<128xf32> to vector<1x128xf32>
    %add3A_21 = vector.broadcast %broadcast_in_dim3A_20 : vector<1x128xf32> to vector<1024x128xf32>
    %add3A_22 = arith.addf %div3A_15, %add3A_21 : vector<1024x128xf32>
    %get3A_23 = arith.constant 0 : index
    %get3A_24 = arith.constant 0 : index
    %get3A_25 = vector.load %arg3[%get3A_23, %get3A_24] : memref<1024x128xf32, #tpu.memory_space<vmem>>, vector<1024x128xf32>
    %add3A_26 = arith.addf %add3A_22, %get3A_25 : vector<1024x128xf32>
    %reduce_sum3A_27 = arith.constant dense<0.000000e+00> : vector<1024xf32>
    %reduce_sum3A_28 = vector.multi_reduction <add>, %add3A_26, %reduce_sum3A_27 [1] : vector<1024x128xf32> to vector<1024xf32>
    %broadcast_in_dim3A_29 = vector.shape_cast %reduce_sum3A_28 : vector<1024xf32> to vector<1024x1xf32>
    %div3A_30 = arith.constant 1.280000e+02 : f32
    %div3A_31 = vector.broadcast %div3A_30 : f32 to vector<1024x1xf32>
    %div3A_32 = arith.divf %broadcast_in_dim3A_29, %div3A_31 : vector<1024x1xf32>
    %sub3A = vector.broadcast %div3A_32 : vector<1024x1xf32> to vector<1024x128xf32>
    %sub3A_33 = arith.subf %add3A_26, %sub3A : vector<1024x128xf32>
    %sub3A_34 = vector.broadcast %div3A_32 : vector<1024x1xf32> to vector<1024x128xf32>
    %sub3A_35 = arith.subf %add3A_26, %sub3A_34 : vector<1024x128xf32>
    %mul3A = arith.mulf %sub3A_33, %sub3A_35 : vector<1024x128xf32>
    %reduce_sum3A_36 = arith.constant dense<0.000000e+00> : vector<1024xf32>
    %reduce_sum3A_37 = vector.multi_reduction <add>, %mul3A, %reduce_sum3A_36 [1] : vector<1024x128xf32> to vector<1024xf32>
    %broadcast_in_dim3A_38 = vector.shape_cast %reduce_sum3A_37 : vector<1024xf32> to vector<1024x1xf32>
    %div3A_39 = arith.constant 1.280000e+02 : f32
    %div3A_40 = vector.broadcast %div3A_39 : f32 to vector<1024x1xf32>
    %div3A_41 = arith.divf %broadcast_in_dim3A_38, %div3A_40 : vector<1024x1xf32>
    %sub3A_42 = vector.broadcast %div3A_32 : vector<1024x1xf32> to vector<1024x128xf32>
    %sub3A_43 = arith.subf %add3A_26, %sub3A_42 : vector<1024x128xf32>
    %add3A_44 = arith.constant 9.99999974E-6 : f32
    %add3A_45 = vector.broadcast %add3A_44 : f32 to vector<1024x1xf32>
    %add3A_46 = arith.addf %div3A_41, %add3A_45 : vector<1024x1xf32>
    %rsqrt3A = math.rsqrt %add3A_46 : vector<1024x1xf32>
    %mul3A_47 = vector.broadcast %rsqrt3A : vector<1024x1xf32> to vector<1024x128xf32>
    %mul3A_48 = arith.mulf %sub3A_43, %mul3A_47 : vector<1024x128xf32>
    %get3A_49 = arith.constant 0 : index
    %get3A_50 = arith.constant 0 : index
    %get3A_51 = vector.load %arg5[%get3A_49, %get3A_50] : memref<1x128xf32, #tpu.memory_space<vmem>>, vector<1x128xf32>
    %get3A_52 = vector.shape_cast %get3A_51 : vector<1x128xf32> to vector<128xf32>
    %broadcast_in_dim3A_53 = vector.shape_cast %get3A_52 : vector<128xf32> to vector<1x128xf32>
    %mul3A_54 = vector.broadcast %broadcast_in_dim3A_53 : vector<1x128xf32> to vector<1024x128xf32>
    %mul3A_55 = arith.mulf %mul3A_48, %mul3A_54 : vector<1024x128xf32>
    %get3A_56 = arith.constant 0 : index
    %get3A_57 = arith.constant 0 : index
    %get3A_58 = vector.load %arg6[%get3A_56, %get3A_57] : memref<1x128xf32, #tpu.memory_space<vmem>>, vector<1x128xf32>
    %get3A_59 = vector.shape_cast %get3A_58 : vector<1x128xf32> to vector<128xf32>
    %broadcast_in_dim3A_60 = vector.shape_cast %get3A_59 : vector<128xf32> to vector<1x128xf32>
    %add3A_61 = vector.broadcast %broadcast_in_dim3A_60 : vector<1x128xf32> to vector<1024x128xf32>
    %add3A_62 = arith.addf %mul3A_55, %add3A_61 : vector<1024x128xf32>
    %max3A_63 = arith.constant 0.000000e+00 : f32
    %max3A_64 = vector.broadcast %max3A_63 : f32 to vector<1024x128xf32>
    %max3A_65 = arith.maximumf %add3A_62, %max3A_64 : vector<1024x128xf32>
    %get3A_66 = arith.constant 0 : index
    %get3A_67 = arith.constant 0 : index
    %get3A_68 = vector.load %arg7[%get3A_66, %get3A_67] : memref<128x256xf32, #tpu.memory_space<vmem>>, vector<128x256xf32>
    %dot_general3A = arith.constant dense<0.000000e+00> : vector<1024x256xf32>
    %dot_general3A_69 = tpu.matmul %max3A_65, %get3A_68, %dot_general3A {dimension_numbers = #tpu.dot_dimension_numbers<[1], [0], [0], [1], [0, 0, 1, 1], [], []>, transpose_lhs_hint = false} : vector<1024x128xf32>, vector<128x256xf32>, vector<1024x256xf32> -> vector<1024x256xf32>
    %slice3A = vector.extract_strided_slice %dot_general3A_69 {offsets = [0, 0], sizes = [1024, 128], strides = [1, 1]} : vector<1024x256xf32> to vector<1024x128xf32>
    %swap3A = arith.constant 0 : index
    %swap3A_70 = arith.constant 0 : index
    %swap3A_71 = vector.load %arg8[%swap3A, %swap3A_70] : memref<1024x128xf32, #tpu.memory_space<vmem>>, vector<1024x128xf32>
    tpu.vector_store %arg8[%swap3A, %swap3A_70], %slice3A {strides = array<i32>} : memref<1024x128xf32, #tpu.memory_space<vmem>>, vector<1024x128xf32>,
    %slice3A_72 = vector.extract_strided_slice %dot_general3A_69 {offsets = [0, 128], sizes = [1024, 128], strides = [1, 1]} : vector<1024x256xf32> to vector<1024x128xf32>
    %swap3A_73 = arith.constant 0 : index
    %swap3A_74 = arith.constant 0 : index
    %swap3A_75 = vector.load %arg9[%swap3A_73, %swap3A_74] : memref<1024x128xf32, #tpu.memory_space<vmem>>, vector<1024x128xf32>
    tpu.vector_store %arg9[%swap3A_73, %swap3A_74], %slice3A_72 {strides = array<i32>} : memref<1024x128xf32, #tpu.memory_space<vmem>>, vector<1024x128xf32>,
    return
  }
  func.func @transform_0(%arg0: i32) -> (i32, i32, i32) {
    %c0_i32 = arith.constant 0 : i32
    %c0_i32_0 = arith.constant 0 : i32
    %c0_i32_1 = arith.constant 0 : i32
    return %c0_i32, %arg0, %c0_i32_0 : i32, i32, i32
  }
  func.func @transform_1(%arg0: i32) -> (i32, i32) {
    %c0_i32 = arith.constant 0 : i32
    %c0_i32_0 = arith.constant 0 : i32
    return %c0_i32, %arg0 : i32, i32
  }
  func.func @transform_2(%arg0: i32) -> (i32, i32) {
    %c0_i32 = arith.constant 0 : i32
    %c0_i32_0 = arith.constant 0 : i32
    return %arg0, %c0_i32 : i32, i32
  }
  func.func @transform_3(%arg0: i32) -> (i32, i32) {
    %c0_i32 = arith.constant 0 : i32
    %c0_i32_0 = arith.constant 0 : i32
    %c0_i32_1 = arith.constant 0 : i32
    return %c0_i32, %c0_i32_0 : i32, i32
  }
  func.func @transform_4(%arg0: i32) -> (i32, i32) {
    %c0_i32 = arith.constant 0 : i32
    %c0_i32_0 = arith.constant 0 : i32
    %c0_i32_1 = arith.constant 0 : i32
    return %c0_i32, %c0_i32_0 : i32, i32
  }
  func.func @transform_5(%arg0: i32) -> (i32, i32) {
    %c0_i32 = arith.constant 0 : i32
    %c0_i32_0 = arith.constant 0 : i32
    %c0_i32_1 = arith.constant 0 : i32
    return %c0_i32, %c0_i32_0 : i32, i32
  }
  func.func @transform_6(%arg0: i32) -> (i32, i32) {
    %c0_i32 = arith.constant 0 : i32
    %c0_i32_0 = arith.constant 0 : i32
    %c0_i32_1 = arith.constant 0 : i32
    return %c0_i32, %c0_i32_0 : i32, i32
  }
  func.func @transform_7(%arg0: i32) -> (i32, i32) {
    %c0_i32 = arith.constant 0 : i32
    %c0_i32_0 = arith.constant 0 : i32
    return %arg0, %c0_i32 : i32, i32
  }
  func.func @transform_8(%arg0: i32) -> (i32, i32) {
    %c0_i32 = arith.constant 0 : i32
    %c0_i32_0 = arith.constant 0 : i32
    return %arg0, %c0_i32 : i32, i32
  }
}

module attributes {stable_mosaic.version = 14 : i64} {
  func.func @_final_body(%arg0: i32, %arg1: memref<2x1024x128xf32, #tpu.memory_space<vmem>>, %arg2: memref<32x1024xf32, #tpu.memory_space<vmem>>, %arg3: memref<1024x128xf32, #tpu.memory_space<vmem>>, %arg4: memref<1x128xf32, #tpu.memory_space<vmem>>, %arg5: memref<1x128xf32, #tpu.memory_space<vmem>>, %arg6: memref<1x128xf32, #tpu.memory_space<vmem>>, %arg7: memref<128x128xf32, #tpu.memory_space<vmem>>, %arg8: memref<1x128xf32, #tpu.memory_space<vmem>>, %arg9: memref<1024x128xi32, #tpu.memory_space<vmem>>, %arg10: memref<128x128xf32, #tpu.memory_space<vmem>>, %arg11: memref<1x128xf32, #tpu.memory_space<vmem>>, %arg12: memref<16x128xf32, #tpu.memory_space<vmem>>, %arg13: memref<16x128xf32, #tpu.memory_space<vmem>>) attributes {dimension_semantics = [#tpu.dimension_semantics<arbitrary>], iteration_bounds = array<i64: 10>, scalar_prefetch = 0 : i64, scratch_operands = 0 : i64, tpu.core_type = #tpu.core_type<tc>, window_params = [{transform_indices = @transform_0, window_bounds = array<i64: 2, 1024, 128>}, {transform_indices = @transform_1, window_bounds = array<i64: 32, 1024>}, {transform_indices = @transform_2, window_bounds = array<i64: 1024, 128>}, {pipeline_mode = #tpu.pipeline_mode<synchronous>, transform_indices = @transform_3, window_bounds = array<i64: 1, 128>}, {pipeline_mode = #tpu.pipeline_mode<synchronous>, transform_indices = @transform_4, window_bounds = array<i64: 1, 128>}, {pipeline_mode = #tpu.pipeline_mode<synchronous>, transform_indices = @transform_5, window_bounds = array<i64: 1, 128>}, {pipeline_mode = #tpu.pipeline_mode<synchronous>, transform_indices = @transform_6, window_bounds = array<i64: 128, 128>}, {pipeline_mode = #tpu.pipeline_mode<synchronous>, transform_indices = @transform_7, window_bounds = array<i64: 1, 128>}, {transform_indices = @transform_8, window_bounds = array<i64: 1024, 128>}, {pipeline_mode = #tpu.pipeline_mode<synchronous>, transform_indices = @transform_9, window_bounds = array<i64: 128, 128>}, {pipeline_mode = #tpu.pipeline_mode<synchronous>, transform_indices = @transform_10, window_bounds = array<i64: 1, 128>}, {pipeline_mode = #tpu.pipeline_mode<synchronous>, transform_indices = @transform_11, window_bounds = array<i64: 16, 128>}, {pipeline_mode = #tpu.pipeline_mode<synchronous>, transform_indices = @transform_12, window_bounds = array<i64: 16, 128>}]} {
    %get3A = arith.constant 0 : index
    %get3A_0 = arith.constant 0 : index
    %get3A_1 = arith.constant 0 : index
    %get3A_2 = vector.load %arg1[%get3A, %get3A_0, %get3A_1] : memref<2x1024x128xf32, #tpu.memory_space<vmem>>, vector<1x1024x128xf32>
    %get3A_3 = vector.shape_cast %get3A_2 : vector<1x1024x128xf32> to vector<1024x128xf32>
    %get3A_4 = arith.constant 1 : index
    %get3A_5 = arith.constant 0 : index
    %get3A_6 = arith.constant 0 : index
    %get3A_7 = vector.load %arg1[%get3A_4, %get3A_5, %get3A_6] : memref<2x1024x128xf32, #tpu.memory_space<vmem>>, vector<1x1024x128xf32>
    %get3A_8 = vector.shape_cast %get3A_7 : vector<1x1024x128xf32> to vector<1024x128xf32>
    %add3A = arith.addf %get3A_3, %get3A_8 : vector<1024x128xf32>
    %get3A_9 = arith.constant 0 : index
    %get3A_10 = arith.constant 0 : index
    %get3A_11 = vector.load %arg2[%get3A_9, %get3A_10] : memref<32x1024xf32, #tpu.memory_space<vmem>>, vector<32x1024xf32>
    %reduce_sum3A = arith.constant dense<0.000000e+00> : vector<1024xf32>
    %reduce_sum3A_12 = vector.multi_reduction <add>, %get3A_11, %reduce_sum3A [0] : vector<32x1024xf32> to vector<1024xf32>
    %max3A = arith.constant 1.000000e+00 : f32
    %max3A_13 = vector.broadcast %max3A : f32 to vector<1024xf32>
    %max3A_14 = arith.maximumf %reduce_sum3A_12, %max3A_13 : vector<1024xf32>
    %broadcast_in_dim3A = vector.shape_cast %max3A_14 : vector<1024xf32> to vector<1024x1xf32>
    %div3A = vector.broadcast %broadcast_in_dim3A : vector<1024x1xf32> to vector<1024x128xf32>
    %div3A_15 = arith.divf %add3A, %div3A : vector<1024x128xf32>
    %get3A_16 = arith.constant 0 : index
    %get3A_17 = arith.constant 0 : index
    %get3A_18 = vector.load %arg4[%get3A_16, %get3A_17] : memref<1x128xf32, #tpu.memory_space<vmem>>, vector<1x128xf32>
    %get3A_19 = vector.shape_cast %get3A_18 : vector<1x128xf32> to vector<128xf32>
    %broadcast_in_dim3A_20 = vector.shape_cast %get3A_19 : vector<128xf32> to vector<1x128xf32>
    %add3A_21 = vector.broadcast %broadcast_in_dim3A_20 : vector<1x128xf32> to vector<1024x128xf32>
    %add3A_22 = arith.addf %div3A_15, %add3A_21 : vector<1024x128xf32>
    %get3A_23 = arith.constant 0 : index
    %get3A_24 = arith.constant 0 : index
    %get3A_25 = vector.load %arg3[%get3A_23, %get3A_24] : memref<1024x128xf32, #tpu.memory_space<vmem>>, vector<1024x128xf32>
    %add3A_26 = arith.addf %add3A_22, %get3A_25 : vector<1024x128xf32>
    %reduce_sum3A_27 = arith.constant dense<0.000000e+00> : vector<1024xf32>
    %reduce_sum3A_28 = vector.multi_reduction <add>, %add3A_26, %reduce_sum3A_27 [1] : vector<1024x128xf32> to vector<1024xf32>
    %broadcast_in_dim3A_29 = vector.shape_cast %reduce_sum3A_28 : vector<1024xf32> to vector<1024x1xf32>
    %div3A_30 = arith.constant 1.280000e+02 : f32
    %div3A_31 = vector.broadcast %div3A_30 : f32 to vector<1024x1xf32>
    %div3A_32 = arith.divf %broadcast_in_dim3A_29, %div3A_31 : vector<1024x1xf32>
    %sub3A = vector.broadcast %div3A_32 : vector<1024x1xf32> to vector<1024x128xf32>
    %sub3A_33 = arith.subf %add3A_26, %sub3A : vector<1024x128xf32>
    %sub3A_34 = vector.broadcast %div3A_32 : vector<1024x1xf32> to vector<1024x128xf32>
    %sub3A_35 = arith.subf %add3A_26, %sub3A_34 : vector<1024x128xf32>
    %mul3A = arith.mulf %sub3A_33, %sub3A_35 : vector<1024x128xf32>
    %reduce_sum3A_36 = arith.constant dense<0.000000e+00> : vector<1024xf32>
    %reduce_sum3A_37 = vector.multi_reduction <add>, %mul3A, %reduce_sum3A_36 [1] : vector<1024x128xf32> to vector<1024xf32>
    %broadcast_in_dim3A_38 = vector.shape_cast %reduce_sum3A_37 : vector<1024xf32> to vector<1024x1xf32>
    %div3A_39 = arith.constant 1.280000e+02 : f32
    %div3A_40 = vector.broadcast %div3A_39 : f32 to vector<1024x1xf32>
    %div3A_41 = arith.divf %broadcast_in_dim3A_38, %div3A_40 : vector<1024x1xf32>
    %sub3A_42 = vector.broadcast %div3A_32 : vector<1024x1xf32> to vector<1024x128xf32>
    %sub3A_43 = arith.subf %add3A_26, %sub3A_42 : vector<1024x128xf32>
    %add3A_44 = arith.constant 9.99999974E-6 : f32
    %add3A_45 = vector.broadcast %add3A_44 : f32 to vector<1024x1xf32>
    %add3A_46 = arith.addf %div3A_41, %add3A_45 : vector<1024x1xf32>
    %rsqrt3A = math.rsqrt %add3A_46 : vector<1024x1xf32>
    %mul3A_47 = vector.broadcast %rsqrt3A : vector<1024x1xf32> to vector<1024x128xf32>
    %mul3A_48 = arith.mulf %sub3A_43, %mul3A_47 : vector<1024x128xf32>
    %get3A_49 = arith.constant 0 : index
    %get3A_50 = arith.constant 0 : index
    %get3A_51 = vector.load %arg5[%get3A_49, %get3A_50] : memref<1x128xf32, #tpu.memory_space<vmem>>, vector<1x128xf32>
    %get3A_52 = vector.shape_cast %get3A_51 : vector<1x128xf32> to vector<128xf32>
    %broadcast_in_dim3A_53 = vector.shape_cast %get3A_52 : vector<128xf32> to vector<1x128xf32>
    %mul3A_54 = vector.broadcast %broadcast_in_dim3A_53 : vector<1x128xf32> to vector<1024x128xf32>
    %mul3A_55 = arith.mulf %mul3A_48, %mul3A_54 : vector<1024x128xf32>
    %get3A_56 = arith.constant 0 : index
    %get3A_57 = arith.constant 0 : index
    %get3A_58 = vector.load %arg6[%get3A_56, %get3A_57] : memref<1x128xf32, #tpu.memory_space<vmem>>, vector<1x128xf32>
    %get3A_59 = vector.shape_cast %get3A_58 : vector<1x128xf32> to vector<128xf32>
    %broadcast_in_dim3A_60 = vector.shape_cast %get3A_59 : vector<128xf32> to vector<1x128xf32>
    %add3A_61 = vector.broadcast %broadcast_in_dim3A_60 : vector<1x128xf32> to vector<1024x128xf32>
    %add3A_62 = arith.addf %mul3A_55, %add3A_61 : vector<1024x128xf32>
    %max3A_63 = arith.constant 0.000000e+00 : f32
    %max3A_64 = vector.broadcast %max3A_63 : f32 to vector<1024x128xf32>
    %max3A_65 = arith.maximumf %add3A_62, %max3A_64 : vector<1024x128xf32>
    %get3A_66 = arith.constant 0 : index
    %get3A_67 = arith.constant 0 : index
    %get3A_68 = vector.load %arg7[%get3A_66, %get3A_67] : memref<128x128xf32, #tpu.memory_space<vmem>>, vector<128x128xf32>
    %dot_general3A = arith.constant dense<0.000000e+00> : vector<1024x128xf32>
    %dot_general3A_69 = tpu.matmul %max3A_65, %get3A_68, %dot_general3A {dimension_numbers = #tpu.dot_dimension_numbers<[1], [0], [0], [1], [0, 0, 1, 1], [], []>, transpose_lhs_hint = false} : vector<1024x128xf32>, vector<128x128xf32>, vector<1024x128xf32> -> vector<1024x128xf32>
    %get3A_70 = arith.constant 0 : index
    %get3A_71 = arith.constant 0 : index
    %get3A_72 = vector.load %arg8[%get3A_70, %get3A_71] : memref<1x128xf32, #tpu.memory_space<vmem>>, vector<1x128xf32>
    %get3A_73 = vector.shape_cast %get3A_72 : vector<1x128xf32> to vector<128xf32>
    %broadcast_in_dim3A_74 = vector.shape_cast %get3A_73 : vector<128xf32> to vector<1x128xf32>
    %add3A_75 = vector.broadcast %broadcast_in_dim3A_74 : vector<1x128xf32> to vector<1024x128xf32>
    %add3A_76 = arith.addf %dot_general3A_69, %add3A_75 : vector<1024x128xf32>
    %iota3A = tpu.iota {dimensions = array<i32: 0>} : vector<1024x128xi32>
    %mul3A_77 = arith.constant 1024 : i32
    %mul3A_78 = arith.muli %arg0, %mul3A_77 : i32
    %add3A_79 = vector.broadcast %mul3A_78 : i32 to vector<1024x128xi32>
    %add3A_80 = arith.addi %iota3A, %add3A_79 : vector<1024x128xi32>
    %lt3A = arith.constant 10000 : i32
    %lt3A_81 = vector.broadcast %lt3A : i32 to vector<1024x128xi32>
    %lt3A_82 = arith.cmpi slt, %add3A_80, %lt3A_81 : vector<1024x128xi32>
    %jit3A = arith.constant 0xFF800000 : f32
    %broadcast_in_dim3A_83 = vector.broadcast %jit3A : f32 to vector<1024x128xf32>
    %select_n3A = arith.select %lt3A_82, %add3A_76, %broadcast_in_dim3A_83 : vector<1024x128xi1>, vector<1024x128xf32>
    %get3A_84 = arith.constant 0 : index
    %get3A_85 = arith.constant 0 : index
    %get3A_86 = vector.load %arg9[%get3A_84, %get3A_85] : memref<1024x128xi32, #tpu.memory_space<vmem>>, vector<1024x128xi32>
    %eq3A = arith.constant 0 : i32
    %eq3A_87 = vector.broadcast %eq3A : i32 to vector<1024x128xi32>
    %eq3A_88 = arith.cmpi eq, %get3A_86, %eq3A_87 : vector<1024x128xi32>
    %jit3A_89 = arith.constant 0xFF800000 : f32
    %broadcast_in_dim3A_90 = vector.broadcast %jit3A_89 : f32 to vector<1024x128xf32>
    %select_n3A_91 = arith.select %eq3A_88, %select_n3A, %broadcast_in_dim3A_90 : vector<1024x128xi1>, vector<1024x128xf32>
    %reduce_max3A = arith.constant dense<0xFF800000> : vector<128xf32>
    %reduce_max3A_92 = vector.multi_reduction <maximumf>, %select_n3A_91, %reduce_max3A [0] : vector<1024x128xf32> to vector<128xf32>
    %eq3A_93 = arith.constant 1 : i32
    %eq3A_94 = vector.broadcast %eq3A_93 : i32 to vector<1024x128xi32>
    %eq3A_95 = arith.cmpi eq, %get3A_86, %eq3A_94 : vector<1024x128xi32>
    %jit3A_96 = arith.constant 0xFF800000 : f32
    %broadcast_in_dim3A_97 = vector.broadcast %jit3A_96 : f32 to vector<1024x128xf32>
    %select_n3A_98 = arith.select %eq3A_95, %select_n3A, %broadcast_in_dim3A_97 : vector<1024x128xi1>, vector<1024x128xf32>
    %reduce_max3A_99 = arith.constant dense<0xFF800000> : vector<128xf32>
    %reduce_max3A_100 = vector.multi_reduction <maximumf>, %select_n3A_98, %reduce_max3A_99 [0] : vector<1024x128xf32> to vector<128xf32>
    %eq3A_101 = arith.constant 2 : i32
    %eq3A_102 = vector.broadcast %eq3A_101 : i32 to vector<1024x128xi32>
    %eq3A_103 = arith.cmpi eq, %get3A_86, %eq3A_102 : vector<1024x128xi32>
    %jit3A_104 = arith.constant 0xFF800000 : f32
    %broadcast_in_dim3A_105 = vector.broadcast %jit3A_104 : f32 to vector<1024x128xf32>
    %select_n3A_106 = arith.select %eq3A_103, %select_n3A, %broadcast_in_dim3A_105 : vector<1024x128xi1>, vector<1024x128xf32>
    %reduce_max3A_107 = arith.constant dense<0xFF800000> : vector<128xf32>
    %reduce_max3A_108 = vector.multi_reduction <maximumf>, %select_n3A_106, %reduce_max3A_107 [0] : vector<1024x128xf32> to vector<128xf32>
    %eq3A_109 = arith.constant 3 : i32
    %eq3A_110 = vector.broadcast %eq3A_109 : i32 to vector<1024x128xi32>
    %eq3A_111 = arith.cmpi eq, %get3A_86, %eq3A_110 : vector<1024x128xi32>
    %jit3A_112 = arith.constant 0xFF800000 : f32
    %broadcast_in_dim3A_113 = vector.broadcast %jit3A_112 : f32 to vector<1024x128xf32>
    %select_n3A_114 = arith.select %eq3A_111, %select_n3A, %broadcast_in_dim3A_113 : vector<1024x128xi1>, vector<1024x128xf32>
    %reduce_max3A_115 = arith.constant dense<0xFF800000> : vector<128xf32>
    %reduce_max3A_116 = vector.multi_reduction <maximumf>, %select_n3A_114, %reduce_max3A_115 [0] : vector<1024x128xf32> to vector<128xf32>
    %eq3A_117 = arith.constant 4 : i32
    %eq3A_118 = vector.broadcast %eq3A_117 : i32 to vector<1024x128xi32>
    %eq3A_119 = arith.cmpi eq, %get3A_86, %eq3A_118 : vector<1024x128xi32>
    %jit3A_120 = arith.constant 0xFF800000 : f32
    %broadcast_in_dim3A_121 = vector.broadcast %jit3A_120 : f32 to vector<1024x128xf32>
    %select_n3A_122 = arith.select %eq3A_119, %select_n3A, %broadcast_in_dim3A_121 : vector<1024x128xi1>, vector<1024x128xf32>
    %reduce_max3A_123 = arith.constant dense<0xFF800000> : vector<128xf32>
    %reduce_max3A_124 = vector.multi_reduction <maximumf>, %select_n3A_122, %reduce_max3A_123 [0] : vector<1024x128xf32> to vector<128xf32>
    %eq3A_125 = arith.constant 5 : i32
    %eq3A_126 = vector.broadcast %eq3A_125 : i32 to vector<1024x128xi32>
    %eq3A_127 = arith.cmpi eq, %get3A_86, %eq3A_126 : vector<1024x128xi32>
    %jit3A_128 = arith.constant 0xFF800000 : f32
    %broadcast_in_dim3A_129 = vector.broadcast %jit3A_128 : f32 to vector<1024x128xf32>
    %select_n3A_130 = arith.select %eq3A_127, %select_n3A, %broadcast_in_dim3A_129 : vector<1024x128xi1>, vector<1024x128xf32>
    %reduce_max3A_131 = arith.constant dense<0xFF800000> : vector<128xf32>
    %reduce_max3A_132 = vector.multi_reduction <maximumf>, %select_n3A_130, %reduce_max3A_131 [0] : vector<1024x128xf32> to vector<128xf32>
    %eq3A_133 = arith.constant 6 : i32
    %eq3A_134 = vector.broadcast %eq3A_133 : i32 to vector<1024x128xi32>
    %eq3A_135 = arith.cmpi eq, %get3A_86, %eq3A_134 : vector<1024x128xi32>
    %jit3A_136 = arith.constant 0xFF800000 : f32
    %broadcast_in_dim3A_137 = vector.broadcast %jit3A_136 : f32 to vector<1024x128xf32>
    %select_n3A_138 = arith.select %eq3A_135, %select_n3A, %broadcast_in_dim3A_137 : vector<1024x128xi1>, vector<1024x128xf32>
    %reduce_max3A_139 = arith.constant dense<0xFF800000> : vector<128xf32>
    %reduce_max3A_140 = vector.multi_reduction <maximumf>, %select_n3A_138, %reduce_max3A_139 [0] : vector<1024x128xf32> to vector<128xf32>
    %eq3A_141 = arith.constant 7 : i32
    %eq3A_142 = vector.broadcast %eq3A_141 : i32 to vector<1024x128xi32>
    %eq3A_143 = arith.cmpi eq, %get3A_86, %eq3A_142 : vector<1024x128xi32>
    %jit3A_144 = arith.constant 0xFF800000 : f32
    %broadcast_in_dim3A_145 = vector.broadcast %jit3A_144 : f32 to vector<1024x128xf32>
    %select_n3A_146 = arith.select %eq3A_143, %select_n3A, %broadcast_in_dim3A_145 : vector<1024x128xi1>, vector<1024x128xf32>
    %reduce_max3A_147 = arith.constant dense<0xFF800000> : vector<128xf32>
    %reduce_max3A_148 = vector.multi_reduction <maximumf>, %select_n3A_146, %reduce_max3A_147 [0] : vector<1024x128xf32> to vector<128xf32>
    %eq3A_149 = arith.constant 8 : i32
    %eq3A_150 = vector.broadcast %eq3A_149 : i32 to vector<1024x128xi32>
    %eq3A_151 = arith.cmpi eq, %get3A_86, %eq3A_150 : vector<1024x128xi32>
    %jit3A_152 = arith.constant 0xFF800000 : f32
    %broadcast_in_dim3A_153 = vector.broadcast %jit3A_152 : f32 to vector<1024x128xf32>
    %select_n3A_154 = arith.select %eq3A_151, %select_n3A, %broadcast_in_dim3A_153 : vector<1024x128xi1>, vector<1024x128xf32>
    %reduce_max3A_155 = arith.constant dense<0xFF800000> : vector<128xf32>
    %reduce_max3A_156 = vector.multi_reduction <maximumf>, %select_n3A_154, %reduce_max3A_155 [0] : vector<1024x128xf32> to vector<128xf32>
    %eq3A_157 = arith.constant 9 : i32
    %eq3A_158 = vector.broadcast %eq3A_157 : i32 to vector<1024x128xi32>
    %eq3A_159 = arith.cmpi eq, %get3A_86, %eq3A_158 : vector<1024x128xi32>
    %jit3A_160 = arith.constant 0xFF800000 : f32
    %broadcast_in_dim3A_161 = vector.broadcast %jit3A_160 : f32 to vector<1024x128xf32>
    %select_n3A_162 = arith.select %eq3A_159, %select_n3A, %broadcast_in_dim3A_161 : vector<1024x128xi1>, vector<1024x128xf32>
    %reduce_max3A_163 = arith.constant dense<0xFF800000> : vector<128xf32>
    %reduce_max3A_164 = vector.multi_reduction <maximumf>, %select_n3A_162, %reduce_max3A_163 [0] : vector<1024x128xf32> to vector<128xf32>
    %eq3A_165 = arith.constant 10 : i32
    %eq3A_166 = vector.broadcast %eq3A_165 : i32 to vector<1024x128xi32>
    %eq3A_167 = arith.cmpi eq, %get3A_86, %eq3A_166 : vector<1024x128xi32>
    %jit3A_168 = arith.constant 0xFF800000 : f32
    %broadcast_in_dim3A_169 = vector.broadcast %jit3A_168 : f32 to vector<1024x128xf32>
    %select_n3A_170 = arith.select %eq3A_167, %select_n3A, %broadcast_in_dim3A_169 : vector<1024x128xi1>, vector<1024x128xf32>
    %reduce_max3A_171 = arith.constant dense<0xFF800000> : vector<128xf32>
    %reduce_max3A_172 = vector.multi_reduction <maximumf>, %select_n3A_170, %reduce_max3A_171 [0] : vector<1024x128xf32> to vector<128xf32>
    %eq3A_173 = arith.constant 11 : i32
    %eq3A_174 = vector.broadcast %eq3A_173 : i32 to vector<1024x128xi32>
    %eq3A_175 = arith.cmpi eq, %get3A_86, %eq3A_174 : vector<1024x128xi32>
    %jit3A_176 = arith.constant 0xFF800000 : f32
    %broadcast_in_dim3A_177 = vector.broadcast %jit3A_176 : f32 to vector<1024x128xf32>
    %select_n3A_178 = arith.select %eq3A_175, %select_n3A, %broadcast_in_dim3A_177 : vector<1024x128xi1>, vector<1024x128xf32>
    %reduce_max3A_179 = arith.constant dense<0xFF800000> : vector<128xf32>
    %reduce_max3A_180 = vector.multi_reduction <maximumf>, %select_n3A_178, %reduce_max3A_179 [0] : vector<1024x128xf32> to vector<128xf32>
    %eq3A_181 = arith.constant 12 : i32
    %eq3A_182 = vector.broadcast %eq3A_181 : i32 to vector<1024x128xi32>
    %eq3A_183 = arith.cmpi eq, %get3A_86, %eq3A_182 : vector<1024x128xi32>
    %jit3A_184 = arith.constant 0xFF800000 : f32
    %broadcast_in_dim3A_185 = vector.broadcast %jit3A_184 : f32 to vector<1024x128xf32>
    %select_n3A_186 = arith.select %eq3A_183, %select_n3A, %broadcast_in_dim3A_185 : vector<1024x128xi1>, vector<1024x128xf32>
    %reduce_max3A_187 = arith.constant dense<0xFF800000> : vector<128xf32>
    %reduce_max3A_188 = vector.multi_reduction <maximumf>, %select_n3A_186, %reduce_max3A_187 [0] : vector<1024x128xf32> to vector<128xf32>
    %eq3A_189 = arith.constant 13 : i32
    %eq3A_190 = vector.broadcast %eq3A_189 : i32 to vector<1024x128xi32>
    %eq3A_191 = arith.cmpi eq, %get3A_86, %eq3A_190 : vector<1024x128xi32>
    %jit3A_192 = arith.constant 0xFF800000 : f32
    %broadcast_in_dim3A_193 = vector.broadcast %jit3A_192 : f32 to vector<1024x128xf32>
    %select_n3A_194 = arith.select %eq3A_191, %select_n3A, %broadcast_in_dim3A_193 : vector<1024x128xi1>, vector<1024x128xf32>
    %reduce_max3A_195 = arith.constant dense<0xFF800000> : vector<128xf32>
    %reduce_max3A_196 = vector.multi_reduction <maximumf>, %select_n3A_194, %reduce_max3A_195 [0] : vector<1024x128xf32> to vector<128xf32>
    %eq3A_197 = arith.constant 14 : i32
    %eq3A_198 = vector.broadcast %eq3A_197 : i32 to vector<1024x128xi32>
    %eq3A_199 = arith.cmpi eq, %get3A_86, %eq3A_198 : vector<1024x128xi32>
    %jit3A_200 = arith.constant 0xFF800000 : f32
    %broadcast_in_dim3A_201 = vector.broadcast %jit3A_200 : f32 to vector<1024x128xf32>
    %select_n3A_202 = arith.select %eq3A_199, %select_n3A, %broadcast_in_dim3A_201 : vector<1024x128xi1>, vector<1024x128xf32>
    %reduce_max3A_203 = arith.constant dense<0xFF800000> : vector<128xf32>
    %reduce_max3A_204 = vector.multi_reduction <maximumf>, %select_n3A_202, %reduce_max3A_203 [0] : vector<1024x128xf32> to vector<128xf32>
    %eq3A_205 = arith.constant 15 : i32
    %eq3A_206 = vector.broadcast %eq3A_205 : i32 to vector<1024x128xi32>
    %eq3A_207 = arith.cmpi eq, %get3A_86, %eq3A_206 : vector<1024x128xi32>
    %jit3A_208 = arith.constant 0xFF800000 : f32
    %broadcast_in_dim3A_209 = vector.broadcast %jit3A_208 : f32 to vector<1024x128xf32>
    %select_n3A_210 = arith.select %eq3A_207, %select_n3A, %broadcast_in_dim3A_209 : vector<1024x128xi1>, vector<1024x128xf32>
    %reduce_max3A_211 = arith.constant dense<0xFF800000> : vector<128xf32>
    %reduce_max3A_212 = vector.multi_reduction <maximumf>, %select_n3A_210, %reduce_max3A_211 [0] : vector<1024x128xf32> to vector<128xf32>
    %stack3A = vector.shape_cast %reduce_max3A_92 : vector<128xf32> to vector<1x128xf32>
    %stack3A_213 = vector.shape_cast %reduce_max3A_100 : vector<128xf32> to vector<1x128xf32>
    %stack3A_214 = vector.shape_cast %reduce_max3A_108 : vector<128xf32> to vector<1x128xf32>
    %stack3A_215 = vector.shape_cast %reduce_max3A_116 : vector<128xf32> to vector<1x128xf32>
    %stack3A_216 = vector.shape_cast %reduce_max3A_124 : vector<128xf32> to vector<1x128xf32>
    %stack3A_217 = vector.shape_cast %reduce_max3A_132 : vector<128xf32> to vector<1x128xf32>
    %stack3A_218 = vector.shape_cast %reduce_max3A_140 : vector<128xf32> to vector<1x128xf32>
    %stack3A_219 = vector.shape_cast %reduce_max3A_148 : vector<128xf32> to vector<1x128xf32>
    %stack3A_220 = vector.shape_cast %reduce_max3A_156 : vector<128xf32> to vector<1x128xf32>
    %stack3A_221 = vector.shape_cast %reduce_max3A_164 : vector<128xf32> to vector<1x128xf32>
    %stack3A_222 = vector.shape_cast %reduce_max3A_172 : vector<128xf32> to vector<1x128xf32>
    %stack3A_223 = vector.shape_cast %reduce_max3A_180 : vector<128xf32> to vector<1x128xf32>
    %stack3A_224 = vector.shape_cast %reduce_max3A_188 : vector<128xf32> to vector<1x128xf32>
    %stack3A_225 = vector.shape_cast %reduce_max3A_196 : vector<128xf32> to vector<1x128xf32>
    %stack3A_226 = vector.shape_cast %reduce_max3A_204 : vector<128xf32> to vector<1x128xf32>
    %stack3A_227 = vector.shape_cast %reduce_max3A_212 : vector<128xf32> to vector<1x128xf32>
    %stack3A_228 = tpu.concatenate %stack3A, %stack3A_213, %stack3A_214, %stack3A_215, %stack3A_216, %stack3A_217, %stack3A_218, %stack3A_219, %stack3A_220, %stack3A_221, %stack3A_222, %stack3A_223, %stack3A_224, %stack3A_225, %stack3A_226, %stack3A_227 in 0 : vector<1x128xf32>, vector<1x128xf32>, vector<1x128xf32>, vector<1x128xf32>, vector<1x128xf32>, vector<1x128xf32>, vector<1x128xf32>, vector<1x128xf32>, vector<1x128xf32>, vector<1x128xf32>, vector<1x128xf32>, vector<1x128xf32>, vector<1x128xf32>, vector<1x128xf32>, vector<1x128xf32>, vector<1x128xf32> -> vector<16x128xf32>
    %eq3A_229 = arith.constant 0 : i32
    %eq3A_230 = arith.cmpi eq, %arg0, %eq3A_229 : i32
    %broadcast_in_dim3A_231 = arith.constant 0xFF800000 : f32
    %broadcast_in_dim3A_232 = vector.broadcast %broadcast_in_dim3A_231 : f32 to vector<16x128xf32>
    %get3A_233 = arith.constant 0 : index
    %get3A_234 = arith.constant 0 : index
    %get3A_235 = vector.load %arg12[%get3A_233, %get3A_234] : memref<16x128xf32, #tpu.memory_space<vmem>>, vector<16x128xf32>
    %select_n3A_236 = arith.select %eq3A_230, %broadcast_in_dim3A_232, %get3A_235 : vector<16x128xf32>
    %max3A_237 = arith.maximumf %select_n3A_236, %stack3A_228 : vector<16x128xf32>
    %swap3A = arith.constant 0 : index
    %swap3A_238 = arith.constant 0 : index
    %swap3A_239 = vector.load %arg12[%swap3A, %swap3A_238] : memref<16x128xf32, #tpu.memory_space<vmem>>, vector<16x128xf32>
    tpu.vector_store %arg12[%swap3A, %swap3A_238], %max3A_237 {strides = array<i32>} : memref<16x128xf32, #tpu.memory_space<vmem>>, vector<16x128xf32>,
    %get3A_240 = arith.constant 0 : index
    %get3A_241 = arith.constant 0 : index
    %get3A_242 = vector.load %arg10[%get3A_240, %get3A_241] : memref<128x128xf32, #tpu.memory_space<vmem>>, vector<128x128xf32>
    %dot_general3A_243 = arith.constant dense<0.000000e+00> : vector<16x128xf32>
    %dot_general3A_244 = tpu.matmul %max3A_237, %get3A_242, %dot_general3A_243 {dimension_numbers = #tpu.dot_dimension_numbers<[1], [0], [0], [1], [0, 0, 1, 1], [], []>, transpose_lhs_hint = false} : vector<16x128xf32>, vector<128x128xf32>, vector<16x128xf32> -> vector<16x128xf32>
    %get3A_245 = arith.constant 0 : index
    %get3A_246 = arith.constant 0 : index
    %get3A_247 = vector.load %arg11[%get3A_245, %get3A_246] : memref<1x128xf32, #tpu.memory_space<vmem>>, vector<1x128xf32>
    %get3A_248 = vector.shape_cast %get3A_247 : vector<1x128xf32> to vector<128xf32>
    %broadcast_in_dim3A_249 = vector.shape_cast %get3A_248 : vector<128xf32> to vector<1x128xf32>
    %add3A_250 = vector.broadcast %broadcast_in_dim3A_249 : vector<1x128xf32> to vector<16x128xf32>
    %add3A_251 = arith.addf %dot_general3A_244, %add3A_250 : vector<16x128xf32>
    %swap3A_252 = arith.constant 0 : index
    %swap3A_253 = arith.constant 0 : index
    %swap3A_254 = vector.load %arg13[%swap3A_252, %swap3A_253] : memref<16x128xf32, #tpu.memory_space<vmem>>, vector<16x128xf32>
    tpu.vector_store %arg13[%swap3A_252, %swap3A_253], %add3A_251 {strides = array<i32>} : memref<16x128xf32, #tpu.memory_space<vmem>>, vector<16x128xf32>,
    return
  }
  func.func @transform_0(%arg0: i32) -> (i32, i32, i32) {
    %c0_i32 = arith.constant 0 : i32
    %c0_i32_0 = arith.constant 0 : i32
    %c0_i32_1 = arith.constant 0 : i32
    return %c0_i32, %arg0, %c0_i32_0 : i32, i32, i32
  }
  func.func @transform_1(%arg0: i32) -> (i32, i32) {
    %c0_i32 = arith.constant 0 : i32
    %c0_i32_0 = arith.constant 0 : i32
    return %c0_i32, %arg0 : i32, i32
  }
  func.func @transform_2(%arg0: i32) -> (i32, i32) {
    %c0_i32 = arith.constant 0 : i32
    %c0_i32_0 = arith.constant 0 : i32
    return %arg0, %c0_i32 : i32, i32
  }
  func.func @transform_3(%arg0: i32) -> (i32, i32) {
    %c0_i32 = arith.constant 0 : i32
    %c0_i32_0 = arith.constant 0 : i32
    %c0_i32_1 = arith.constant 0 : i32
    return %c0_i32, %c0_i32_0 : i32, i32
  }
  func.func @transform_4(%arg0: i32) -> (i32, i32) {
    %c0_i32 = arith.constant 0 : i32
    %c0_i32_0 = arith.constant 0 : i32
    %c0_i32_1 = arith.constant 0 : i32
    return %c0_i32, %c0_i32_0 : i32, i32
  }
  func.func @transform_5(%arg0: i32) -> (i32, i32) {
    %c0_i32 = arith.constant 0 : i32
    %c0_i32_0 = arith.constant 0 : i32
    %c0_i32_1 = arith.constant 0 : i32
    return %c0_i32, %c0_i32_0 : i32, i32
  }
  func.func @transform_6(%arg0: i32) -> (i32, i32) {
    %c0_i32 = arith.constant 0 : i32
    %c0_i32_0 = arith.constant 0 : i32
    %c0_i32_1 = arith.constant 0 : i32
    return %c0_i32, %c0_i32_0 : i32, i32
  }
  func.func @transform_7(%arg0: i32) -> (i32, i32) {
    %c0_i32 = arith.constant 0 : i32
    %c0_i32_0 = arith.constant 0 : i32
    %c0_i32_1 = arith.constant 0 : i32
    return %c0_i32, %c0_i32_0 : i32, i32
  }
  func.func @transform_8(%arg0: i32) -> (i32, i32) {
    %c0_i32 = arith.constant 0 : i32
    %c0_i32_0 = arith.constant 0 : i32
    return %arg0, %c0_i32 : i32, i32
  }
  func.func @transform_9(%arg0: i32) -> (i32, i32) {
    %c0_i32 = arith.constant 0 : i32
    %c0_i32_0 = arith.constant 0 : i32
    %c0_i32_1 = arith.constant 0 : i32
    return %c0_i32, %c0_i32_0 : i32, i32
  }
  func.func @transform_10(%arg0: i32) -> (i32, i32) {
    %c0_i32 = arith.constant 0 : i32
    %c0_i32_0 = arith.constant 0 : i32
    %c0_i32_1 = arith.constant 0 : i32
    return %c0_i32, %c0_i32_0 : i32, i32
  }
  func.func @transform_11(%arg0: i32) -> (i32, i32) {
    %c0_i32 = arith.constant 0 : i32
    %c0_i32_0 = arith.constant 0 : i32
    %c0_i32_1 = arith.constant 0 : i32
    return %c0_i32, %c0_i32_0 : i32, i32
  }
  func.func @transform_12(%arg0: i32) -> (i32, i32) {
    %c0_i32 = arith.constant 0 : i32
    %c0_i32_0 = arith.constant 0 : i32
    %c0_i32_1 = arith.constant 0 : i32
    return %c0_i32, %c0_i32_0 : i32, i32
  }
}

</mosaic_0001>

<sc_bundles>
// kernel: kernel.11.cloned.1.call-start
scs
__scs_entry_jumppad:
0x0: {  	(pc) =	sbr.rel $0x88, $3  }
0x1: {  	(tag) =	ssettag $0x0;
	lr =	simm.s32 $0x1  }
0x2: {  	[smem:$0x3F90] =	sst lr;
	_ =	strace $0xD0000000  }
0x3: {  	_ = 	snop  }
0x4: {  	_ = 	snop  }
0x5: {  	_ = 	snop  }
0x6: {  	_ = 	snop  }
0x7: {  	_ = 	snop  }
__scs_overlays_trampoline_lowered:
0x8: {  	[smem:$0x3F9F] =	sst s0  }
0x9: {  	[smem:$0x3FA0] =	sst s1  }
0xa: {  	[smem:$0x3FA1] =	sst s2  }
0xb: {  	[smem:$0x3FA2] =	sst s3  }
0xc: {  	[smem:$0x3FA3] =	sst s4  }
0xd: {  	[smem:$0x3FA4] =	sst s5  }
0xe: {  	[smem:$0x3FA5] =	sst s6  }
0xf: {  	[smem:$0x3FA6] =	sst s7  }
0x10: {  	[smem:$0x3FA7] =	sst s8  }
0x11: {  	[smem:$0x3FA8] =	sst s9;
	s0 =	simm.s32 @!p0 $0x0  }
0x12: {  	s1 =	sld [smem:$0x3F8E];
	s0 =	simm.s32 @p0 $0x1  }
0x13: {  	[smem:$0x3FA9] =	sst s0;
	s0 =	simm.s32 @!p1 $0x0  }
0x14: {  	s2 =	sld [smem:$0x3F8D];
	s0 =	simm.s32 @p1 $0x1  }
0x15: {  	[smem:$0x3FAA] =	sst s0;
	s0 =	simm.s32 @!p2 $0x0  }
0x16: {  	s3 =	sld [smem:$0x3FDB];
	s0 =	simm.s32 @p2 $0x1  }
0x17: {  	s4 =	simm.s32 $0x1BF5;
	[smem:$0x3FAC] =	sst s0  }
0x18: {  	s0 =	sld [smem:$0x3F8F];
	_ =	swait.ge [sflag:s4], $0x0  }
0x19: {  	s7 =	sld [smem:$0x3F90]  }
0x1a: {  	s8 =	sadd.s32 $0xFFFFE003, lr  }
0x1b: {  	s9 =	sadd.s32 $0xFFFFFEF7, lr;
	s5 =	simm.s32 $0xFFFFFFFF;
	p2 =	slt.u32 s8, $0xFFFFF086  }
0x1c: {  	p1 =	slt.u32 s9, $0xF7A;
	s5 =	simm.s32 @!p2 $0x0  }
0x1d: {  	s5 =	simm.s32 @p1 $0x1;
	p0 =	seq.s32 s7, s2  }
0x1e: {  	s7 =	smul.u32 @!p0 $0xF7A, s2;
	p2 =	seq.s32 @!p0 s5, $0x0  }
0x1f: {  	s9 =	smul.u32 $0xF7A, s1;
	s8 =	simm.s32 @!p0 $0x1BF5;
	p2 =	por !p2, p0  }
0x20: {  	[sflag:s8] =	ssyncset.s32 @!p0 $0xFFFFF086;
	s6 =	sadd.s32 @!p0 s3, s7;
	s7 =	simm.s32 @!p0 $0x108  }
0x21: {  	s3 =	sadd.s32 s3, s9;
	s6 =	sadd.s32 @!p0 $0x88, s6;
	s7 =	simm.s32 @p2 $0x1082  }
0x22: {  	[simem:s7], [sflag:s8] =	dma.local @!p0 [hbm:s6], $0xF7A  }
0x23: {  	s9 =	sor.u32 $0xD0000000, s2;
	s6 =	simm.s32 $0x108;
	_ =	swait.ge @!p0 [sflag:s8], $0x0  }
0x24: {  	s3 =	sadd.s32 $0x88, s3;
	s6 =	simm.s32 @!p1 $0x1082;
	[sflag:s4] =	ssyncset.s32 $0xFFFFF086  }
0x25: {  	[simem:s6], [sflag:s4] =	dma.local [hbm:s3], $0xF7A  }
0x26: {  	[smem:$0x3F90] =	sst s1;
	(tag) =	ssettag s2;
	_ =	strace s9  }
0x27: {  	s1 =	sld [smem:$0x3FA0]  }
0x28: {  	s2 =	sld [smem:$0x3FA1]  }
0x29: {  	s4 =	sld [smem:$0x3FA3]  }
0x2a: {  	p0 =	seq.s32 s5, $0x0;
	s5 =	sld [smem:$0x3FA4]  }
0x2b: {  	s6 =	sld [smem:$0x3FA5]  }
0x2c: {  	s7 =	sld [smem:$0x3FA6]  }
0x2d: {  	s3 =	simm.s32 $0x108;
	s8 =	sld [smem:$0x3FA7]  }
0x2e: {  	s3 =	simm.s32 @!p0 $0x1082;
	s9 =	sld [smem:$0x3FA8]  }
0x2f: {  	lr =	sadd.s32 s0, s3;
	s0 =	sld [smem:$0x3F9F]  }
0x30: {  	s3 =	sld [smem:$0x3FA2]  }
0x31: {  	[smem:$0x3FAB] =	sst s10  }
0x32: {  	s10 =	sld [smem:$0x3FA9];
	_ =	sdelay $0x3  }
0x33: {  	p0 =	seq.s32 s10, $0x1;
	s10 =	sld [smem:$0x3FAB];
	_ =	sdelay $0x3  }
0x34: {  	[smem:$0x3FAB] =	sst s10  }
0x35: {  	s10 =	sld [smem:$0x3FAA];
	_ =	sdelay $0x3  }
0x36: {  	p1 =	seq.s32 s10, $0x1;
	s10 =	sld [smem:$0x3FAB];
	_ =	sdelay $0x3  }
0x37: {  	[smem:$0x3FAB] =	sst s10  }
0x38: {  	s10 =	sld [smem:$0x3FAC]  }
0x39: {  	_ = 	snop;
	(pc) =	sbr.ind lr, $3  }
0x3a: {  	_ = 	snop  }
0x3b: {  	_ = 	snop  }
0x3c: {  	p2 =	seq.s32 s10, $0x1;
	s10 =	sld [smem:$0x3FAB]  }
0x3d: {  	_ =	shalt  }
0x3e: {  	_ =	shalt  }
0x3f: {  	_ =	shalt  }
0x40: {  	_ =	shalt  }
0x41: {  	_ =	shalt  }
0x42: {  	_ =	shalt  }
0x43: {  	_ =	shalt  }
0x44: {  	_ =	shalt  }
0x45: {  	_ =	shalt  }
0x46: {  	_ =	shalt  }
0x47: {  	_ =	shalt  }
0x48: {  	_ =	shalt  }
0x49: {  	_ =	shalt  }
0x4a: {  	_ =	shalt  }
0x4b: {  	_ =	shalt  }
0x4c: {  	_ =	shalt  }
0x4d: {  	_ =	shalt  }
0x4e: {  	_ =	shalt  }
0x4f: {  	_ =	shalt  }
0x50: {  	_ =	shalt  }
0x51: {  	_ =	shalt  }
0x52: {  	_ =	shalt  }
0x53: {  	_ =	shalt  }
0x54: {  	_ =	shalt  }
0x55: {  	_ =	shalt  }
0x56: {  	_ =	shalt  }
0x57: {  	_ =	shalt  }
0x58: {  	_ =	shalt  }
0x59: {  	_ =	shalt  }
0x5a: {  	_ =	shalt  }
0x5b: {  	_ =	shalt  }
0x5c: {  	_ =	shalt  }
0x5d: {  	_ =	shalt  }
0x5e: {  	_ =	shalt  }
0x5f: {  	_ =	shalt  }
0x60: {  	_ =	shalt  }
0x61: {  	_ =	shalt  }
0x62: {  	_ =	shalt  }
0x63: {  	_ =	shalt  }
0x64: {  	_ =	shalt  }
0x65: {  	_ =	shalt  }
0x66: {  	_ =	shalt  }
0x67: {  	_ =	shalt  }
0x68: {  	_ =	shalt  }
0x69: {  	_ =	shalt  }
0x6a: {  	_ =	shalt  }
0x6b: {  	_ =	shalt  }
0x6c: {  	_ =	shalt  }
0x6d: {  	_ =	shalt  }
0x6e: {  	_ =	shalt  }
0x6f: {  	_ =	shalt  }
0x70: {  	_ =	shalt  }
0x71: {  	_ =	shalt  }
0x72: {  	_ =	shalt  }
0x73: {  	_ =	shalt  }
0x74: {  	_ =	shalt  }
0x75: {  	_ =	shalt  }
0x76: {  	_ =	shalt  }
0x77: {  	_ =	shalt  }
0x78: {  	_ =	shalt  }
0x79: {  	_ =	shalt  }
0x7a: {  	_ =	shalt  }
0x7b: {  	_ =	shalt  }
0x7c: {  	_ =	shalt  }
0x7d: {  	_ =	shalt  }
0x7e: {  	_ =	shalt  }
0x7f: {  	_ =	shalt  }
0x80: {  	_ =	shalt  }
0x81: {  	_ =	shalt  }
0x82: {  	_ =	shalt  }
0x83: {  	_ =	shalt  }
0x84: {  	_ =	shalt  }
0x85: {  	_ =	shalt  }
0x86: {  	_ =	shalt  }
0x87: {  	_ =	shalt  }
.Lfunc_end0:
.L_simem_size_0:
called_computation.1_lowered:
.L_overlay_start_0:
0x88: {  	s2 =	sld [smem:$0x3FD9]  }
0x89: {  	s3 =	sld [smem:$0x3FFE];
	_ =	sdelay $0x1  }
0x8a: {  	s1 =	srdreg.scid  }
0x8b: {  	s0 =	sand.u32 $0x1, s1  }
0x8c: {  	s16 =	sshll.u32 s0, $0xA;
	s2 =	sadd.s32 s3, s2  }
0x8d: {  	s2 =	sadd.s32 s2, s16  }
0x8e: {  	[smem:$0x3FB7] =	sst s2  }
0x8f: {  	_ = 	snop  }
0x90: {  	(tm) =	ssettm $0x1  }
0x91: {  	s17 =	sld [smem:$0x3FFB];
	_ =	sdelay $0x3  }
0x92: {  	_ =	strace s17  }
0x93: {  	s2 =	sld [smem:$0x3FFC];
	_ =	sdelay $0x3  }
0x94: {  	_ =	strace s2  }
0x95: {  	s2 =	sld [smem:$0x3FFD];
	_ =	sdelay $0x3  }
0x96: {  	_ =	strace s2  }
0x97: {  	_ =	strace $0x8FFFFFFF  }
0x98: {  	s18 =	sld [smem:$0x3FDB];
	_ =	sdelay $0x1  }
0x99: {  	s19 =	simm.s32 $_scs_section_size  }
0x9a: {  	s4 =	simm.s32 $_size__tile_overlayer_lowered;
	s5 =	simm.s32 $_tile_overlayer_lowered  }
0x9b: {  	s22 =	simm.s32 $0x1BFF;
	s21 =	sshll.u32 s5, $0x1;
	s2 =	sadd.s32 s19, s18  }
0x9c: {  	s6 =	simm.s32 $0x0;
	s20 =	sshll.u32 s4, $0x1;
	s4 =	sadd.s32 s21, s2  }
0x9d: {  	[timem:s6], [sflag:s22] =	dma.local [hbm:s4], s20  }
0x9e: {  	_ =	swait.ge [sflag:s22], s20  }
0x9f: {  	s3 =	ssub.s32 $0x0, s20;
	[sflag:s22] =	ssyncset.done $0x0  }
0xa0: {  	[sflag:s22] =	ssyncadd.s32 s3;
	_ =	sdelay $0x1  }
0xa1: {  	s23 =	simm.s32 $0x1B8B  }
0xa2: {  	_ =	swait.ge [sflag:s23], $0x1  }
0xa3: {  	[sflag:s23] =	ssyncset.done $0x0  }
0xa4: {  	s25 =	simm.s32 $0x1B8E;
	s24 =	sld [smem:$0x3FFE];
	[sflag:s23] =	ssyncadd.s32 $0xFFFFFFFF  }
0xa5: {  	s26 =	simm.s32 $execute0_lowered;
	[smem:$0x3FD2] =	sst s25  }
0xa6: {  	s4 =	sshll.u32 s26, $0x1;
	_ =	strace $0x80000046;
	[dreg:$0x1] =	wrdreg $0xFFFFFFFF  }
0xa7: {  	s28 =	simm.s32 $_size_execute0_lowered;
	s2 =	sadd.s32 s2, s4;
	[dreg:$0x0] =	wrdreg $0x0  }
0xa8: {  	s4 =	sshll.u32 s28, $0x1;
	[dreg:$0x2] =	wrdreg s2  }
0xa9: {  	[dreg:$0x3] =	wrdreg s4  }
0xaa: {  	[dreg:$0x4] =	wrdreg $0xC0  }
0xab: {  	_ =	task [dreg:s6], $0x5FFFF  }
0xac: {  	[dreg:$0x1] =	wrdreg $0xFFFFFFFF  }
0xad: {  	[dreg:$0x0] =	wrdreg $0x60  }
0xae: {  	[dreg:$0x2] =	wrdreg s24  }
0xaf: {  	[dreg:$0x3] =	wrdreg $0x0  }
0xb0: {  	[dreg:$0x4] =	wrdreg $0xA  }
0xb1: {  	_ =	task.clear_ibuf [dreg:s6], $0x5FFFF;
	_ =	strace $0x90000046  }
0xb2: {  	s29 =	simm.s32 $0xA;
	_ =	strace $0x80000048  }
0xb3: {  	_ =	swait.ge [sflag:s29], $0x1  }
0xb4: {  	[sflag:s29] =	ssyncadd.s32 $0xFFFFFFFF  }
0xb5: {  	_ =	strace $0x90000048  }
0xb6: {  	_ =	sfence  }
0xb7: {  	s30 =	sld [smem:$0x0];
	_ =	sdelay $0x2  }
0xb8: {  	s31 =	sshll.u32 s1, $0xD;
	s1 =	sshrl.u32 s1, $0x2  }
0xb9: {  	s3 =	sand.u32 $0x4000, s31;
	s1 =	sadd.s32 s1, s30  }
0xba: {  	s0 =	sor.u32 s3, s0;
	s1 =	sshll.u32 s1, $0x11  }
0xbb: {  	s0 =	sor.u32 s1, s0  }
0xbc: {  	s0 =	sadd.s32 $0x8F2B, s0  }
0xbd: {  	[sflag:s0] =	ssyncadd.remote.s32 $0x1  }
0xbe: {  	_ =	sfence.sel $0xFFFF  }
0xbf: {  	[dreg:$0x0] =	wrdreg $0xFFFFFFFF;
	(pc) =	sbr.abs _section_cstart, $3  }
0xc0: {  	[dreg:$0x1] =	wrdreg $0xFFFFFFFF  }
0xc1: {  	_ =	task.clear_ibuf [dreg:s6], $0x2FFFF;
	_ =	strace $0x9FFFFFFF  }
0xc2: {  	(tm) =	ssettm $0x7FFFFFFF  }
0xc3: {  	_ =	shalt  }
tec
execute0_lowered:
.L_overlay_start_1:
0x0: {  	(tag) =	ssettag $0x1  }
0x1: {  	s0 =	rddreg [dreg:$0x0]  }
0x2: {  	s2 =	rddreg [dreg:$0x1]  }
0x3: {  	s3 =	simm.s32 $0x0;
	s11 =	stileid.u32;
	s1 =	srdreg.scid  }
0x4: {  	s14 =	simm.s32 $0x5;
	s15 =	simm.s32 $0x14000;
	s16 =	simm.s32 $0x15400  }
0x5: {  	s17 =	simm.s32 $0x40;
	s18 =	simm.s32 $0x16800;
	s19 =	simm.s32 $0x14080  }
0x6: {  	s20 =	simm.s32 $0x18800;
	s28 =	simm.s32 $0x4;
	s29 =	simm.s32 $0x15380  }
0x7: {  	s30 =	simm.s32 $0x16600;
	s31 =	simm.s32 $0x16680;
	[smem:$0x7FF] =	sst s3  }
0x8: {  	s21 =	smul.u32 $0x14000, s11;
	s1 =	sand.u32 $0x1, s1;
	s4 =	sadd.s32 $0x17200, s0  }
0x9: {  	s7 =	sadd.s32 $0xD200, s0;
	s10 =	sadd.s32 $0x3200, s0;
	s8 =	smul.u32 $0x50000, s11  }
0xa: {  	s24 =	sshll.u32 s11, $0x6;
	_ =	strace $0x80000047;
	s5 =	smul.u32 $0x140000, s1  }
0xb: {  	s22 =	sshll.u32 s1, $0x4;
	s1 =	ssub.s32 $0x2, s1;
	s6 =	sshrl.u32 s21, $0x3  }
0xc: {  	s9 =	sshrl.u32 s1, $0x1;
	s23 =	sshrl.u32 s8, $0x2;
	s6 =	sadd.s32 s6, s0  }
0xd: {  	s3 =	sadd.s32 s21, s5;
	s5 =	sor.u32 s11, s22;
	s1 =	ssub.s32 s1, s9  }
0xe: {  	s21 =	simm.s32 $0x14100;
	s22 =	simm.s32 $0x1A800;
	s3 =	sshrl.u32 s3, $0x3  }
0xf: {  	s5 =	smul.u32 $0x2800, s5;
	s6 =	sadd.s32 $0x3E400, s6;
	s12 =	smax.u32 s1, $0x1  }
0x10: {  	s1 =	simm.s32 $0x16780;
	s0 =	sadd.s32 s3, s0;
	s3 =	sadd.s32 s23, s2  }
0x11: {  	[dreg:$0x3] =	wrdreg s6;
	s6 =	sor.u32 $0x1C05, s24;
	s23 =	simm.s32 $0x1  }
0x12: {  	s24 =	simm.s32 $0x1C800;
	s5 =	sshrl.u32 s5, $0x3;
	s11 =	sadd.s32 $0x66400, s0  }
0x13: {  	s13 =	sshrl.u32 s3, $0x3;
	s0 =	simm.s32 $0x16700;
	s26 =	sadd.s32 s7, s5  }
0x14: {  	s25 =	sadd.s32 $0x280, s5;
	s5 =	sadd.s32 s10, s5;
	[dreg:$0x4] =	wrdreg s26  }
0x15: {  	s3 =	simm.s32 $0x0;
	[dreg:$0x5] =	wrdreg s5;
	s9 =	sadd.s32 s7, s25  }
0x16: {  	s10 =	sadd.s32 s10, s25;
	s25 =	simm.s32 $0x2;
	s26 =	simm.s32 $0x3  }
.LBB2_1:
0x17: {  	s5 =	rddreg [dreg:$0x3]  }
0x18: {  	[spmem:s13], [sflag:s6] =	dma.local [hbm:s5], $0x2800  }
0x19: {  	_ =	swait.ge [sflag:s14], $0x2800  }
0x1a: {  	[sflag:s14] =	ssyncset.done $0x0  }
0x1b: {  	[sflag:s14] =	ssyncadd.s32 $0xFFFFD800  }
0x1c: {  	[bflag:$0x0] =	sbarrier.arrive $0xFFFF  }
0x1d: {  	s5 =	simm.s32 $0x0;
	s7 =	rddreg [dreg:$0x4]  }
0x1e: {  	[tilespmem:s15], [sflag:$0x5] =	stream.linear.gather [hbm4b:s7+s5], $0x1400, $0x38;
	[tilespmem:$0x1E800] =	vst v63  }
0x1f: {  	_ =	swait.ge [sflag:s14], $0x1400  }
0x20: {  	[sflag:s14] =	ssyncset.done $0x0  }
0x21: {  	s8 =	rddreg [dreg:$0x5];
	[sflag:s14] =	ssyncadd.s32 $0xFFFFEC00  }
0x22: {  	[tilespmem:s16], [sflag:$0x5] =	stream.linear.gather [hbm4b:s8+s5], $0x1400, $0x38;
	[tilespmem:$0x1E800] =	vst v63  }
0x23: {  	_ =	swait.ge [sflag:s14], $0x1400  }
0x24: {  	[sflag:s14] =	ssyncset.done $0x0  }
0x25: {  	[sflag:s14] =	ssyncadd.s32 $0xFFFFEC00  }
0x26: {  	[tilespmem:s18], [sflag:$0x1] =	stream.indirect.gather [hbm4b:s4+s17], $0x80, s15, s17, $0xb8;
	[tilespmem:$0x1E800] =	vst v63  }
0x27: {  	_ = 	snop  }
0x28: {  	[tilespmem:s20], [sflag:$0x2] =	stream.indirect.gather [hbm4b:s4+s17], $0x80, s19, s17, $0xb8;
	[tilespmem:$0x1E800] =	vst v63  }
0x29: {  	_ = 	snop  }
0x2a: {  	[tilespmem:s22], [sflag:$0x3] =	stream.indirect.gather [hbm4b:s4+s17], $0x80, s21, s17, $0xb8;
	[tilespmem:$0x1E800] =	vst v63  }
0x2b: {  	_ =	swait.ge [sflag:s23], $0x2000  }
0x2c: {  	[sflag:s23] =	ssyncset.done $0x0  }
0x2d: {  	s7 =	simm.s32 $0x14180;
	[sflag:s23] =	ssyncadd.s32 $0xFFFFE000  }
0x2e: {  	[tilespmem:s24], [sflag:$0x4] =	stream.indirect.gather [hbm4b:s4+s17], $0x80, s7, s17, $0xb8;
	[tilespmem:$0x1E800] =	vst v63  }
0x2f: {  	s8 =	simm.s32 $0x15400  }
0x30: {  	[spmem:s2] =	stream.indirect.scatter.add.f32 [tilespmem:s18], [sflag:$0x5], $0x80, s8, s17, $0xb8;
	[tilespmem:$0x1E800] =	vst v63  }
0x31: {  	_ =	swait.ge [sflag:s14], $0x2000  }
0x32: {  	[sflag:s14] =	ssyncset.done $0x0  }
0x33: {  	[sflag:s14] =	ssyncadd.s32 $0xFFFFE000  }
0x34: {  	_ =	swait.ge [sflag:s25], $0x2000  }
0x35: {  	[sflag:s25] =	ssyncset.done $0x0  }
0x36: {  	s7 =	simm.s32 $0x14200;
	[sflag:s25] =	ssyncadd.s32 $0xFFFFE000  }
0x37: {  	[tilespmem:s18], [sflag:$0x1] =	stream.indirect.gather [hbm4b:s4+s17], $0x80, s7, s17, $0xb8;
	[tilespmem:$0x1E800] =	vst v63  }
0x38: {  	s8 =	simm.s32 $0x15480  }
0x39: {  	[spmem:s2] =	stream.indirect.scatter.add.f32 [tilespmem:s20], [sflag:$0x5], $0x80, s8, s17, $0xb8;
	[tilespmem:$0x1E800] =	vst v63  }
0x3a: {  	_ =	swait.ge [sflag:s14], $0x2000  }
0x3b: {  	[sflag:s14] =	ssyncset.done $0x0  }
0x3c: {  	[sflag:s14] =	ssyncadd.s32 $0xFFFFE000  }
0x3d: {  	_ =	swait.ge [sflag:s26], $0x2000  }
0x3e: {  	[sflag:s26] =	ssyncset.done $0x0  }
0x3f: {  	s7 =	simm.s32 $0x14280;
	[sflag:s26] =	ssyncadd.s32 $0xFFFFE000  }
0x40: {  	[tilespmem:s20], [sflag:$0x2] =	stream.indirect.gather [hbm4b:s4+s17], $0x80, s7, s17, $0xb8;
	[tilespmem:$0x1E800] =	vst v63  }
0x41: {  	s8 =	simm.s32 $0x15500  }
0x42: {  	[spmem:s2] =	stream.indirect.scatter.add.f32 [tilespmem:s22], [sflag:$0x5], $0x80, s8, s17, $0xb8;
	[tilespmem:$0x1E800] =	vst v63  }
0x43: {  	_ =	swait.ge [sflag:s14], $0x2000  }
0x44: {  	[sflag:s14] =	ssyncset.done $0x0  }
0x45: {  	[sflag:s14] =	ssyncadd.s32 $0xFFFFE000  }
0x46: {  	_ =	swait.ge [sflag:s28], $0x2000  }
0x47: {  	[sflag:s28] =	ssyncset.done $0x0  }
0x48: {  	s7 =	simm.s32 $0x14300;
	[sflag:s28] =	ssyncadd.s32 $0xFFFFE000  }
0x49: {  	[tilespmem:s22], [sflag:$0x3] =	stream.indirect.gather [hbm4b:s4+s17], $0x80, s7, s17, $0xb8;
	[tilespmem:$0x1E800] =	vst v63  }
0x4a: {  	s8 =	simm.s32 $0x15580  }
0x4b: {  	[spmem:s2] =	stream.indirect.scatter.add.f32 [tilespmem:s24], [sflag:$0x5], $0x80, s8, s17, $0xb8;
	[tilespmem:$0x1E800] =	vst v63  }
0x4c: {  	_ =	swait.ge [sflag:s14], $0x2000  }
0x4d: {  	s5 =	simm.s32 $0x800;
	[sflag:s14] =	ssyncset.done $0x0  }
.LBB2_2:
0x4e: {  	p0 =	sne.s32 s5, $0x4000  }
0x4f: {  	[sflag:s14] =	ssyncadd.s32 $0xFFFFE000;
	s7 =	smov.u32 s5;
	s5 =	sadd.s32 $0x800, s5  }
0x50: {  	_ = 	snop  }
0x51: {  	_ =	swait.ge [sflag:s23], $0x2000  }
0x52: {  	s7 =	sshra.s32 s7, $0x2;
	[sflag:s23] =	ssyncset.done $0x0  }
0x53: {  	s8 =	sadd.s32 $0x14180, s7;
	[sflag:s23] =	ssyncadd.s32 $0xFFFFE000  }
0x54: {  	[tilespmem:s24], [sflag:$0x4] =	stream.indirect.gather [hbm4b:s4+s17], $0x80, s8, s17, $0xb8;
	[tilespmem:$0x1E800] =	vst v63  }
0x55: {  	s8 =	sadd.s32 $0x15400, s7  }
0x56: {  	[spmem:s2] =	stream.indirect.scatter.add.f32 [tilespmem:s18], [sflag:$0x5], $0x80, s8, s17, $0xb8;
	[tilespmem:$0x1E800] =	vst v63  }
0x57: {  	_ =	swait.ge [sflag:s14], $0x2000  }
0x58: {  	[sflag:s14] =	ssyncset.done $0x0  }
0x59: {  	[sflag:s14] =	ssyncadd.s32 $0xFFFFE000  }
0x5a: {  	_ =	swait.ge [sflag:s25], $0x2000  }
0x5b: {  	[sflag:s25] =	ssyncset.done $0x0  }
0x5c: {  	s8 =	sadd.s32 $0x14200, s7;
	[sflag:s25] =	ssyncadd.s32 $0xFFFFE000  }
0x5d: {  	[tilespmem:s18], [sflag:$0x1] =	stream.indirect.gather [hbm4b:s4+s17], $0x80, s8, s17, $0xb8;
	[tilespmem:$0x1E800] =	vst v63  }
0x5e: {  	s8 =	sadd.s32 $0x15480, s7  }
0x5f: {  	[spmem:s2] =	stream.indirect.scatter.add.f32 [tilespmem:s20], [sflag:$0x5], $0x80, s8, s17, $0xb8;
	[tilespmem:$0x1E800] =	vst v63  }
0x60: {  	_ =	swait.ge [sflag:s14], $0x2000  }
0x61: {  	[sflag:s14] =	ssyncset.done $0x0  }
0x62: {  	[sflag:s14] =	ssyncadd.s32 $0xFFFFE000  }
0x63: {  	_ =	swait.ge [sflag:s26], $0x2000  }
0x64: {  	[sflag:s26] =	ssyncset.done $0x0  }
0x65: {  	s8 =	sadd.s32 $0x14280, s7;
	[sflag:s26] =	ssyncadd.s32 $0xFFFFE000  }
0x66: {  	[tilespmem:s20], [sflag:$0x2] =	stream.indirect.gather [hbm4b:s4+s17], $0x80, s8, s17, $0xb8;
	[tilespmem:$0x1E800] =	vst v63  }
0x67: {  	s8 =	sadd.s32 $0x15500, s7  }
0x68: {  	[spmem:s2] =	stream.indirect.scatter.add.f32 [tilespmem:s22], [sflag:$0x5], $0x80, s8, s17, $0xb8;
	[tilespmem:$0x1E800] =	vst v63  }
0x69: {  	_ =	swait.ge [sflag:s14], $0x2000  }
0x6a: {  	[sflag:s14] =	ssyncset.done $0x0  }
0x6b: {  	[sflag:s14] =	ssyncadd.s32 $0xFFFFE000  }
0x6c: {  	_ =	swait.ge [sflag:s28], $0x2000  }
0x6d: {  	[sflag:s28] =	ssyncset.done $0x0  }
0x6e: {  	s8 =	sadd.s32 $0x14300, s7;
	[sflag:s28] =	ssyncadd.s32 $0xFFFFE000  }
0x6f: {  	[tilespmem:s22], [sflag:$0x3] =	stream.indirect.gather [hbm4b:s4+s17], $0x80, s8, s17, $0xb8;
	[tilespmem:$0x1E800] =	vst v63  }
.Ltmp0:
0x70: {  	_ = 	snop;
	(pc) =	sbr.rel @p0 .LBB2_2-.Ltmp0, $4  }
0x71: {  	s7 =	sadd.s32 $0x15580, s7  }
0x72: {  	[spmem:s2] =	stream.indirect.scatter.add.f32 [tilespmem:s24], [sflag:$0x5], $0x80, s7, s17, $0xb8;
	[tilespmem:$0x1E800] =	vst v63  }
0x73: {  	_ =	swait.ge [sflag:s14], $0x2000  }
0x74: {  	[sflag:s14] =	ssyncset.done $0x0  }
0x75: {  	[sflag:s14] =	ssyncadd.s32 $0xFFFFE000  }
0x76: {  	_ =	swait.ge [sflag:s23], $0x2000  }
0x77: {  	[sflag:s23] =	ssyncset.done $0x0  }
0x78: {  	[sflag:s23] =	ssyncadd.s32 $0xFFFFE000  }
0x79: {  	[tilespmem:s24], [sflag:$0x4] =	stream.indirect.gather [hbm4b:s4+s17], $0x80, s29, s17, $0xb8;
	[tilespmem:$0x1E800] =	vst v63  }
0x7a: {  	_ = 	snop  }
0x7b: {  	[spmem:s2] =	stream.indirect.scatter.add.f32 [tilespmem:s18], [sflag:$0x5], $0x80, s30, s17, $0xb8;
	[tilespmem:$0x1E800] =	vst v63  }
0x7c: {  	_ =	swait.ge [sflag:s14], $0x2000  }
0x7d: {  	[sflag:s14] =	ssyncset.done $0x0  }
0x7e: {  	[sflag:s14] =	ssyncadd.s32 $0xFFFFE000  }
0x7f: {  	_ =	swait.ge [sflag:s25], $0x2000  }
0x80: {  	[sflag:s25] =	ssyncset.done $0x0  }
0x81: {  	[sflag:s25] =	ssyncadd.s32 $0xFFFFE000  }
0x82: {  	[spmem:s2] =	stream.indirect.scatter.add.f32 [tilespmem:s20], [sflag:$0x5], $0x80, s31, s17, $0xb8;
	[tilespmem:$0x1E800] =	vst v63  }
0x83: {  	_ =	swait.ge [sflag:s14], $0x2000  }
0x84: {  	[sflag:s14] =	ssyncset.done $0x0  }
0x85: {  	[sflag:s14] =	ssyncadd.s32 $0xFFFFE000  }
0x86: {  	_ =	swait.ge [sflag:s26], $0x2000  }
0x87: {  	[sflag:s26] =	ssyncset.done $0x0  }
0x88: {  	[sflag:s26] =	ssyncadd.s32 $0xFFFFE000  }
0x89: {  	[spmem:s2] =	stream.indirect.scatter.add.f32 [tilespmem:s22], [sflag:$0x5], $0x80, s0, s17, $0xb8;
	[tilespmem:$0x1E800] =	vst v63  }
0x8a: {  	_ =	swait.ge [sflag:s14], $0x2000  }
0x8b: {  	[sflag:s14] =	ssyncset.done $0x0  }
0x8c: {  	[sflag:s14] =	ssyncadd.s32 $0xFFFFE000  }
0x8d: {  	_ =	swait.ge [sflag:s28], $0x2000  }
0x8e: {  	[sflag:s28] =	ssyncset.done $0x0  }
0x8f: {  	[sflag:s28] =	ssyncadd.s32 $0xFFFFE000  }
0x90: {  	[spmem:s2] =	stream.indirect.scatter.add.f32 [tilespmem:s24], [sflag:$0x5], $0x80, s1, s17, $0xb8;
	[tilespmem:$0x1E800] =	vst v63  }
0x91: {  	_ =	swait.ge [sflag:s14], $0x2000  }
0x92: {  	[sflag:s14] =	ssyncset.done $0x0  }
0x93: {  	s5 =	simm.s32 $0x0;
	[sflag:s14] =	ssyncadd.s32 $0xFFFFE000  }
0x94: {  	[tilespmem:s15], [sflag:$0x5] =	stream.linear.gather [hbm4b:s9+s5], $0x1400, $0x38;
	[tilespmem:$0x1E800] =	vst v63  }
0x95: {  	_ =	swait.ge [sflag:s14], $0x1400  }
0x96: {  	[sflag:s14] =	ssyncset.done $0x0  }
0x97: {  	[sflag:s14] =	ssyncadd.s32 $0xFFFFEC00  }
0x98: {  	[tilespmem:s16], [sflag:$0x5] =	stream.linear.gather [hbm4b:s10+s5], $0x1400, $0x38;
	[tilespmem:$0x1E800] =	vst v63  }
0x99: {  	_ =	swait.ge [sflag:s14], $0x1400  }
0x9a: {  	[sflag:s14] =	ssyncset.done $0x0  }
0x9b: {  	[sflag:s14] =	ssyncadd.s32 $0xFFFFEC00  }
0x9c: {  	[tilespmem:s18], [sflag:$0x1] =	stream.indirect.gather [hbm4b:s4+s17], $0x80, s15, s17, $0xb8;
	[tilespmem:$0x1E800] =	vst v63  }
0x9d: {  	_ = 	snop  }
0x9e: {  	[tilespmem:s20], [sflag:$0x2] =	stream.indirect.gather [hbm4b:s4+s17], $0x80, s19, s17, $0xb8;
	[tilespmem:$0x1E800] =	vst v63  }
0x9f: {  	_ = 	snop  }
0xa0: {  	[tilespmem:s22], [sflag:$0x3] =	stream.indirect.gather [hbm4b:s4+s17], $0x80, s21, s17, $0xb8;
	[tilespmem:$0x1E800] =	vst v63  }
0xa1: {  	_ =	swait.ge [sflag:s23], $0x2000  }
0xa2: {  	[sflag:s23] =	ssyncset.done $0x0  }
0xa3: {  	s7 =	simm.s32 $0x14180;
	[sflag:s23] =	ssyncadd.s32 $0xFFFFE000  }
0xa4: {  	[tilespmem:s24], [sflag:$0x4] =	stream.indirect.gather [hbm4b:s4+s17], $0x80, s7, s17, $0xb8;
	[tilespmem:$0x1E800] =	vst v63  }
0xa5: {  	s8 =	simm.s32 $0x15400  }
0xa6: {  	[spmem:s2] =	stream.indirect.scatter.add.f32 [tilespmem:s18], [sflag:$0x5], $0x80, s8, s17, $0xb8;
	[tilespmem:$0x1E800] =	vst v63  }
0xa7: {  	_ =	swait.ge [sflag:s14], $0x2000  }
0xa8: {  	[sflag:s14] =	ssyncset.done $0x0  }
0xa9: {  	[sflag:s14] =	ssyncadd.s32 $0xFFFFE000  }
0xaa: {  	_ =	swait.ge [sflag:s25], $0x2000  }
0xab: {  	[sflag:s25] =	ssyncset.done $0x0  }
0xac: {  	s7 =	simm.s32 $0x14200;
	[sflag:s25] =	ssyncadd.s32 $0xFFFFE000  }
0xad: {  	[tilespmem:s18], [sflag:$0x1] =	stream.indirect.gather [hbm4b:s4+s17], $0x80, s7, s17, $0xb8;
	[tilespmem:$0x1E800] =	vst v63  }
0xae: {  	s8 =	simm.s32 $0x15480  }
0xaf: {  	[spmem:s2] =	stream.indirect.scatter.add.f32 [tilespmem:s20], [sflag:$0x5], $0x80, s8, s17, $0xb8;
	[tilespmem:$0x1E800] =	vst v63  }
0xb0: {  	_ =	swait.ge [sflag:s14], $0x2000  }
0xb1: {  	[sflag:s14] =	ssyncset.done $0x0  }
0xb2: {  	[sflag:s14] =	ssyncadd.s32 $0xFFFFE000  }
0xb3: {  	_ =	swait.ge [sflag:s26], $0x2000  }
0xb4: {  	[sflag:s26] =	ssyncset.done $0x0  }
0xb5: {  	s7 =	simm.s32 $0x14280;
	[sflag:s26] =	ssyncadd.s32 $0xFFFFE000  }
0xb6: {  	[tilespmem:s20], [sflag:$0x2] =	stream.indirect.gather [hbm4b:s4+s17], $0x80, s7, s17, $0xb8;
	[tilespmem:$0x1E800] =	vst v63  }
0xb7: {  	s8 =	simm.s32 $0x15500  }
0xb8: {  	[spmem:s2] =	stream.indirect.scatter.add.f32 [tilespmem:s22], [sflag:$0x5], $0x80, s8, s17, $0xb8;
	[tilespmem:$0x1E800] =	vst v63  }
0xb9: {  	_ =	swait.ge [sflag:s14], $0x2000  }
0xba: {  	[sflag:s14] =	ssyncset.done $0x0  }
0xbb: {  	[sflag:s14] =	ssyncadd.s32 $0xFFFFE000  }
0xbc: {  	_ =	swait.ge [sflag:s28], $0x2000  }
0xbd: {  	[sflag:s28] =	ssyncset.done $0x0  }
0xbe: {  	s7 =	simm.s32 $0x14300;
	[sflag:s28] =	ssyncadd.s32 $0xFFFFE000  }
0xbf: {  	[tilespmem:s22], [sflag:$0x3] =	stream.indirect.gather [hbm4b:s4+s17], $0x80, s7, s17, $0xb8;
	[tilespmem:$0x1E800] =	vst v63  }
0xc0: {  	s8 =	simm.s32 $0x15580  }
0xc1: {  	[spmem:s2] =	stream.indirect.scatter.add.f32 [tilespmem:s24], [sflag:$0x5], $0x80, s8, s17, $0xb8;
	[tilespmem:$0x1E800] =	vst v63  }
0xc2: {  	_ =	swait.ge [sflag:s14], $0x2000  }
0xc3: {  	s5 =	simm.s32 $0x800;
	[sflag:s14] =	ssyncset.done $0x0  }
.LBB2_4:
0xc4: {  	p0 =	sne.s32 s5, $0x4000  }
0xc5: {  	[sflag:s14] =	ssyncadd.s32 $0xFFFFE000;
	s7 =	smov.u32 s5;
	s5 =	sadd.s32 $0x800, s5  }
0xc6: {  	_ = 	snop  }
0xc7: {  	_ =	swait.ge [sflag:s23], $0x2000  }
0xc8: {  	s7 =	sshra.s32 s7, $0x2;
	[sflag:s23] =	ssyncset.done $0x0  }
0xc9: {  	s8 =	sadd.s32 $0x14180, s7;
	[sflag:s23] =	ssyncadd.s32 $0xFFFFE000  }
0xca: {  	[tilespmem:s24], [sflag:$0x4] =	stream.indirect.gather [hbm4b:s4+s17], $0x80, s8, s17, $0xb8;
	[tilespmem:$0x1E800] =	vst v63  }
0xcb: {  	s8 =	sadd.s32 $0x15400, s7  }
0xcc: {  	[spmem:s2] =	stream.indirect.scatter.add.f32 [tilespmem:s18], [sflag:$0x5], $0x80, s8, s17, $0xb8;
	[tilespmem:$0x1E800] =	vst v63  }
0xcd: {  	_ =	swait.ge [sflag:s14], $0x2000  }
0xce: {  	[sflag:s14] =	ssyncset.done $0x0  }
0xcf: {  	[sflag:s14] =	ssyncadd.s32 $0xFFFFE000  }
0xd0: {  	_ =	swait.ge [sflag:s25], $0x2000  }
0xd1: {  	[sflag:s25] =	ssyncset.done $0x0  }
0xd2: {  	s8 =	sadd.s32 $0x14200, s7;
	[sflag:s25] =	ssyncadd.s32 $0xFFFFE000  }
0xd3: {  	[tilespmem:s18], [sflag:$0x1] =	stream.indirect.gather [hbm4b:s4+s17], $0x80, s8, s17, $0xb8;
	[tilespmem:$0x1E800] =	vst v63  }
0xd4: {  	s8 =	sadd.s32 $0x15480, s7  }
0xd5: {  	[spmem:s2] =	stream.indirect.scatter.add.f32 [tilespmem:s20], [sflag:$0x5], $0x80, s8, s17, $0xb8;
	[tilespmem:$0x1E800] =	vst v63  }
0xd6: {  	_ =	swait.ge [sflag:s14], $0x2000  }
0xd7: {  	[sflag:s14] =	ssyncset.done $0x0  }
0xd8: {  	[sflag:s14] =	ssyncadd.s32 $0xFFFFE000  }
0xd9: {  	_ =	swait.ge [sflag:s26], $0x2000  }
0xda: {  	[sflag:s26] =	ssyncset.done $0x0  }
0xdb: {  	s8 =	sadd.s32 $0x14280, s7;
	[sflag:s26] =	ssyncadd.s32 $0xFFFFE000  }
0xdc: {  	[tilespmem:s20], [sflag:$0x2] =	stream.indirect.gather [hbm4b:s4+s17], $0x80, s8, s17, $0xb8;
	[tilespmem:$0x1E800] =	vst v63  }
0xdd: {  	s8 =	sadd.s32 $0x15500, s7  }
0xde: {  	[spmem:s2] =	stream.indirect.scatter.add.f32 [tilespmem:s22], [sflag:$0x5], $0x80, s8, s17, $0xb8;
	[tilespmem:$0x1E800] =	vst v63  }
0xdf: {  	_ =	swait.ge [sflag:s14], $0x2000  }
0xe0: {  	[sflag:s14] =	ssyncset.done $0x0  }
0xe1: {  	[sflag:s14] =	ssyncadd.s32 $0xFFFFE000  }
0xe2: {  	_ =	swait.ge [sflag:s28], $0x2000  }
0xe3: {  	[sflag:s28] =	ssyncset.done $0x0  }
0xe4: {  	s8 =	sadd.s32 $0x14300, s7;
	[sflag:s28] =	ssyncadd.s32 $0xFFFFE000  }
0xe5: {  	[tilespmem:s22], [sflag:$0x3] =	stream.indirect.gather [hbm4b:s4+s17], $0x80, s8, s17, $0xb8;
	[tilespmem:$0x1E800] =	vst v63  }
.Ltmp1:
0xe6: {  	_ = 	snop;
	(pc) =	sbr.rel @p0 .LBB2_4-.Ltmp1, $4  }
0xe7: {  	s7 =	sadd.s32 $0x15580, s7  }
0xe8: {  	[spmem:s2] =	stream.indirect.scatter.add.f32 [tilespmem:s24], [sflag:$0x5], $0x80, s7, s17, $0xb8;
	[tilespmem:$0x1E800] =	vst v63  }
0xe9: {  	_ =	swait.ge [sflag:s14], $0x2000  }
0xea: {  	[sflag:s14] =	ssyncset.done $0x0  }
0xeb: {  	[sflag:s14] =	ssyncadd.s32 $0xFFFFE000  }
0xec: {  	_ =	swait.ge [sflag:s23], $0x2000  }
0xed: {  	[sflag:s23] =	ssyncset.done $0x0  }
0xee: {  	[sflag:s23] =	ssyncadd.s32 $0xFFFFE000  }
0xef: {  	[tilespmem:s24], [sflag:$0x4] =	stream.indirect.gather [hbm4b:s4+s17], $0x80, s29, s17, $0xb8;
	[tilespmem:$0x1E800] =	vst v63  }
0xf0: {  	_ = 	snop  }
0xf1: {  	[spmem:s2] =	stream.indirect.scatter.add.f32 [tilespmem:s18], [sflag:$0x5], $0x80, s30, s17, $0xb8;
	[tilespmem:$0x1E800] =	vst v63  }
0xf2: {  	_ =	swait.ge [sflag:s14], $0x2000  }
0xf3: {  	[sflag:s14] =	ssyncset.done $0x0  }
0xf4: {  	[sflag:s14] =	ssyncadd.s32 $0xFFFFE000  }
0xf5: {  	_ =	swait.ge [sflag:s25], $0x2000  }
0xf6: {  	[sflag:s25] =	ssyncset.done $0x0  }
0xf7: {  	[sflag:s25] =	ssyncadd.s32 $0xFFFFE000  }
0xf8: {  	[spmem:s2] =	stream.indirect.scatter.add.f32 [tilespmem:s20], [sflag:$0x5], $0x80, s31, s17, $0xb8;
	[tilespmem:$0x1E800] =	vst v63  }
0xf9: {  	_ =	swait.ge [sflag:s14], $0x2000  }
0xfa: {  	[sflag:s14] =	ssyncset.done $0x0  }
0xfb: {  	[sflag:s14] =	ssyncadd.s32 $0xFFFFE000  }
0xfc: {  	_ =	swait.ge [sflag:s26], $0x2000  }
0xfd: {  	[sflag:s26] =	ssyncset.done $0x0  }
0xfe: {  	[sflag:s26] =	ssyncadd.s32 $0xFFFFE000  }
0xff: {  	[spmem:s2] =	stream.indirect.scatter.add.f32 [tilespmem:s22], [sflag:$0x5], $0x80, s0, s17, $0xb8;
	[tilespmem:$0x1E800] =	vst v63  }
0x100: {  	_ =	swait.ge [sflag:s14], $0x2000  }
0x101: {  	[sflag:s14] =	ssyncset.done $0x0  }
0x102: {  	[sflag:s14] =	ssyncadd.s32 $0xFFFFE000  }
0x103: {  	_ =	swait.ge [sflag:s28], $0x2000  }
0x104: {  	[sflag:s28] =	ssyncset.done $0x0  }
0x105: {  	[sflag:s28] =	ssyncadd.s32 $0xFFFFE000  }
0x106: {  	[spmem:s2] =	stream.indirect.scatter.add.f32 [tilespmem:s24], [sflag:$0x5], $0x80, s1, s17, $0xb8;
	[tilespmem:$0x1E800] =	vst v63  }
0x107: {  	_ =	swait.ge [sflag:s14], $0x2000  }
0x108: {  	s3 =	sadd.s32 $0x1, s3;
	[sflag:s14] =	ssyncset.done $0x0  }
0x109: {  	p0 =	sne.s32 s3, s12;
	[sflag:s14] =	ssyncadd.s32 $0xFFFFE000  }
.Ltmp2:
0x10a: {  	[bflag:$0x0] =	sbarrier.arrive $0xFFFF;
	(pc) =	sbr.rel @p0 .LBB2_1-.Ltmp2, $4  }
0x10b: {  	[hbm:s11], [sflag:s6] =	dma.local [spmem:s13], $0x2800  }
0x10c: {  	_ =	swait.ge [sflag:s14], $0x2800  }
0x10d: {  	[sflag:s14] =	ssyncset.done $0x0  }
0x10e: {  	[sflag:s14] =	ssyncadd.s32 $0xFFFFD800  }
0x10f: {  	_ =	sfence.sel $0x180000  }
0x110: {  	[bflag:$0x0] =	sbarrier.arrive $0xFFFF  }
0x111: {  	_ =	strace $0x90000047  }
0x112: {  	s0 =	stileid.u32;
	[bflag:$0x2] =	sbarrier.arrive $0xFFFF  }
0x113: {  	p0 =	sne.s32 s0, $0x0;
	s0 =	rddreg [dreg:$0x2]  }
0x114: {  	s0 =	sadd.s32 @!p0 $0x100000, s0  }
0x115: {  	[sflag:s0] =	ssyncadd.tile.s32 @!p0 $0x1;
	_ =	shalt  }
.Lfunc_end2:
_tile_overlayer_lowered:
.L_overlay_start_2:
0x116: {  	(tag) =	ssettag $0x2  }
0x117: {  	s0 =	rddreg [dreg:$0x0];
	s2 =	stileid.u32  }
0x118: {  	s1 =	rddreg [dreg:$0x1];
	p0 =	sne.s32 s2, $0x0  }
0x119: {  	s3 =	rddreg [dreg:$0x2];
	[bflag:$0x3] =	sbarrier.arrive $0xFFFF;
	s2 =	simm.s32 @!p0 $0x1C05  }
0x11a: {  	[timem:s3], [sflag:s2] =	dma.local @!p0 [hbm:s0], s1  }
0x11b: {  	s0 =	simm.s32 @!p0 $0x5  }
0x11c: {  	_ =	swait.ge @!p0 [sflag:s0], s1  }
0x11d: {  	s1 =	ssub.s32 @!p0 $0x0, s1;
	[sflag:s0] =	ssyncset.done @!p0 $0x0  }
0x11e: {  	[sflag:s0] =	ssyncadd.s32 @!p0 s1  }
0x11f: {  	[bflag:$0x3] =	sbarrier.arrive $0xFFFF  }
0x120: {  	_ =	shalt  }

// kernel: kernel.14.cloned.1.call-start
scs
__scs_entry_jumppad:
0x0: {  	(pc) =	sbr.rel $0x88, $3  }
0x1: {  	(tag) =	ssettag $0x0;
	lr =	simm.s32 $0x1  }
0x2: {  	[smem:$0x3F90] =	sst lr;
	_ =	strace $0xD0000000  }
0x3: {  	_ = 	snop  }
0x4: {  	_ = 	snop  }
0x5: {  	_ = 	snop  }
0x6: {  	_ = 	snop  }
0x7: {  	_ = 	snop  }
__scs_overlays_trampoline_lowered:
0x8: {  	[smem:$0x3F9F] =	sst s0  }
0x9: {  	[smem:$0x3FA0] =	sst s1  }
0xa: {  	[smem:$0x3FA1] =	sst s2  }
0xb: {  	[smem:$0x3FA2] =	sst s3  }
0xc: {  	[smem:$0x3FA3] =	sst s4  }
0xd: {  	[smem:$0x3FA4] =	sst s5  }
0xe: {  	[smem:$0x3FA5] =	sst s6  }
0xf: {  	[smem:$0x3FA6] =	sst s7  }
0x10: {  	[smem:$0x3FA7] =	sst s8  }
0x11: {  	[smem:$0x3FA8] =	sst s9;
	s0 =	simm.s32 @!p0 $0x0  }
0x12: {  	s1 =	sld [smem:$0x3F8E];
	s0 =	simm.s32 @p0 $0x1  }
0x13: {  	[smem:$0x3FA9] =	sst s0;
	s0 =	simm.s32 @!p1 $0x0  }
0x14: {  	s2 =	sld [smem:$0x3F8D];
	s0 =	simm.s32 @p1 $0x1  }
0x15: {  	[smem:$0x3FAA] =	sst s0;
	s0 =	simm.s32 @!p2 $0x0  }
0x16: {  	s3 =	sld [smem:$0x3FDB];
	s0 =	simm.s32 @p2 $0x1  }
0x17: {  	s4 =	simm.s32 $0x1BF5;
	[smem:$0x3FAC] =	sst s0  }
0x18: {  	s0 =	sld [smem:$0x3F8F];
	_ =	swait.ge [sflag:s4], $0x0  }
0x19: {  	s7 =	sld [smem:$0x3F90]  }
0x1a: {  	s8 =	sadd.s32 $0xFFFFE003, lr  }
0x1b: {  	s9 =	sadd.s32 $0xFFFFFEF7, lr;
	s5 =	simm.s32 $0xFFFFFFFF;
	p2 =	slt.u32 s8, $0xFFFFF086  }
0x1c: {  	p1 =	slt.u32 s9, $0xF7A;
	s5 =	simm.s32 @!p2 $0x0  }
0x1d: {  	s5 =	simm.s32 @p1 $0x1;
	p0 =	seq.s32 s7, s2  }
0x1e: {  	s7 =	smul.u32 @!p0 $0xF7A, s2;
	p2 =	seq.s32 @!p0 s5, $0x0  }
0x1f: {  	s9 =	smul.u32 $0xF7A, s1;
	s8 =	simm.s32 @!p0 $0x1BF5;
	p2 =	por !p2, p0  }
0x20: {  	[sflag:s8] =	ssyncset.s32 @!p0 $0xFFFFF086;
	s6 =	sadd.s32 @!p0 s3, s7;
	s7 =	simm.s32 @!p0 $0x108  }
0x21: {  	s3 =	sadd.s32 s3, s9;
	s6 =	sadd.s32 @!p0 $0x88, s6;
	s7 =	simm.s32 @p2 $0x1082  }
0x22: {  	[simem:s7], [sflag:s8] =	dma.local @!p0 [hbm:s6], $0xF7A  }
0x23: {  	s9 =	sor.u32 $0xD0000000, s2;
	s6 =	simm.s32 $0x108;
	_ =	swait.ge @!p0 [sflag:s8], $0x0  }
0x24: {  	s3 =	sadd.s32 $0x88, s3;
	s6 =	simm.s32 @!p1 $0x1082;
	[sflag:s4] =	ssyncset.s32 $0xFFFFF086  }
0x25: {  	[simem:s6], [sflag:s4] =	dma.local [hbm:s3], $0xF7A  }
0x26: {  	[smem:$0x3F90] =	sst s1;
	(tag) =	ssettag s2;
	_ =	strace s9  }
0x27: {  	s1 =	sld [smem:$0x3FA0]  }
0x28: {  	s2 =	sld [smem:$0x3FA1]  }
0x29: {  	s4 =	sld [smem:$0x3FA3]  }
0x2a: {  	p0 =	seq.s32 s5, $0x0;
	s5 =	sld [smem:$0x3FA4]  }
0x2b: {  	s6 =	sld [smem:$0x3FA5]  }
0x2c: {  	s7 =	sld [smem:$0x3FA6]  }
0x2d: {  	s3 =	simm.s32 $0x108;
	s8 =	sld [smem:$0x3FA7]  }
0x2e: {  	s3 =	simm.s32 @!p0 $0x1082;
	s9 =	sld [smem:$0x3FA8]  }
0x2f: {  	lr =	sadd.s32 s0, s3;
	s0 =	sld [smem:$0x3F9F]  }
0x30: {  	s3 =	sld [smem:$0x3FA2]  }
0x31: {  	[smem:$0x3FAB] =	sst s10  }
0x32: {  	s10 =	sld [smem:$0x3FA9];
	_ =	sdelay $0x3  }
0x33: {  	p0 =	seq.s32 s10, $0x1;
	s10 =	sld [smem:$0x3FAB];
	_ =	sdelay $0x3  }
0x34: {  	[smem:$0x3FAB] =	sst s10  }
0x35: {  	s10 =	sld [smem:$0x3FAA];
	_ =	sdelay $0x3  }
0x36: {  	p1 =	seq.s32 s10, $0x1;
	s10 =	sld [smem:$0x3FAB];
	_ =	sdelay $0x3  }
0x37: {  	[smem:$0x3FAB] =	sst s10  }
0x38: {  	s10 =	sld [smem:$0x3FAC]  }
0x39: {  	_ = 	snop;
	(pc) =	sbr.ind lr, $3  }
0x3a: {  	_ = 	snop  }
0x3b: {  	_ = 	snop  }
0x3c: {  	p2 =	seq.s32 s10, $0x1;
	s10 =	sld [smem:$0x3FAB]  }
0x3d: {  	_ =	shalt  }
0x3e: {  	_ =	shalt  }
0x3f: {  	_ =	shalt  }
0x40: {  	_ =	shalt  }
0x41: {  	_ =	shalt  }
0x42: {  	_ =	shalt  }
0x43: {  	_ =	shalt  }
0x44: {  	_ =	shalt  }
0x45: {  	_ =	shalt  }
0x46: {  	_ =	shalt  }
0x47: {  	_ =	shalt  }
0x48: {  	_ =	shalt  }
0x49: {  	_ =	shalt  }
0x4a: {  	_ =	shalt  }
0x4b: {  	_ =	shalt  }
0x4c: {  	_ =	shalt  }
0x4d: {  	_ =	shalt  }
0x4e: {  	_ =	shalt  }
0x4f: {  	_ =	shalt  }
0x50: {  	_ =	shalt  }
0x51: {  	_ =	shalt  }
0x52: {  	_ =	shalt  }
0x53: {  	_ =	shalt  }
0x54: {  	_ =	shalt  }
0x55: {  	_ =	shalt  }
0x56: {  	_ =	shalt  }
0x57: {  	_ =	shalt  }
0x58: {  	_ =	shalt  }
0x59: {  	_ =	shalt  }
0x5a: {  	_ =	shalt  }
0x5b: {  	_ =	shalt  }
0x5c: {  	_ =	shalt  }
0x5d: {  	_ =	shalt  }
0x5e: {  	_ =	shalt  }
0x5f: {  	_ =	shalt  }
0x60: {  	_ =	shalt  }
0x61: {  	_ =	shalt  }
0x62: {  	_ =	shalt  }
0x63: {  	_ =	shalt  }
0x64: {  	_ =	shalt  }
0x65: {  	_ =	shalt  }
0x66: {  	_ =	shalt  }
0x67: {  	_ =	shalt  }
0x68: {  	_ =	shalt  }
0x69: {  	_ =	shalt  }
0x6a: {  	_ =	shalt  }
0x6b: {  	_ =	shalt  }
0x6c: {  	_ =	shalt  }
0x6d: {  	_ =	shalt  }
0x6e: {  	_ =	shalt  }
0x6f: {  	_ =	shalt  }
0x70: {  	_ =	shalt  }
0x71: {  	_ =	shalt  }
0x72: {  	_ =	shalt  }
0x73: {  	_ =	shalt  }
0x74: {  	_ =	shalt  }
0x75: {  	_ =	shalt  }
0x76: {  	_ =	shalt  }
0x77: {  	_ =	shalt  }
0x78: {  	_ =	shalt  }
0x79: {  	_ =	shalt  }
0x7a: {  	_ =	shalt  }
0x7b: {  	_ =	shalt  }
0x7c: {  	_ =	shalt  }
0x7d: {  	_ =	shalt  }
0x7e: {  	_ =	shalt  }
0x7f: {  	_ =	shalt  }
0x80: {  	_ =	shalt  }
0x81: {  	_ =	shalt  }
0x82: {  	_ =	shalt  }
0x83: {  	_ =	shalt  }
0x84: {  	_ =	shalt  }
0x85: {  	_ =	shalt  }
0x86: {  	_ =	shalt  }
0x87: {  	_ =	shalt  }
.Lfunc_end0:
.L_simem_size_0:
called_computation.2_lowered:
.L_overlay_start_0:
0x88: {  	s2 =	sld [smem:$0x3FD9]  }
0x89: {  	s3 =	sld [smem:$0x3FFE];
	_ =	sdelay $0x1  }
0x8a: {  	s1 =	srdreg.scid  }
0x8b: {  	s0 =	sand.u32 $0x1, s1  }
0x8c: {  	s16 =	sshll.u32 s0, $0xA;
	s2 =	sadd.s32 s3, s2  }
0x8d: {  	s2 =	sadd.s32 s2, s16  }
0x8e: {  	[smem:$0x3FB7] =	sst s2  }
0x8f: {  	_ = 	snop  }
0x90: {  	(tm) =	ssettm $0x1  }
0x91: {  	s17 =	sld [smem:$0x3FFB];
	_ =	sdelay $0x3  }
0x92: {  	_ =	strace s17  }
0x93: {  	s2 =	sld [smem:$0x3FFC];
	_ =	sdelay $0x3  }
0x94: {  	_ =	strace s2  }
0x95: {  	s2 =	sld [smem:$0x3FFD];
	_ =	sdelay $0x3  }
0x96: {  	_ =	strace s2  }
0x97: {  	_ =	strace $0x8FFFFFFF  }
0x98: {  	s18 =	sld [smem:$0x3FDB];
	_ =	sdelay $0x1  }
0x99: {  	s19 =	simm.s32 $_scs_section_size  }
0x9a: {  	s4 =	simm.s32 $_size__tile_overlayer_lowered;
	s5 =	simm.s32 $_tile_overlayer_lowered  }
0x9b: {  	s22 =	simm.s32 $0x1BFF;
	s21 =	sshll.u32 s5, $0x1;
	s2 =	sadd.s32 s19, s18  }
0x9c: {  	s6 =	simm.s32 $0x0;
	s20 =	sshll.u32 s4, $0x1;
	s4 =	sadd.s32 s21, s2  }
0x9d: {  	[timem:s6], [sflag:s22] =	dma.local [hbm:s4], s20  }
0x9e: {  	_ =	swait.ge [sflag:s22], s20  }
0x9f: {  	s3 =	ssub.s32 $0x0, s20;
	[sflag:s22] =	ssyncset.done $0x0  }
0xa0: {  	[sflag:s22] =	ssyncadd.s32 s3;
	_ =	sdelay $0x1  }
0xa1: {  	s23 =	simm.s32 $0x1B8B  }
0xa2: {  	_ =	swait.ge [sflag:s23], $0x1  }
0xa3: {  	[sflag:s23] =	ssyncset.done $0x0  }
0xa4: {  	s25 =	simm.s32 $0x1B8E;
	s24 =	sld [smem:$0x3FFE];
	[sflag:s23] =	ssyncadd.s32 $0xFFFFFFFF  }
0xa5: {  	s26 =	simm.s32 $execute0_lowered;
	[smem:$0x3FD2] =	sst s25  }
0xa6: {  	s4 =	sshll.u32 s26, $0x1;
	_ =	strace $0x8000004C;
	[dreg:$0x1] =	wrdreg $0xFFFFFFFF  }
0xa7: {  	s28 =	simm.s32 $_size_execute0_lowered;
	s2 =	sadd.s32 s2, s4;
	[dreg:$0x0] =	wrdreg $0x0  }
0xa8: {  	s4 =	sshll.u32 s28, $0x1;
	[dreg:$0x2] =	wrdreg s2  }
0xa9: {  	[dreg:$0x3] =	wrdreg s4  }
0xaa: {  	[dreg:$0x4] =	wrdreg $0xC0  }
0xab: {  	_ =	task [dreg:s6], $0x5FFFF  }
0xac: {  	[dreg:$0x1] =	wrdreg $0xFFFFFFFF  }
0xad: {  	[dreg:$0x0] =	wrdreg $0x60  }
0xae: {  	[dreg:$0x2] =	wrdreg s24  }
0xaf: {  	[dreg:$0x3] =	wrdreg $0x0  }
0xb0: {  	[dreg:$0x4] =	wrdreg $0x9  }
0xb1: {  	_ =	task.clear_ibuf [dreg:s6], $0x5FFFF;
	_ =	strace $0x9000004C  }
0xb2: {  	s29 =	simm.s32 $0x9;
	_ =	strace $0x8000004E  }
0xb3: {  	_ =	swait.ge [sflag:s29], $0x1  }
0xb4: {  	[sflag:s29] =	ssyncadd.s32 $0xFFFFFFFF  }
0xb5: {  	_ =	strace $0x9000004E  }
0xb6: {  	_ =	sfence  }
0xb7: {  	s30 =	sld [smem:$0x0];
	_ =	sdelay $0x2  }
0xb8: {  	s31 =	sshll.u32 s1, $0xD;
	s1 =	sshrl.u32 s1, $0x2  }
0xb9: {  	s3 =	sand.u32 $0x4000, s31;
	s1 =	sadd.s32 s1, s30  }
0xba: {  	s0 =	sor.u32 s3, s0;
	s1 =	sshll.u32 s1, $0x11  }
0xbb: {  	s0 =	sor.u32 s1, s0  }
0xbc: {  	s0 =	sadd.s32 $0x8F2B, s0  }
0xbd: {  	[sflag:s0] =	ssyncadd.remote.s32 $0x1  }
0xbe: {  	_ =	sfence.sel $0xFFFF  }
0xbf: {  	[dreg:$0x0] =	wrdreg $0xFFFFFFFF;
	(pc) =	sbr.abs _section_cstart, $3  }
0xc0: {  	[dreg:$0x1] =	wrdreg $0xFFFFFFFF  }
0xc1: {  	_ =	task.clear_ibuf [dreg:s6], $0x2FFFF;
	_ =	strace $0x9FFFFFFF  }
0xc2: {  	(tm) =	ssettm $0x7FFFFFFF  }
0xc3: {  	_ =	shalt  }
tec
execute0_lowered:
.L_overlay_start_1:
0x0: {  	(tag) =	ssettag $0x1  }
0x1: {  	s0 =	rddreg [dreg:$0x0]  }
0x2: {  	s2 =	rddreg [dreg:$0x1]  }
0x3: {  	s3 =	simm.s32 $0x0;
	s11 =	stileid.u32;
	s1 =	srdreg.scid  }
0x4: {  	s14 =	simm.s32 $0x5;
	s15 =	simm.s32 $0x14000;
	s16 =	simm.s32 $0x15400  }
0x5: {  	s17 =	simm.s32 $0x40;
	s18 =	simm.s32 $0x16800;
	s19 =	simm.s32 $0x14080  }
0x6: {  	s20 =	simm.s32 $0x18800;
	s28 =	simm.s32 $0x4;
	s29 =	simm.s32 $0x15380  }
0x7: {  	s30 =	simm.s32 $0x16600;
	s31 =	simm.s32 $0x16680;
	[smem:$0x7FF] =	sst s3  }
0x8: {  	s21 =	smul.u32 $0x14000, s11;
	s1 =	sand.u32 $0x1, s1;
	s4 =	sadd.s32 $0x17200, s0  }
0x9: {  	s7 =	sadd.s32 $0xD200, s0;
	s10 =	sadd.s32 $0x3200, s0;
	s8 =	smul.u32 $0x50000, s11  }
0xa: {  	s24 =	sshll.u32 s11, $0x6;
	_ =	strace $0x8000004D;
	s5 =	smul.u32 $0x140000, s1  }
0xb: {  	s22 =	sshll.u32 s1, $0x4;
	s1 =	ssub.s32 $0x2, s1;
	s6 =	sshrl.u32 s21, $0x3  }
0xc: {  	s9 =	sshrl.u32 s1, $0x1;
	s23 =	sshrl.u32 s8, $0x2;
	s6 =	sadd.s32 s6, s0  }
0xd: {  	s3 =	sadd.s32 s21, s5;
	s5 =	sor.u32 s11, s22;
	s1 =	ssub.s32 s1, s9  }
0xe: {  	s21 =	simm.s32 $0x14100;
	s22 =	simm.s32 $0x1A800;
	s3 =	sshrl.u32 s3, $0x3  }
0xf: {  	s5 =	smul.u32 $0x2800, s5;
	s6 =	sadd.s32 $0x3E400, s6;
	s12 =	smax.u32 s1, $0x1  }
0x10: {  	s1 =	simm.s32 $0x16780;
	s0 =	sadd.s32 s3, s0;
	s3 =	sadd.s32 s23, s2  }
0x11: {  	[dreg:$0x3] =	wrdreg s6;
	s6 =	sor.u32 $0x1C05, s24;
	s23 =	simm.s32 $0x1  }
0x12: {  	s24 =	simm.s32 $0x1C800;
	s5 =	sshrl.u32 s5, $0x3;
	s11 =	sadd.s32 $0x66400, s0  }
0x13: {  	s13 =	sshrl.u32 s3, $0x3;
	s0 =	simm.s32 $0x16700;
	s26 =	sadd.s32 s7, s5  }
0x14: {  	s25 =	sadd.s32 $0x280, s5;
	s5 =	sadd.s32 s10, s5;
	[dreg:$0x4] =	wrdreg s26  }
0x15: {  	s3 =	simm.s32 $0x0;
	[dreg:$0x5] =	wrdreg s5;
	s9 =	sadd.s32 s7, s25  }
0x16: {  	s10 =	sadd.s32 s10, s25;
	s25 =	simm.s32 $0x2;
	s26 =	simm.s32 $0x3  }
.LBB2_1:
0x17: {  	s5 =	rddreg [dreg:$0x3]  }
0x18: {  	[spmem:s13], [sflag:s6] =	dma.local [hbm:s5], $0x2800  }
0x19: {  	_ =	swait.ge [sflag:s14], $0x2800  }
0x1a: {  	[sflag:s14] =	ssyncset.done $0x0  }
0x1b: {  	[sflag:s14] =	ssyncadd.s32 $0xFFFFD800  }
0x1c: {  	[bflag:$0x0] =	sbarrier.arrive $0xFFFF  }
0x1d: {  	s5 =	simm.s32 $0x0;
	s7 =	rddreg [dreg:$0x4]  }
0x1e: {  	[tilespmem:s15], [sflag:$0x5] =	stream.linear.gather [hbm4b:s7+s5], $0x1400, $0x38;
	[tilespmem:$0x1E800] =	vst v63  }
0x1f: {  	_ =	swait.ge [sflag:s14], $0x1400  }
0x20: {  	[sflag:s14] =	ssyncset.done $0x0  }
0x21: {  	s8 =	rddreg [dreg:$0x5];
	[sflag:s14] =	ssyncadd.s32 $0xFFFFEC00  }
0x22: {  	[tilespmem:s16], [sflag:$0x5] =	stream.linear.gather [hbm4b:s8+s5], $0x1400, $0x38;
	[tilespmem:$0x1E800] =	vst v63  }
0x23: {  	_ =	swait.ge [sflag:s14], $0x1400  }
0x24: {  	[sflag:s14] =	ssyncset.done $0x0  }
0x25: {  	[sflag:s14] =	ssyncadd.s32 $0xFFFFEC00  }
0x26: {  	[tilespmem:s18], [sflag:$0x1] =	stream.indirect.gather [hbm4b:s4+s17], $0x80, s15, s17, $0xb8;
	[tilespmem:$0x1E800] =	vst v63  }
0x27: {  	_ = 	snop  }
0x28: {  	[tilespmem:s20], [sflag:$0x2] =	stream.indirect.gather [hbm4b:s4+s17], $0x80, s19, s17, $0xb8;
	[tilespmem:$0x1E800] =	vst v63  }
0x29: {  	_ = 	snop  }
0x2a: {  	[tilespmem:s22], [sflag:$0x3] =	stream.indirect.gather [hbm4b:s4+s17], $0x80, s21, s17, $0xb8;
	[tilespmem:$0x1E800] =	vst v63  }
0x2b: {  	_ =	swait.ge [sflag:s23], $0x2000  }
0x2c: {  	[sflag:s23] =	ssyncset.done $0x0  }
0x2d: {  	s7 =	simm.s32 $0x14180;
	[sflag:s23] =	ssyncadd.s32 $0xFFFFE000  }
0x2e: {  	[tilespmem:s24], [sflag:$0x4] =	stream.indirect.gather [hbm4b:s4+s17], $0x80, s7, s17, $0xb8;
	[tilespmem:$0x1E800] =	vst v63  }
0x2f: {  	s8 =	simm.s32 $0x15400  }
0x30: {  	[spmem:s2] =	stream.indirect.scatter.add.f32 [tilespmem:s18], [sflag:$0x5], $0x80, s8, s17, $0xb8;
	[tilespmem:$0x1E800] =	vst v63  }
0x31: {  	_ =	swait.ge [sflag:s14], $0x2000  }
0x32: {  	[sflag:s14] =	ssyncset.done $0x0  }
0x33: {  	[sflag:s14] =	ssyncadd.s32 $0xFFFFE000  }
0x34: {  	_ =	swait.ge [sflag:s25], $0x2000  }
0x35: {  	[sflag:s25] =	ssyncset.done $0x0  }
0x36: {  	s7 =	simm.s32 $0x14200;
	[sflag:s25] =	ssyncadd.s32 $0xFFFFE000  }
0x37: {  	[tilespmem:s18], [sflag:$0x1] =	stream.indirect.gather [hbm4b:s4+s17], $0x80, s7, s17, $0xb8;
	[tilespmem:$0x1E800] =	vst v63  }
0x38: {  	s8 =	simm.s32 $0x15480  }
0x39: {  	[spmem:s2] =	stream.indirect.scatter.add.f32 [tilespmem:s20], [sflag:$0x5], $0x80, s8, s17, $0xb8;
	[tilespmem:$0x1E800] =	vst v63  }
0x3a: {  	_ =	swait.ge [sflag:s14], $0x2000  }
0x3b: {  	[sflag:s14] =	ssyncset.done $0x0  }
0x3c: {  	[sflag:s14] =	ssyncadd.s32 $0xFFFFE000  }
0x3d: {  	_ =	swait.ge [sflag:s26], $0x2000  }
0x3e: {  	[sflag:s26] =	ssyncset.done $0x0  }
0x3f: {  	s7 =	simm.s32 $0x14280;
	[sflag:s26] =	ssyncadd.s32 $0xFFFFE000  }
0x40: {  	[tilespmem:s20], [sflag:$0x2] =	stream.indirect.gather [hbm4b:s4+s17], $0x80, s7, s17, $0xb8;
	[tilespmem:$0x1E800] =	vst v63  }
0x41: {  	s8 =	simm.s32 $0x15500  }
0x42: {  	[spmem:s2] =	stream.indirect.scatter.add.f32 [tilespmem:s22], [sflag:$0x5], $0x80, s8, s17, $0xb8;
	[tilespmem:$0x1E800] =	vst v63  }
0x43: {  	_ =	swait.ge [sflag:s14], $0x2000  }
0x44: {  	[sflag:s14] =	ssyncset.done $0x0  }
0x45: {  	[sflag:s14] =	ssyncadd.s32 $0xFFFFE000  }
0x46: {  	_ =	swait.ge [sflag:s28], $0x2000  }
0x47: {  	[sflag:s28] =	ssyncset.done $0x0  }
0x48: {  	s7 =	simm.s32 $0x14300;
	[sflag:s28] =	ssyncadd.s32 $0xFFFFE000  }
0x49: {  	[tilespmem:s22], [sflag:$0x3] =	stream.indirect.gather [hbm4b:s4+s17], $0x80, s7, s17, $0xb8;
	[tilespmem:$0x1E800] =	vst v63  }
0x4a: {  	s8 =	simm.s32 $0x15580  }
0x4b: {  	[spmem:s2] =	stream.indirect.scatter.add.f32 [tilespmem:s24], [sflag:$0x5], $0x80, s8, s17, $0xb8;
	[tilespmem:$0x1E800] =	vst v63  }
0x4c: {  	_ =	swait.ge [sflag:s14], $0x2000  }
0x4d: {  	s5 =	simm.s32 $0x800;
	[sflag:s14] =	ssyncset.done $0x0  }
.LBB2_2:
0x4e: {  	p0 =	sne.s32 s5, $0x4000  }
0x4f: {  	[sflag:s14] =	ssyncadd.s32 $0xFFFFE000;
	s7 =	smov.u32 s5;
	s5 =	sadd.s32 $0x800, s5  }
0x50: {  	_ = 	snop  }
0x51: {  	_ =	swait.ge [sflag:s23], $0x2000  }
0x52: {  	s7 =	sshra.s32 s7, $0x2;
	[sflag:s23] =	ssyncset.done $0x0  }
0x53: {  	s8 =	sadd.s32 $0x14180, s7;
	[sflag:s23] =	ssyncadd.s32 $0xFFFFE000  }
0x54: {  	[tilespmem:s24], [sflag:$0x4] =	stream.indirect.gather [hbm4b:s4+s17], $0x80, s8, s17, $0xb8;
	[tilespmem:$0x1E800] =	vst v63  }
0x55: {  	s8 =	sadd.s32 $0x15400, s7  }
0x56: {  	[spmem:s2] =	stream.indirect.scatter.add.f32 [tilespmem:s18], [sflag:$0x5], $0x80, s8, s17, $0xb8;
	[tilespmem:$0x1E800] =	vst v63  }
0x57: {  	_ =	swait.ge [sflag:s14], $0x2000  }
0x58: {  	[sflag:s14] =	ssyncset.done $0x0  }
0x59: {  	[sflag:s14] =	ssyncadd.s32 $0xFFFFE000  }
0x5a: {  	_ =	swait.ge [sflag:s25], $0x2000  }
0x5b: {  	[sflag:s25] =	ssyncset.done $0x0  }
0x5c: {  	s8 =	sadd.s32 $0x14200, s7;
	[sflag:s25] =	ssyncadd.s32 $0xFFFFE000  }
0x5d: {  	[tilespmem:s18], [sflag:$0x1] =	stream.indirect.gather [hbm4b:s4+s17], $0x80, s8, s17, $0xb8;
	[tilespmem:$0x1E800] =	vst v63  }
0x5e: {  	s8 =	sadd.s32 $0x15480, s7  }
0x5f: {  	[spmem:s2] =	stream.indirect.scatter.add.f32 [tilespmem:s20], [sflag:$0x5], $0x80, s8, s17, $0xb8;
	[tilespmem:$0x1E800] =	vst v63  }
0x60: {  	_ =	swait.ge [sflag:s14], $0x2000  }
0x61: {  	[sflag:s14] =	ssyncset.done $0x0  }
0x62: {  	[sflag:s14] =	ssyncadd.s32 $0xFFFFE000  }
0x63: {  	_ =	swait.ge [sflag:s26], $0x2000  }
0x64: {  	[sflag:s26] =	ssyncset.done $0x0  }
0x65: {  	s8 =	sadd.s32 $0x14280, s7;
	[sflag:s26] =	ssyncadd.s32 $0xFFFFE000  }
0x66: {  	[tilespmem:s20], [sflag:$0x2] =	stream.indirect.gather [hbm4b:s4+s17], $0x80, s8, s17, $0xb8;
	[tilespmem:$0x1E800] =	vst v63  }
0x67: {  	s8 =	sadd.s32 $0x15500, s7  }
0x68: {  	[spmem:s2] =	stream.indirect.scatter.add.f32 [tilespmem:s22], [sflag:$0x5], $0x80, s8, s17, $0xb8;
	[tilespmem:$0x1E800] =	vst v63  }
0x69: {  	_ =	swait.ge [sflag:s14], $0x2000  }
0x6a: {  	[sflag:s14] =	ssyncset.done $0x0  }
0x6b: {  	[sflag:s14] =	ssyncadd.s32 $0xFFFFE000  }
0x6c: {  	_ =	swait.ge [sflag:s28], $0x2000  }
0x6d: {  	[sflag:s28] =	ssyncset.done $0x0  }
0x6e: {  	s8 =	sadd.s32 $0x14300, s7;
	[sflag:s28] =	ssyncadd.s32 $0xFFFFE000  }
0x6f: {  	[tilespmem:s22], [sflag:$0x3] =	stream.indirect.gather [hbm4b:s4+s17], $0x80, s8, s17, $0xb8;
	[tilespmem:$0x1E800] =	vst v63  }
.Ltmp0:
0x70: {  	_ = 	snop;
	(pc) =	sbr.rel @p0 .LBB2_2-.Ltmp0, $4  }
0x71: {  	s7 =	sadd.s32 $0x15580, s7  }
0x72: {  	[spmem:s2] =	stream.indirect.scatter.add.f32 [tilespmem:s24], [sflag:$0x5], $0x80, s7, s17, $0xb8;
	[tilespmem:$0x1E800] =	vst v63  }
0x73: {  	_ =	swait.ge [sflag:s14], $0x2000  }
0x74: {  	[sflag:s14] =	ssyncset.done $0x0  }
0x75: {  	[sflag:s14] =	ssyncadd.s32 $0xFFFFE000  }
0x76: {  	_ =	swait.ge [sflag:s23], $0x2000  }
0x77: {  	[sflag:s23] =	ssyncset.done $0x0  }
0x78: {  	[sflag:s23] =	ssyncadd.s32 $0xFFFFE000  }
0x79: {  	[tilespmem:s24], [sflag:$0x4] =	stream.indirect.gather [hbm4b:s4+s17], $0x80, s29, s17, $0xb8;
	[tilespmem:$0x1E800] =	vst v63  }
0x7a: {  	_ = 	snop  }
0x7b: {  	[spmem:s2] =	stream.indirect.scatter.add.f32 [tilespmem:s18], [sflag:$0x5], $0x80, s30, s17, $0xb8;
	[tilespmem:$0x1E800] =	vst v63  }
0x7c: {  	_ =	swait.ge [sflag:s14], $0x2000  }
0x7d: {  	[sflag:s14] =	ssyncset.done $0x0  }
0x7e: {  	[sflag:s14] =	ssyncadd.s32 $0xFFFFE000  }
0x7f: {  	_ =	swait.ge [sflag:s25], $0x2000  }
0x80: {  	[sflag:s25] =	ssyncset.done $0x0  }
0x81: {  	[sflag:s25] =	ssyncadd.s32 $0xFFFFE000  }
0x82: {  	[spmem:s2] =	stream.indirect.scatter.add.f32 [tilespmem:s20], [sflag:$0x5], $0x80, s31, s17, $0xb8;
	[tilespmem:$0x1E800] =	vst v63  }
0x83: {  	_ =	swait.ge [sflag:s14], $0x2000  }
0x84: {  	[sflag:s14] =	ssyncset.done $0x0  }
0x85: {  	[sflag:s14] =	ssyncadd.s32 $0xFFFFE000  }
0x86: {  	_ =	swait.ge [sflag:s26], $0x2000  }
0x87: {  	[sflag:s26] =	ssyncset.done $0x0  }
0x88: {  	[sflag:s26] =	ssyncadd.s32 $0xFFFFE000  }
0x89: {  	[spmem:s2] =	stream.indirect.scatter.add.f32 [tilespmem:s22], [sflag:$0x5], $0x80, s0, s17, $0xb8;
	[tilespmem:$0x1E800] =	vst v63  }
0x8a: {  	_ =	swait.ge [sflag:s14], $0x2000  }
0x8b: {  	[sflag:s14] =	ssyncset.done $0x0  }
0x8c: {  	[sflag:s14] =	ssyncadd.s32 $0xFFFFE000  }
0x8d: {  	_ =	swait.ge [sflag:s28], $0x2000  }
0x8e: {  	[sflag:s28] =	ssyncset.done $0x0  }
0x8f: {  	[sflag:s28] =	ssyncadd.s32 $0xFFFFE000  }
0x90: {  	[spmem:s2] =	stream.indirect.scatter.add.f32 [tilespmem:s24], [sflag:$0x5], $0x80, s1, s17, $0xb8;
	[tilespmem:$0x1E800] =	vst v63  }
0x91: {  	_ =	swait.ge [sflag:s14], $0x2000  }
0x92: {  	[sflag:s14] =	ssyncset.done $0x0  }
0x93: {  	s5 =	simm.s32 $0x0;
	[sflag:s14] =	ssyncadd.s32 $0xFFFFE000  }
0x94: {  	[tilespmem:s15], [sflag:$0x5] =	stream.linear.gather [hbm4b:s9+s5], $0x1400, $0x38;
	[tilespmem:$0x1E800] =	vst v63  }
0x95: {  	_ =	swait.ge [sflag:s14], $0x1400  }
0x96: {  	[sflag:s14] =	ssyncset.done $0x0  }
0x97: {  	[sflag:s14] =	ssyncadd.s32 $0xFFFFEC00  }
0x98: {  	[tilespmem:s16], [sflag:$0x5] =	stream.linear.gather [hbm4b:s10+s5], $0x1400, $0x38;
	[tilespmem:$0x1E800] =	vst v63  }
0x99: {  	_ =	swait.ge [sflag:s14], $0x1400  }
0x9a: {  	[sflag:s14] =	ssyncset.done $0x0  }
0x9b: {  	[sflag:s14] =	ssyncadd.s32 $0xFFFFEC00  }
0x9c: {  	[tilespmem:s18], [sflag:$0x1] =	stream.indirect.gather [hbm4b:s4+s17], $0x80, s15, s17, $0xb8;
	[tilespmem:$0x1E800] =	vst v63  }
0x9d: {  	_ = 	snop  }
0x9e: {  	[tilespmem:s20], [sflag:$0x2] =	stream.indirect.gather [hbm4b:s4+s17], $0x80, s19, s17, $0xb8;
	[tilespmem:$0x1E800] =	vst v63  }
0x9f: {  	_ = 	snop  }
0xa0: {  	[tilespmem:s22], [sflag:$0x3] =	stream.indirect.gather [hbm4b:s4+s17], $0x80, s21, s17, $0xb8;
	[tilespmem:$0x1E800] =	vst v63  }
0xa1: {  	_ =	swait.ge [sflag:s23], $0x2000  }
0xa2: {  	[sflag:s23] =	ssyncset.done $0x0  }
0xa3: {  	s7 =	simm.s32 $0x14180;
	[sflag:s23] =	ssyncadd.s32 $0xFFFFE000  }
0xa4: {  	[tilespmem:s24], [sflag:$0x4] =	stream.indirect.gather [hbm4b:s4+s17], $0x80, s7, s17, $0xb8;
	[tilespmem:$0x1E800] =	vst v63  }
0xa5: {  	s8 =	simm.s32 $0x15400  }
0xa6: {  	[spmem:s2] =	stream.indirect.scatter.add.f32 [tilespmem:s18], [sflag:$0x5], $0x80, s8, s17, $0xb8;
	[tilespmem:$0x1E800] =	vst v63  }
0xa7: {  	_ =	swait.ge [sflag:s14], $0x2000  }
0xa8: {  	[sflag:s14] =	ssyncset.done $0x0  }
0xa9: {  	[sflag:s14] =	ssyncadd.s32 $0xFFFFE000  }
0xaa: {  	_ =	swait.ge [sflag:s25], $0x2000  }
0xab: {  	[sflag:s25] =	ssyncset.done $0x0  }
0xac: {  	s7 =	simm.s32 $0x14200;
	[sflag:s25] =	ssyncadd.s32 $0xFFFFE000  }
0xad: {  	[tilespmem:s18], [sflag:$0x1] =	stream.indirect.gather [hbm4b:s4+s17], $0x80, s7, s17, $0xb8;
	[tilespmem:$0x1E800] =	vst v63  }
0xae: {  	s8 =	simm.s32 $0x15480  }
0xaf: {  	[spmem:s2] =	stream.indirect.scatter.add.f32 [tilespmem:s20], [sflag:$0x5], $0x80, s8, s17, $0xb8;
	[tilespmem:$0x1E800] =	vst v63  }
0xb0: {  	_ =	swait.ge [sflag:s14], $0x2000  }
0xb1: {  	[sflag:s14] =	ssyncset.done $0x0  }
0xb2: {  	[sflag:s14] =	ssyncadd.s32 $0xFFFFE000  }
0xb3: {  	_ =	swait.ge [sflag:s26], $0x2000  }
0xb4: {  	[sflag:s26] =	ssyncset.done $0x0  }
0xb5: {  	s7 =	simm.s32 $0x14280;
	[sflag:s26] =	ssyncadd.s32 $0xFFFFE000  }
0xb6: {  	[tilespmem:s20], [sflag:$0x2] =	stream.indirect.gather [hbm4b:s4+s17], $0x80, s7, s17, $0xb8;
	[tilespmem:$0x1E800] =	vst v63  }
0xb7: {  	s8 =	simm.s32 $0x15500  }
0xb8: {  	[spmem:s2] =	stream.indirect.scatter.add.f32 [tilespmem:s22], [sflag:$0x5], $0x80, s8, s17, $0xb8;
	[tilespmem:$0x1E800] =	vst v63  }
0xb9: {  	_ =	swait.ge [sflag:s14], $0x2000  }
0xba: {  	[sflag:s14] =	ssyncset.done $0x0  }
0xbb: {  	[sflag:s14] =	ssyncadd.s32 $0xFFFFE000  }
0xbc: {  	_ =	swait.ge [sflag:s28], $0x2000  }
0xbd: {  	[sflag:s28] =	ssyncset.done $0x0  }
0xbe: {  	s7 =	simm.s32 $0x14300;
	[sflag:s28] =	ssyncadd.s32 $0xFFFFE000  }
0xbf: {  	[tilespmem:s22], [sflag:$0x3] =	stream.indirect.gather [hbm4b:s4+s17], $0x80, s7, s17, $0xb8;
	[tilespmem:$0x1E800] =	vst v63  }
0xc0: {  	s8 =	simm.s32 $0x15580  }
0xc1: {  	[spmem:s2] =	stream.indirect.scatter.add.f32 [tilespmem:s24], [sflag:$0x5], $0x80, s8, s17, $0xb8;
	[tilespmem:$0x1E800] =	vst v63  }
0xc2: {  	_ =	swait.ge [sflag:s14], $0x2000  }
0xc3: {  	s5 =	simm.s32 $0x800;
	[sflag:s14] =	ssyncset.done $0x0  }
.LBB2_4:
0xc4: {  	p0 =	sne.s32 s5, $0x4000  }
0xc5: {  	[sflag:s14] =	ssyncadd.s32 $0xFFFFE000;
	s7 =	smov.u32 s5;
	s5 =	sadd.s32 $0x800, s5  }
0xc6: {  	_ = 	snop  }
0xc7: {  	_ =	swait.ge [sflag:s23], $0x2000  }
0xc8: {  	s7 =	sshra.s32 s7, $0x2;
	[sflag:s23] =	ssyncset.done $0x0  }
0xc9: {  	s8 =	sadd.s32 $0x14180, s7;
	[sflag:s23] =	ssyncadd.s32 $0xFFFFE000  }
0xca: {  	[tilespmem:s24], [sflag:$0x4] =	stream.indirect.gather [hbm4b:s4+s17], $0x80, s8, s17, $0xb8;
	[tilespmem:$0x1E800] =	vst v63  }
0xcb: {  	s8 =	sadd.s32 $0x15400, s7  }
0xcc: {  	[spmem:s2] =	stream.indirect.scatter.add.f32 [tilespmem:s18], [sflag:$0x5], $0x80, s8, s17, $0xb8;
	[tilespmem:$0x1E800] =	vst v63  }
0xcd: {  	_ =	swait.ge [sflag:s14], $0x2000  }
0xce: {  	[sflag:s14] =	ssyncset.done $0x0  }
0xcf: {  	[sflag:s14] =	ssyncadd.s32 $0xFFFFE000  }
0xd0: {  	_ =	swait.ge [sflag:s25], $0x2000  }
0xd1: {  	[sflag:s25] =	ssyncset.done $0x0  }
0xd2: {  	s8 =	sadd.s32 $0x14200, s7;
	[sflag:s25] =	ssyncadd.s32 $0xFFFFE000  }
0xd3: {  	[tilespmem:s18], [sflag:$0x1] =	stream.indirect.gather [hbm4b:s4+s17], $0x80, s8, s17, $0xb8;
	[tilespmem:$0x1E800] =	vst v63  }
0xd4: {  	s8 =	sadd.s32 $0x15480, s7  }
0xd5: {  	[spmem:s2] =	stream.indirect.scatter.add.f32 [tilespmem:s20], [sflag:$0x5], $0x80, s8, s17, $0xb8;
	[tilespmem:$0x1E800] =	vst v63  }
0xd6: {  	_ =	swait.ge [sflag:s14], $0x2000  }
0xd7: {  	[sflag:s14] =	ssyncset.done $0x0  }
0xd8: {  	[sflag:s14] =	ssyncadd.s32 $0xFFFFE000  }
0xd9: {  	_ =	swait.ge [sflag:s26], $0x2000  }
0xda: {  	[sflag:s26] =	ssyncset.done $0x0  }
0xdb: {  	s8 =	sadd.s32 $0x14280, s7;
	[sflag:s26] =	ssyncadd.s32 $0xFFFFE000  }
0xdc: {  	[tilespmem:s20], [sflag:$0x2] =	stream.indirect.gather [hbm4b:s4+s17], $0x80, s8, s17, $0xb8;
	[tilespmem:$0x1E800] =	vst v63  }
0xdd: {  	s8 =	sadd.s32 $0x15500, s7  }
0xde: {  	[spmem:s2] =	stream.indirect.scatter.add.f32 [tilespmem:s22], [sflag:$0x5], $0x80, s8, s17, $0xb8;
	[tilespmem:$0x1E800] =	vst v63  }
0xdf: {  	_ =	swait.ge [sflag:s14], $0x2000  }
0xe0: {  	[sflag:s14] =	ssyncset.done $0x0  }
0xe1: {  	[sflag:s14] =	ssyncadd.s32 $0xFFFFE000  }
0xe2: {  	_ =	swait.ge [sflag:s28], $0x2000  }
0xe3: {  	[sflag:s28] =	ssyncset.done $0x0  }
0xe4: {  	s8 =	sadd.s32 $0x14300, s7;
	[sflag:s28] =	ssyncadd.s32 $0xFFFFE000  }
0xe5: {  	[tilespmem:s22], [sflag:$0x3] =	stream.indirect.gather [hbm4b:s4+s17], $0x80, s8, s17, $0xb8;
	[tilespmem:$0x1E800] =	vst v63  }
.Ltmp1:
0xe6: {  	_ = 	snop;
	(pc) =	sbr.rel @p0 .LBB2_4-.Ltmp1, $4  }
0xe7: {  	s7 =	sadd.s32 $0x15580, s7  }
0xe8: {  	[spmem:s2] =	stream.indirect.scatter.add.f32 [tilespmem:s24], [sflag:$0x5], $0x80, s7, s17, $0xb8;
	[tilespmem:$0x1E800] =	vst v63  }
0xe9: {  	_ =	swait.ge [sflag:s14], $0x2000  }
0xea: {  	[sflag:s14] =	ssyncset.done $0x0  }
0xeb: {  	[sflag:s14] =	ssyncadd.s32 $0xFFFFE000  }
0xec: {  	_ =	swait.ge [sflag:s23], $0x2000  }
0xed: {  	[sflag:s23] =	ssyncset.done $0x0  }
0xee: {  	[sflag:s23] =	ssyncadd.s32 $0xFFFFE000  }
0xef: {  	[tilespmem:s24], [sflag:$0x4] =	stream.indirect.gather [hbm4b:s4+s17], $0x80, s29, s17, $0xb8;
	[tilespmem:$0x1E800] =	vst v63  }
0xf0: {  	_ = 	snop  }
0xf1: {  	[spmem:s2] =	stream.indirect.scatter.add.f32 [tilespmem:s18], [sflag:$0x5], $0x80, s30, s17, $0xb8;
	[tilespmem:$0x1E800] =	vst v63  }
0xf2: {  	_ =	swait.ge [sflag:s14], $0x2000  }
0xf3: {  	[sflag:s14] =	ssyncset.done $0x0  }
0xf4: {  	[sflag:s14] =	ssyncadd.s32 $0xFFFFE000  }
0xf5: {  	_ =	swait.ge [sflag:s25], $0x2000  }
0xf6: {  	[sflag:s25] =	ssyncset.done $0x0  }
0xf7: {  	[sflag:s25] =	ssyncadd.s32 $0xFFFFE000  }
0xf8: {  	[spmem:s2] =	stream.indirect.scatter.add.f32 [tilespmem:s20], [sflag:$0x5], $0x80, s31, s17, $0xb8;
	[tilespmem:$0x1E800] =	vst v63  }
0xf9: {  	_ =	swait.ge [sflag:s14], $0x2000  }
0xfa: {  	[sflag:s14] =	ssyncset.done $0x0  }
0xfb: {  	[sflag:s14] =	ssyncadd.s32 $0xFFFFE000  }
0xfc: {  	_ =	swait.ge [sflag:s26], $0x2000  }
0xfd: {  	[sflag:s26] =	ssyncset.done $0x0  }
0xfe: {  	[sflag:s26] =	ssyncadd.s32 $0xFFFFE000  }
0xff: {  	[spmem:s2] =	stream.indirect.scatter.add.f32 [tilespmem:s22], [sflag:$0x5], $0x80, s0, s17, $0xb8;
	[tilespmem:$0x1E800] =	vst v63  }
0x100: {  	_ =	swait.ge [sflag:s14], $0x2000  }
0x101: {  	[sflag:s14] =	ssyncset.done $0x0  }
0x102: {  	[sflag:s14] =	ssyncadd.s32 $0xFFFFE000  }
0x103: {  	_ =	swait.ge [sflag:s28], $0x2000  }
0x104: {  	[sflag:s28] =	ssyncset.done $0x0  }
0x105: {  	[sflag:s28] =	ssyncadd.s32 $0xFFFFE000  }
0x106: {  	[spmem:s2] =	stream.indirect.scatter.add.f32 [tilespmem:s24], [sflag:$0x5], $0x80, s1, s17, $0xb8;
	[tilespmem:$0x1E800] =	vst v63  }
0x107: {  	_ =	swait.ge [sflag:s14], $0x2000  }
0x108: {  	s3 =	sadd.s32 $0x1, s3;
	[sflag:s14] =	ssyncset.done $0x0  }
0x109: {  	p0 =	sne.s32 s3, s12;
	[sflag:s14] =	ssyncadd.s32 $0xFFFFE000  }
.Ltmp2:
0x10a: {  	[bflag:$0x0] =	sbarrier.arrive $0xFFFF;
	(pc) =	sbr.rel @p0 .LBB2_1-.Ltmp2, $4  }
0x10b: {  	[hbm:s11], [sflag:s6] =	dma.local [spmem:s13], $0x2800  }
0x10c: {  	_ =	swait.ge [sflag:s14], $0x2800  }
0x10d: {  	[sflag:s14] =	ssyncset.done $0x0  }
0x10e: {  	[sflag:s14] =	ssyncadd.s32 $0xFFFFD800  }
0x10f: {  	_ =	sfence.sel $0x180000  }
0x110: {  	[bflag:$0x0] =	sbarrier.arrive $0xFFFF  }
0x111: {  	_ =	strace $0x9000004D  }
0x112: {  	s0 =	stileid.u32;
	[bflag:$0x2] =	sbarrier.arrive $0xFFFF  }
0x113: {  	p0 =	sne.s32 s0, $0x0;
	s0 =	rddreg [dreg:$0x2]  }
0x114: {  	s0 =	sadd.s32 @!p0 $0x100000, s0  }
0x115: {  	[sflag:s0] =	ssyncadd.tile.s32 @!p0 $0x1;
	_ =	shalt  }
.Lfunc_end2:
_tile_overlayer_lowered:
.L_overlay_start_2:
0x116: {  	(tag) =	ssettag $0x2  }
0x117: {  	s0 =	rddreg [dreg:$0x0];
	s2 =	stileid.u32  }
0x118: {  	s1 =	rddreg [dreg:$0x1];
	p0 =	sne.s32 s2, $0x0  }
0x119: {  	s3 =	rddreg [dreg:$0x2];
	[bflag:$0x3] =	sbarrier.arrive $0xFFFF;
	s2 =	simm.s32 @!p0 $0x1C05  }
0x11a: {  	[timem:s3], [sflag:s2] =	dma.local @!p0 [hbm:s0], s1  }
0x11b: {  	s0 =	simm.s32 @!p0 $0x5  }
0x11c: {  	_ =	swait.ge @!p0 [sflag:s0], s1  }
0x11d: {  	s1 =	ssub.s32 @!p0 $0x0, s1;
	[sflag:s0] =	ssyncset.done @!p0 $0x0  }
0x11e: {  	[sflag:s0] =	ssyncadd.s32 @!p0 s1  }
0x11f: {  	[bflag:$0x3] =	sbarrier.arrive $0xFFFF  }
0x120: {  	_ =	shalt  }

// kernel: kernel.8.cloned.1.call-start
scs
__scs_entry_jumppad:
0x0: {  	(pc) =	sbr.rel $0x88, $3  }
0x1: {  	(tag) =	ssettag $0x0;
	lr =	simm.s32 $0x1  }
0x2: {  	[smem:$0x3F90] =	sst lr;
	_ =	strace $0xD0000000  }
0x3: {  	_ = 	snop  }
0x4: {  	_ = 	snop  }
0x5: {  	_ = 	snop  }
0x6: {  	_ = 	snop  }
0x7: {  	_ = 	snop  }
__scs_overlays_trampoline_lowered:
0x8: {  	[smem:$0x3F9F] =	sst s0  }
0x9: {  	[smem:$0x3FA0] =	sst s1  }
0xa: {  	[smem:$0x3FA1] =	sst s2  }
0xb: {  	[smem:$0x3FA2] =	sst s3  }
0xc: {  	[smem:$0x3FA3] =	sst s4  }
0xd: {  	[smem:$0x3FA4] =	sst s5  }
0xe: {  	[smem:$0x3FA5] =	sst s6  }
0xf: {  	[smem:$0x3FA6] =	sst s7  }
0x10: {  	[smem:$0x3FA7] =	sst s8  }
0x11: {  	[smem:$0x3FA8] =	sst s9;
	s0 =	simm.s32 @!p0 $0x0  }
0x12: {  	s1 =	sld [smem:$0x3F8E];
	s0 =	simm.s32 @p0 $0x1  }
0x13: {  	[smem:$0x3FA9] =	sst s0;
	s0 =	simm.s32 @!p1 $0x0  }
0x14: {  	s2 =	sld [smem:$0x3F8D];
	s0 =	simm.s32 @p1 $0x1  }
0x15: {  	[smem:$0x3FAA] =	sst s0;
	s0 =	simm.s32 @!p2 $0x0  }
0x16: {  	s3 =	sld [smem:$0x3FDB];
	s0 =	simm.s32 @p2 $0x1  }
0x17: {  	s4 =	simm.s32 $0x1BF5;
	[smem:$0x3FAC] =	sst s0  }
0x18: {  	s0 =	sld [smem:$0x3F8F];
	_ =	swait.ge [sflag:s4], $0x0  }
0x19: {  	s7 =	sld [smem:$0x3F90]  }
0x1a: {  	s8 =	sadd.s32 $0xFFFFE003, lr  }
0x1b: {  	s9 =	sadd.s32 $0xFFFFFEF7, lr;
	s5 =	simm.s32 $0xFFFFFFFF;
	p2 =	slt.u32 s8, $0xFFFFF086  }
0x1c: {  	p1 =	slt.u32 s9, $0xF7A;
	s5 =	simm.s32 @!p2 $0x0  }
0x1d: {  	s5 =	simm.s32 @p1 $0x1;
	p0 =	seq.s32 s7, s2  }
0x1e: {  	s7 =	smul.u32 @!p0 $0xF7A, s2;
	p2 =	seq.s32 @!p0 s5, $0x0  }
0x1f: {  	s9 =	smul.u32 $0xF7A, s1;
	s8 =	simm.s32 @!p0 $0x1BF5;
	p2 =	por !p2, p0  }
0x20: {  	[sflag:s8] =	ssyncset.s32 @!p0 $0xFFFFF086;
	s6 =	sadd.s32 @!p0 s3, s7;
	s7 =	simm.s32 @!p0 $0x108  }
0x21: {  	s3 =	sadd.s32 s3, s9;
	s6 =	sadd.s32 @!p0 $0x88, s6;
	s7 =	simm.s32 @p2 $0x1082  }
0x22: {  	[simem:s7], [sflag:s8] =	dma.local @!p0 [hbm:s6], $0xF7A  }
0x23: {  	s9 =	sor.u32 $0xD0000000, s2;
	s6 =	simm.s32 $0x108;
	_ =	swait.ge @!p0 [sflag:s8], $0x0  }
0x24: {  	s3 =	sadd.s32 $0x88, s3;
	s6 =	simm.s32 @!p1 $0x1082;
	[sflag:s4] =	ssyncset.s32 $0xFFFFF086  }
0x25: {  	[simem:s6], [sflag:s4] =	dma.local [hbm:s3], $0xF7A  }
0x26: {  	[smem:$0x3F90] =	sst s1;
	(tag) =	ssettag s2;
	_ =	strace s9  }
0x27: {  	s1 =	sld [smem:$0x3FA0]  }
0x28: {  	s2 =	sld [smem:$0x3FA1]  }
0x29: {  	s4 =	sld [smem:$0x3FA3]  }
0x2a: {  	p0 =	seq.s32 s5, $0x0;
	s5 =	sld [smem:$0x3FA4]  }
0x2b: {  	s6 =	sld [smem:$0x3FA5]  }
0x2c: {  	s7 =	sld [smem:$0x3FA6]  }
0x2d: {  	s3 =	simm.s32 $0x108;
	s8 =	sld [smem:$0x3FA7]  }
0x2e: {  	s3 =	simm.s32 @!p0 $0x1082;
	s9 =	sld [smem:$0x3FA8]  }
0x2f: {  	lr =	sadd.s32 s0, s3;
	s0 =	sld [smem:$0x3F9F]  }
0x30: {  	s3 =	sld [smem:$0x3FA2]  }
0x31: {  	[smem:$0x3FAB] =	sst s10  }
0x32: {  	s10 =	sld [smem:$0x3FA9];
	_ =	sdelay $0x3  }
0x33: {  	p0 =	seq.s32 s10, $0x1;
	s10 =	sld [smem:$0x3FAB];
	_ =	sdelay $0x3  }
0x34: {  	[smem:$0x3FAB] =	sst s10  }
0x35: {  	s10 =	sld [smem:$0x3FAA];
	_ =	sdelay $0x3  }
0x36: {  	p1 =	seq.s32 s10, $0x1;
	s10 =	sld [smem:$0x3FAB];
	_ =	sdelay $0x3  }
0x37: {  	[smem:$0x3FAB] =	sst s10  }
0x38: {  	s10 =	sld [smem:$0x3FAC]  }
0x39: {  	_ = 	snop;
	(pc) =	sbr.ind lr, $3  }
0x3a: {  	_ = 	snop  }
0x3b: {  	_ = 	snop  }
0x3c: {  	p2 =	seq.s32 s10, $0x1;
	s10 =	sld [smem:$0x3FAB]  }
0x3d: {  	_ =	shalt  }
0x3e: {  	_ =	shalt  }
0x3f: {  	_ =	shalt  }
0x40: {  	_ =	shalt  }
0x41: {  	_ =	shalt  }
0x42: {  	_ =	shalt  }
0x43: {  	_ =	shalt  }
0x44: {  	_ =	shalt  }
0x45: {  	_ =	shalt  }
0x46: {  	_ =	shalt  }
0x47: {  	_ =	shalt  }
0x48: {  	_ =	shalt  }
0x49: {  	_ =	shalt  }
0x4a: {  	_ =	shalt  }
0x4b: {  	_ =	shalt  }
0x4c: {  	_ =	shalt  }
0x4d: {  	_ =	shalt  }
0x4e: {  	_ =	shalt  }
0x4f: {  	_ =	shalt  }
0x50: {  	_ =	shalt  }
0x51: {  	_ =	shalt  }
0x52: {  	_ =	shalt  }
0x53: {  	_ =	shalt  }
0x54: {  	_ =	shalt  }
0x55: {  	_ =	shalt  }
0x56: {  	_ =	shalt  }
0x57: {  	_ =	shalt  }
0x58: {  	_ =	shalt  }
0x59: {  	_ =	shalt  }
0x5a: {  	_ =	shalt  }
0x5b: {  	_ =	shalt  }
0x5c: {  	_ =	shalt  }
0x5d: {  	_ =	shalt  }
0x5e: {  	_ =	shalt  }
0x5f: {  	_ =	shalt  }
0x60: {  	_ =	shalt  }
0x61: {  	_ =	shalt  }
0x62: {  	_ =	shalt  }
0x63: {  	_ =	shalt  }
0x64: {  	_ =	shalt  }
0x65: {  	_ =	shalt  }
0x66: {  	_ =	shalt  }
0x67: {  	_ =	shalt  }
0x68: {  	_ =	shalt  }
0x69: {  	_ =	shalt  }
0x6a: {  	_ =	shalt  }
0x6b: {  	_ =	shalt  }
0x6c: {  	_ =	shalt  }
0x6d: {  	_ =	shalt  }
0x6e: {  	_ =	shalt  }
0x6f: {  	_ =	shalt  }
0x70: {  	_ =	shalt  }
0x71: {  	_ =	shalt  }
0x72: {  	_ =	shalt  }
0x73: {  	_ =	shalt  }
0x74: {  	_ =	shalt  }
0x75: {  	_ =	shalt  }
0x76: {  	_ =	shalt  }
0x77: {  	_ =	shalt  }
0x78: {  	_ =	shalt  }
0x79: {  	_ =	shalt  }
0x7a: {  	_ =	shalt  }
0x7b: {  	_ =	shalt  }
0x7c: {  	_ =	shalt  }
0x7d: {  	_ =	shalt  }
0x7e: {  	_ =	shalt  }
0x7f: {  	_ =	shalt  }
0x80: {  	_ =	shalt  }
0x81: {  	_ =	shalt  }
0x82: {  	_ =	shalt  }
0x83: {  	_ =	shalt  }
0x84: {  	_ =	shalt  }
0x85: {  	_ =	shalt  }
0x86: {  	_ =	shalt  }
0x87: {  	_ =	shalt  }
.Lfunc_end0:
.L_simem_size_0:
called_computation_lowered:
.L_overlay_start_0:
0x88: {  	s2 =	sld [smem:$0x3FD9]  }
0x89: {  	s3 =	sld [smem:$0x3FFE];
	_ =	sdelay $0x1  }
0x8a: {  	s1 =	srdreg.scid  }
0x8b: {  	s0 =	sand.u32 $0x1, s1  }
0x8c: {  	s17 =	sshll.u32 s0, $0xA;
	s2 =	sadd.s32 s3, s2  }
0x8d: {  	s2 =	sadd.s32 s2, s17  }
0x8e: {  	[smem:$0x3FB7] =	sst s2  }
0x8f: {  	_ = 	snop  }
0x90: {  	(tm) =	ssettm $0x1  }
0x91: {  	s18 =	sld [smem:$0x3FFB];
	_ =	sdelay $0x3  }
0x92: {  	_ =	strace s18  }
0x93: {  	s2 =	sld [smem:$0x3FFC];
	_ =	sdelay $0x3  }
0x94: {  	_ =	strace s2  }
0x95: {  	s2 =	sld [smem:$0x3FFD];
	_ =	sdelay $0x3  }
0x96: {  	_ =	strace s2  }
0x97: {  	_ =	strace $0x8FFFFFFF  }
0x98: {  	s19 =	sld [smem:$0x3FDB];
	_ =	sdelay $0x1  }
0x99: {  	s20 =	simm.s32 $_scs_section_size  }
0x9a: {  	s4 =	simm.s32 $_size__tile_overlayer_lowered;
	s5 =	simm.s32 $_tile_overlayer_lowered  }
0x9b: {  	s6 =	simm.s32 $0x1BFF;
	s21 =	sshll.u32 s5, $0x1;
	s3 =	sadd.s32 s20, s19  }
0x9c: {  	s22 =	simm.s32 $0x0;
	s4 =	sshll.u32 s4, $0x1;
	s5 =	sadd.s32 s21, s3  }
0x9d: {  	[timem:s22], [sflag:s6] =	dma.local [hbm:s5], s4  }
0x9e: {  	_ =	swait.ge [sflag:s6], s4  }
0x9f: {  	s4 =	ssub.s32 $0x0, s4;
	[sflag:s6] =	ssyncset.done $0x0  }
0xa0: {  	[sflag:s6] =	ssyncadd.s32 s4;
	_ =	sdelay $0x1  }
0xa1: {  	s23 =	simm.s32 $0x1B8B  }
0xa2: {  	_ =	swait.ge [sflag:s23], $0x1  }
0xa3: {  	[sflag:s23] =	ssyncset.done $0x0  }
0xa4: {  	[sflag:s23] =	ssyncadd.s32 $0xFFFFFFFF  }
0xa5: {  	s4 =	sld [smem:$0x0]  }
0xa6: {  	s5 =	sand.u32 $0xFFFFFFFE, s1  }
0xa7: {  	p0 =	sne.s32 s1, s5  }
0xa8: {  	s5 =	sshll.u32 @p0 s5, $0xE  }
0xa9: {  	s5 =	sadd.s32 @p0 $0x11B8D, s5;
	s6 =	sshll.u32 @p0 s4, $0x11  }
0xaa: {  	s5 =	sor.u32 @p0 s6, s5  }
0xab: {  	[sflag:s5] =	ssyncadd.remote.s32 @p0 $0x1;
	_ =	sdelay $0x1  }
0xac: {  	s5 =	simm.s32 @p0 $0x1B8D  }
0xad: {  	_ =	swait.eq @p0 [sflag:s5], $0x1  }
0xae: {  	[sflag:s5] =	ssyncadd.s32 @p0 $0xFFFFFFFF  }
0xaf: {  	s6 =	sshll.u32 @!p0 s1, $0xE  }
0xb0: {  	s6 =	sor.u32 @!p0 $0x4000, s6;
	s5 =	simm.s32 @!p0 $0x1B8D  }
0xb1: {  	s4 =	sshll.u32 @!p0 s4, $0x11;
	s6 =	sadd.s32 @!p0 $0x11B8D, s6;
	_ =	swait.eq @!p0 [sflag:s5], $0x1  }
0xb2: {  	s4 =	sor.u32 @!p0 s4, s6;
	[sflag:s5] =	ssyncadd.s32 @!p0 $0xFFFFFFFF  }
0xb3: {  	s25 =	simm.s32 $0x1B8E;
	s24 =	sld [smem:$0x3FFE];
	[sflag:s4] =	ssyncadd.remote.s32 @!p0 $0x1  }
0xb4: {  	s26 =	simm.s32 $execute0_lowered;
	[smem:$0x3FD2] =	sst s25  }
0xb5: {  	s5 =	sshll.u32 s26, $0x1;
	_ =	strace $0x80000049;
	[dreg:$0x1] =	wrdreg $0xFFFFFFFF  }
0xb6: {  	s28 =	simm.s32 $_size_execute0_lowered;
	s3 =	sadd.s32 s3, s5;
	[dreg:$0x0] =	wrdreg $0x0  }
0xb7: {  	s5 =	sshll.u32 s28, $0x1;
	[dreg:$0x2] =	wrdreg s3  }
0xb8: {  	[dreg:$0x3] =	wrdreg s5  }
0xb9: {  	[dreg:$0x4] =	wrdreg $0xC0  }
0xba: {  	_ =	task [dreg:s22], $0x5FFFF  }
0xbb: {  	[dreg:$0x1] =	wrdreg $0xFFFFFFFF  }
0xbc: {  	[dreg:$0x0] =	wrdreg $0x60  }
0xbd: {  	[dreg:$0x2] =	wrdreg s24  }
0xbe: {  	[dreg:$0x3] =	wrdreg $0x9  }
0xbf: {  	_ =	task.clear_ibuf [dreg:s22], $0x4FFFF;
	_ =	strace $0x90000049  }
0xc0: {  	s29 =	simm.s32 $0x9;
	_ =	strace $0x8000004B  }
0xc1: {  	_ =	swait.ge [sflag:s29], $0x1  }
0xc2: {  	[sflag:s29] =	ssyncadd.s32 $0xFFFFFFFF  }
0xc3: {  	_ =	strace $0x9000004B  }
0xc4: {  	_ =	sfence  }
0xc5: {  	s30 =	sld [smem:$0x0];
	_ =	sdelay $0x2  }
0xc6: {  	s31 =	sshll.u32 s1, $0xD;
	s1 =	sshrl.u32 s1, $0x2  }
0xc7: {  	s4 =	sand.u32 $0x4000, s31;
	s1 =	sadd.s32 s1, s30  }
0xc8: {  	s0 =	sor.u32 s4, s0;
	s1 =	sshll.u32 s1, $0x11  }
0xc9: {  	s0 =	sor.u32 s1, s0  }
0xca: {  	s0 =	sadd.s32 $0x8F2B, s0  }
0xcb: {  	[sflag:s0] =	ssyncadd.remote.s32 $0x1  }
0xcc: {  	_ =	sfence.sel $0xFFFF  }
0xcd: {  	[dreg:$0x0] =	wrdreg $0xFFFFFFFF;
	(pc) =	sbr.abs _section_cstart, $3  }
0xce: {  	[dreg:$0x1] =	wrdreg $0xFFFFFFFF  }
0xcf: {  	_ =	task.clear_ibuf [dreg:s22], $0x2FFFF;
	_ =	strace $0x9FFFFFFF  }
0xd0: {  	(tm) =	ssettm $0x7FFFFFFF  }
0xd1: {  	_ =	shalt  }
tec
execute0_lowered:
.L_overlay_start_1:
0x0: {  	(tag) =	ssettag $0x1  }
0x1: {  	s0 =	srdreg.scid  }
0x2: {  	s4 =	rddreg [dreg:$0x0];
	s2 =	simm.s32 $0x0;
	s3 =	sand.u32 $0x1, s0  }
0x3: {  	s8 =	simm.s32 $0x1;
	s0 =	stileid.u32;
	s1 =	sshll.u32 s3, $0x4  }
0x4: {  	s9 =	simm.s32 $0x80;
	s10 =	simm.s32 $0x400;
	s5 =	sor.u32 s0, s1  }
0x5: {  	s11 =	simm.s32 $0x0;
	[smem:$0x7FF] =	sst s2;
	s6 =	sshrl.u32 s5, $0x3  }
0x6: {  	s7 =	sshll.u32 s0, $0x7;
	s30 =	ssub.s32 $0x2, s3;
	s6 =	smul.u32 $0x14000, s6  }
0x7: {  	s3 =	sadd.s32 $0xB6400, s4;
	s7 =	sand.u32 $0x380, s7;
	s5 =	smul.u32 $0x500, s5  }
0x8: {  	s1 =	rddreg [dreg:$0x1];
	_ =	strace $0x8000004A;
	s6 =	sor.u32 s7, s6  }
0x9: {  	s31 =	sshrl.u32 s30, $0x1;
	s5 =	sadd.s32 s5, s4;
	s6 =	sshrl.u32 s6, $0x3  }
0xa: {  	s7 =	ssub.s32 s30, s31;
	s6 =	sadd.s32 s6, s4;
	s4 =	sadd.s32 $0x3200, s5  }
0xb: {  	v0 =	vimm.f32 $1.000000000e+00;
	s5 =	sadd.s32 $0xB6A00, s6;
	s6 =	smax.u32 s7, $0x1;
	s7 =	simm.s32 $0x2800  }
.LBB2_1:
0xc: {  	[tilespmem:s7], [sflag:$0x1] =	stream.linear.gather [hbm4b:s3+s2], $0x2800, $0x38;
	[tilespmem:$0x5000] =	vst v63  }
0xd: {  	_ =	swait.ge [sflag:s8], $0x2800  }
0xe: {  	[sflag:s8] =	ssyncset.done $0x0  }
0xf: {  	[sflag:s8] =	ssyncadd.s32 $0xFFFFD800  }
0x10: {  	[tilespmem:s2], [sflag:$0x1] =	stream.linear.gather [hbm4b:s4+s2], $0x2800, $0x38;
	[tilespmem:$0x5000] =	vst v63  }
0x11: {  	_ =	swait.ge [sflag:s8], $0x2800  }
0x12: {  	[sflag:s8] =	ssyncset.done $0x0  }
0x13: {  	s12 =	simm.s32 $0x0;
	[sflag:s8] =	ssyncadd.s32 $0xFFFFD800  }
.LBB2_2:
0x14: {  	s13 =	sshra.s32 s12, $0x2  }
0x15: {  	v1 =	vld [tilespmem:s13+$0x0];
	_ =	sdelay $0x7  }
0x16: {  	[tilespmem:v1+s7+$0x0] =	vst.idx.add.f32.msk $0xffff, v0  }
0x17: {  	v1 =	vld [tilespmem:s13+$0x10];
	_ =	sdelay $0x7  }
0x18: {  	[tilespmem:v1+s7+$0x0] =	vst.idx.add.f32.msk $0xffff, v0  }
0x19: {  	v1 =	vld [tilespmem:s13+$0x20];
	_ =	sdelay $0x7  }
0x1a: {  	[tilespmem:v1+s7+$0x0] =	vst.idx.add.f32.msk $0xffff, v0  }
0x1b: {  	v1 =	vld [tilespmem:s13+$0x30];
	_ =	sdelay $0x2  }
0x1c: {  	p0 =	sne.s32 s12, $0x9E00  }
.Ltmp0:
0x1d: {  	_ = 	snop;
	(pc) =	sbr.rel @p0 .LBB2_2-.Ltmp0, $2  }
0x1e: {  	_ =	sdelay $0x2  }
0x1f: {  	s12 =	sadd.s32 $0x200, s12;
	[tilespmem:v1+s7+$0x0] =	vst.idx.add.f32.msk $0xffff, v0  }
0x20: {  	s11 =	sadd.s32 $0x1, s11  }
0x21: {  	p0 =	sne.s32 s11, s6  }
.Ltmp1:
0x22: {  	_ = 	snop;
	(pc) =	sbr.rel @p0 .LBB2_1-.Ltmp1, $4  }
0x23: {  	[hbm4b:s5+s9] =	stream.strided.scatter [tilespmem:s7], [sflag:$0x1], $0x2800, s10, s9, $0x38;
	[tilespmem:$0x5000] =	vst v63  }
0x24: {  	_ =	swait.ge [sflag:s8], $0x2800  }
0x25: {  	[sflag:s8] =	ssyncset.done $0x0  }
0x26: {  	[sflag:s8] =	ssyncadd.s32 $0xFFFFD800  }
0x27: {  	_ =	sfence.sel $0x180000  }
0x28: {  	[bflag:$0x0] =	sbarrier.arrive $0xFFFF  }
0x29: {  	p0 =	sne.s32 s0, $0x0;
	_ =	strace $0x9000004A  }
0x2a: {  	s0 =	sadd.s32 @!p0 $0x100000, s1;
	[bflag:$0x2] =	sbarrier.arrive $0xFFFF  }
0x2b: {  	[sflag:s0] =	ssyncadd.tile.s32 @!p0 $0x1;
	_ =	shalt  }
.Lfunc_end2:
_tile_overlayer_lowered:
.L_overlay_start_2:
0x2c: {  	(tag) =	ssettag $0x2  }
0x2d: {  	s0 =	rddreg [dreg:$0x0];
	s2 =	stileid.u32  }
0x2e: {  	s1 =	rddreg [dreg:$0x1];
	p0 =	sne.s32 s2, $0x0  }
0x2f: {  	s3 =	rddreg [dreg:$0x2];
	[bflag:$0x3] =	sbarrier.arrive $0xFFFF;
	s2 =	simm.s32 @!p0 $0x1C01  }
0x30: {  	[timem:s3], [sflag:s2] =	dma.local @!p0 [hbm:s0], s1  }
0x31: {  	s0 =	simm.s32 @!p0 $0x1  }
0x32: {  	_ =	swait.ge @!p0 [sflag:s0], s1  }
0x33: {  	s1 =	ssub.s32 @!p0 $0x0, s1;
	[sflag:s0] =	ssyncset.done @!p0 $0x0  }
0x34: {  	[sflag:s0] =	ssyncadd.s32 @!p0 s1  }
0x35: {  	[bflag:$0x3] =	sbarrier.arrive $0xFFFF  }
0x36: {  	_ =	shalt  }

</sc_bundles>
